<compile_context>
chip_gen: v7x
topology: tpu7x:2x2x1
jax: 0.10.2.dev20260603
libtpu: 0.0.44.dev20260713+nightly
codegen_flags: <defaults>
</compile_context>

<pallas_src>
import functools

import jax
import jax.numpy as jnp
from jax import lax
from jax.experimental import pallas as pl
from jax.experimental.pallas import tpu as pltpu
from jax.experimental.pallas import tpu_sc as plsc

N_NODES = 10000
D_FEAT = 128
OUT_DIM = 64
N_EDGES = 320000

NC, NS = 2, 16
NW = NC * NS
CHUNK = 120
TOT_CHUNKS = 2688
E_PAD = TOT_CHUNKS * CHUNK
EPW = E_PAD // NW
N_PAD = 10240
RPT = N_PAD // NS
N_CHUNKS = EPW // CHUNK
CH0 = 132
CH1 = TOT_CHUNKS // NS - CH0

_MESH = plsc.VectorSubcoreMesh(core_axis_name="c", subcore_axis_name="s")


def _make_spmm(d):

    @functools.partial(
        pl.kernel,
        out_type=jax.ShapeDtypeStruct((NC, N_PAD, d), jnp.float32),
        mesh=_MESH,
        scratch_types=[
            pltpu.VMEM((2, CHUNK), jnp.int32),
            pltpu.VMEM((2, CHUNK), jnp.int32),
            pltpu.VMEM((2, CHUNK), jnp.int32),
            pltpu.VMEM((CHUNK, d), jnp.float32),
            pltpu.VMEM((CHUNK, d), jnp.float32),
            pltpu.VMEM((CHUNK, d), jnp.float32),
            pltpu.VMEM_SHARED((N_PAD, d), jnp.float32),
            pltpu.SemaphoreType.DMA,
            pltpu.SemaphoreType.DMA,
            pltpu.SemaphoreType.DMA,
            pltpu.SemaphoreType.DMA,
            pltpu.SemaphoreType.DMA,
            pltpu.SemaphoreType.DMA,
        ],
    )
    def spmm(rows_hbm, edges_hbm, zeros_hbm, out_hbm,
             e0, e1, e2, buf0, buf1, buf2, agg, g0, g1, g2, i0, i1, i2):
        c = lax.axis_index("c")
        s = lax.axis_index("s")
        r0 = s * RPT
        es = (e0, e1, e2)
        bufs = (buf0, buf1, buf2)
        gs = (g0, g1, g2)
        isems = (i0, i1, i2)
        pltpu.sync_copy(zeros_hbm.at[pl.ds(r0, RPT)], agg.at[pl.ds(r0, RPT)])
        plsc.subcore_barrier()

        base = jnp.where(c == 0, s * CH0, NS * CH0 + s * CH1)
        base = jnp.minimum(base, TOT_CHUNKS - 3)
        iters = jnp.where(c == 0, CH0 // 3, CH1 // 3)
        last = base + 3 * iters - 1
        last = jnp.maximum(last, base + 2)

        for k in range(3):
            pltpu.async_copy(edges_hbm.at[base + k], es[k], isems[k])
        for k in range(3):
            pltpu.make_async_copy(edges_hbm.at[base], es[k], isems[k]).wait()
            pltpu.async_copy(rows_hbm.at[es[k].at[0]], bufs[k], gs[k])

        def body(i, carry):
            cb = base + 3 * i
            for k in range(3):
                pltpu.make_async_copy(
                    rows_hbm.at[es[k].at[0]], bufs[k], gs[k]).wait()
                pltpu.sync_copy(bufs[k], agg.at[es[k].at[1]], add=True)
                cn = jnp.minimum(cb + k + 3, last)
                pltpu.async_copy(edges_hbm.at[cn], es[k], isems[k])
                pltpu.make_async_copy(edges_hbm.at[base], es[k], isems[k]).wait()
                pltpu.async_copy(rows_hbm.at[es[k].at[0]], bufs[k], gs[k])
            return carry

        lax.fori_loop(0, iters, body, 0)
        for k in range(3):
            pltpu.make_async_copy(rows_hbm.at[es[k].at[0]], bufs[k], gs[k]).wait()
        plsc.subcore_barrier()
        pltpu.sync_copy(agg.at[pl.ds(r0, RPT)], out_hbm.at[c, pl.ds(r0, RPT)])

    return spmm


_spmm128 = _make_spmm(D_FEAT)


@functools.partial(
    pl.kernel,
    out_type=jax.ShapeDtypeStruct((NC, N_PAD, D_FEAT), jnp.float32),
    mesh=_MESH,
    scratch_types=[
        pltpu.VMEM((CHUNK,), jnp.int32),
        pltpu.VMEM((CHUNK,), jnp.int32),
        pltpu.VMEM((CHUNK, D_FEAT), jnp.float32),
        pltpu.VMEM_SHARED((N_PAD, D_FEAT), jnp.float32),
        pltpu.SemaphoreType.DMA,
        pltpu.SemaphoreType.DMA,
    ],
)
def _deg_kernel(dst_hbm, ones_hbm, zeros_hbm, out_hbm,
                idx0, idx1, ones_v, agg, i0, i1):
    c = lax.axis_index("c")
    s = lax.axis_index("s")
    wid = s * NC + c
    r0 = s * RPT
    base0 = wid * EPW
    last = base0 + (N_CHUNKS - 1) * CHUNK
    pltpu.sync_copy(ones_hbm, ones_v)
    pltpu.sync_copy(zeros_hbm.at[pl.ds(r0, RPT)], agg.at[pl.ds(r0, RPT)])
    plsc.subcore_barrier()

    pltpu.async_copy(dst_hbm.at[pl.ds(base0, CHUNK)], idx0, i0)

    def body(j, carry):
        b0 = base0 + 2 * j * CHUNK
        pltpu.async_copy(dst_hbm.at[pl.ds(b0 + CHUNK, CHUNK)], idx1, i1)
        pltpu.make_async_copy(dst_hbm.at[pl.ds(base0, CHUNK)], idx0, i0).wait()
        pltpu.sync_copy(ones_v, agg.at[idx0], add=True)
        b2 = jnp.minimum(b0 + 2 * CHUNK, last)
        pltpu.async_copy(dst_hbm.at[pl.ds(b2, CHUNK)], idx0, i0)
        pltpu.make_async_copy(dst_hbm.at[pl.ds(base0, CHUNK)], idx1, i1).wait()
        pltpu.sync_copy(ones_v, agg.at[idx1], add=True)
        return carry

    lax.fori_loop(0, N_CHUNKS // 2, body, 0)
    pltpu.make_async_copy(dst_hbm.at[pl.ds(base0, CHUNK)], idx0, i0).wait()
    plsc.subcore_barrier()
    pltpu.sync_copy(agg.at[pl.ds(r0, RPT)], out_hbm.at[c, pl.ds(r0, RPT)])


_BM = 1000


def _tc_first(degA, degB, x, W1):

    def body(da, db, xb, w, hw_ref, dis_ref):
        deg = da[:, :1] + db[:, :1] + 1.0
        dis = lax.rsqrt(jnp.maximum(deg, 1.0))
        hw = jnp.dot(xb[...], w[...], preferred_element_type=jnp.float32)
        hw_ref[...] = dis * hw
        dis_ref[...] = dis

    return pl.pallas_call(
        body,
        grid=(N_NODES // _BM,),
        in_specs=[
            pl.BlockSpec((_BM, D_FEAT), lambda i: (i, 0)),
            pl.BlockSpec((_BM, D_FEAT), lambda i: (i, 0)),
            pl.BlockSpec((_BM, D_FEAT), lambda i: (i, 0)),
            pl.BlockSpec((D_FEAT, D_FEAT), lambda i: (0, 0)),
        ],
        out_specs=[
            pl.BlockSpec((_BM, D_FEAT), lambda i: (i, 0)),
            pl.BlockSpec((_BM, 1), lambda i: (i, 0)),
        ],
        out_shape=[
            jax.ShapeDtypeStruct((N_NODES, D_FEAT), jnp.float32),
            jax.ShapeDtypeStruct((N_NODES, 1), jnp.float32),
        ],
    )(degA, degB, x, W1)


def _tc_mid(pA, pB, hwp, dis, W, d_out):

    def body(pa, pb, hw, ds, w, out_ref):
        h = jnp.maximum(ds[...] * (pa[...] + pb[...] + hw[...]), 0.0)
        out_ref[...] = ds[...] * jnp.dot(
            h, w[...], preferred_element_type=jnp.float32)

    d_in = hwp.shape[1]
    return pl.pallas_call(
        body,
        grid=(N_NODES // _BM,),
        in_specs=[
            pl.BlockSpec((_BM, d_in), lambda i: (i, 0)),
            pl.BlockSpec((_BM, d_in), lambda i: (i, 0)),
            pl.BlockSpec((_BM, d_in), lambda i: (i, 0)),
            pl.BlockSpec((_BM, 1), lambda i: (i, 0)),
            pl.BlockSpec((d_in, d_out), lambda i: (0, 0)),
        ],
        out_specs=pl.BlockSpec((_BM, d_out), lambda i: (i, 0)),
        out_shape=jax.ShapeDtypeStruct((N_NODES, d_out), jnp.float32),
    )(pA, pB, hwp, dis, W)


def _tc_final(pA, pB, hwp, dis):

    def body(pa, pb, hw, ds, out_ref):
        out_ref[...] = ds[...] * (
            pa[:, :OUT_DIM] + pb[:, :OUT_DIM] + hw[:, :OUT_DIM])

    return pl.pallas_call(
        body,
        grid=(N_NODES // _BM,),
        in_specs=[
            pl.BlockSpec((_BM, D_FEAT), lambda i: (i, 0)),
            pl.BlockSpec((_BM, D_FEAT), lambda i: (i, 0)),
            pl.BlockSpec((_BM, D_FEAT), lambda i: (i, 0)),
            pl.BlockSpec((_BM, 1), lambda i: (i, 0)),
        ],
        out_specs=pl.BlockSpec((_BM, OUT_DIM), lambda i: (i, 0)),
        out_shape=jax.ShapeDtypeStruct((N_NODES, OUT_DIM), jnp.float32),
    )(pA, pB, hwp, dis)


def kernel(x, edge_index, W1, W2, W3):
    src = edge_index[0].astype(jnp.int32)
    dst = edge_index[1].astype(jnp.int32)
    pad = E_PAD - N_EDGES
    srcp = jnp.concatenate([src, jnp.zeros((pad,), jnp.int32)])
    dstp = jnp.concatenate([dst, jnp.full((pad,), N_NODES, jnp.int32)])
    edges3 = jnp.stack(
        [srcp.reshape(TOT_CHUNKS, CHUNK), dstp.reshape(TOT_CHUNKS, CHUNK)],
        axis=1)
    zeros128 = jnp.zeros((N_PAD, D_FEAT), jnp.float32)
    ones128 = jnp.ones((CHUNK, D_FEAT), jnp.float32)
    W3p = jnp.pad(W3, ((0, 0), (0, D_FEAT - OUT_DIM)))

    degP = _deg_kernel(dstp, ones128, zeros128)
    hw1, dis = _tc_first(degP[0], degP[1], x, W1)
    P1 = _spmm128(hw1, edges3, zeros128)
    hw2 = _tc_mid(P1[0], P1[1], hw1, dis, W2, D_FEAT)
    P2 = _spmm128(hw2, edges3, zeros128)
    hw3 = _tc_mid(P2[0], P2[1], hw2, dis, W3p, D_FEAT)
    P3 = _spmm128(hw3, edges3, zeros128)
    return _tc_final(P3[0], P3[1], hw3, dis)

# --- scband reference (transcript-rebuilt; emitter-appended) ---
"""Pipeline reference for scband-gcn-67044439491227 (READ-ONLY COPY).

The authoritative reference and input builder live on the scoring server;
editing this copy changes nothing except your own understanding.
"""

import jax, jax.numpy as jnp
import numpy as np

N_NODES = 10000
N_EDGES = 320000
D_FEAT = 128
HIDDEN = [128, 128]
OUT_DIM = 64


def setup_inputs(seed: int = 0) -> dict:
    key = jax.random.key(seed)
    k1, k2, k3, k4, k5 = jax.random.split(key, 5)
    x = jax.random.normal(k1, (N_NODES, D_FEAT), dtype=jnp.float32)
    edge_index = jax.random.randint(k2, (2, N_EDGES), 0, N_NODES, dtype=jnp.int64)
    # Glorot-style init for layer weights (GraphConvolution vars)
    def glorot(k, shape):
        lim = np.sqrt(6.0 / (shape[0] + shape[1]))
        return jax.random.uniform(k, shape, dtype=jnp.float32, minval=-lim, maxval=lim)
    W1 = glorot(k3, (D_FEAT, HIDDEN[0]))
    W2 = glorot(k4, (HIDDEN[0], HIDDEN[1]))
    W3 = glorot(k5, (HIDDEN[1], OUT_DIM))
    return {"x": x, "edge_index": edge_index, "W1": W1, "W2": W2, "W3": W3}


def reference(x, edge_index, W1, W2, W3):
    N = x.shape[0]
    # Add self-loops (A_hat = A + I), symmetric normalization D^-1/2 A_hat D^-1/2
    loops = jnp.arange(N, dtype=edge_index.dtype)
    src = jnp.concatenate([edge_index[0], loops])
    dst = jnp.concatenate([edge_index[1], loops])
    deg = jnp.zeros((N,), dtype=jnp.float32).at[dst].add(1.0)
    deg_inv_sqrt = 1.0 / jnp.sqrt(jnp.maximum(deg, 1.0))
    norm = deg_inv_sqrt[src] * deg_inv_sqrt[dst]

    def gcn_layer(h, W, act):
        hw = h @ W                      # dense XW
        msg = hw[src] * norm[:, None]   # gather + scale
        agg = jnp.zeros_like(hw).at[dst].add(msg)  # scatter-add (spmm)
        return act(agg)

    h = gcn_layer(x, W1, jax.nn.relu)
    h = gcn_layer(h, W2, jax.nn.relu)
    out = gcn_layer(h, W3, lambda z: z)  # final layer: identity activation
    return out

if __name__ == "__main__":
    import jax
    _d = setup_inputs()
    print(jax.jit(kernel)(*tuple(_d.values())))

</pallas_src>

<mosaic_0001>
#map = affine_map<(d0, d1) -> (0)>
#map1 = affine_map<(d0, d1) -> (0, 0)>
#map2 = affine_map<(d0, d1) -> (0, 0, 0)>
module attributes {stable_mosaic.version = 14 : i64} {
  func.func @_deg_kernel(%arg0: i32, %arg1: i32, %arg2: memref<322560xi32, #tpu.memory_space<hbm>>, %arg3: memref<120x128xf32, #tpu.memory_space<hbm>>, %arg4: memref<10240x128xf32, #tpu.memory_space<hbm>>, %arg5: memref<2x10240x128xf32, #tpu.memory_space<hbm>>, %arg6: memref<120xi32, #tpu.memory_space<vmem>>, %arg7: memref<120xi32, #tpu.memory_space<vmem>>, %arg8: memref<120x128xf32, #tpu.memory_space<vmem>>, %arg9: memref<10240x128xf32, #tpu.memory_space<vmem_shared>>, %arg10: memref<!tpu.dma_semaphore, #tpu.memory_space<semaphore_mem>>, %arg11: memref<!tpu.dma_semaphore, #tpu.memory_space<semaphore_mem>>) attributes {dimension_semantics = [#tpu.dimension_semantics<core_parallel>, #tpu.dimension_semantics<subcore_parallel>], iteration_bounds = array<i64: 2, 16>, scalar_prefetch = 0 : i64, scratch_operands = 6 : i64, tpu.core_type = #tpu.core_type<sc_vector_subcore>, window_params = [{transform_indices = #map}, {transform_indices = #map1}, {transform_indices = #map1}, {transform_indices = #map2}]} {
    %mul3A = arith.constant 2 : i32
    %mul3A_0 = arith.muli %arg1, %mul3A : i32
    %add3A = arith.addi %mul3A_0, %arg0 : i32
    %mul3A_1 = arith.constant 640 : i32
    %mul3A_2 = arith.muli %arg1, %mul3A_1 : i32
    %mul3A_3 = arith.constant 10080 : i32
    %mul3A_4 = arith.muli %add3A, %mul3A_3 : i32
    %add3A_5 = arith.constant 9960 : i32
    %add3A_6 = arith.addi %mul3A_4, %add3A_5 : i32
    "tpu.region"() ({
      %run_scoped3A = tpu.sem_alloc : memref<!tpu.dma_semaphore, #tpu.memory_space<semaphore_mem>>
      tpu.enqueue_dma source(%arg3 : memref<120x128xf32, #tpu.memory_space<hbm>>) target(%arg8 : memref<120x128xf32, #tpu.memory_space<vmem>>) target_semaphore(%run_scoped3A : memref<!tpu.dma_semaphore, #tpu.memory_space<semaphore_mem>>)
      tpu.wait_dma2 semaphore(%run_scoped3A : memref<!tpu.dma_semaphore, #tpu.memory_space<semaphore_mem>>) src(%arg3 : memref<120x128xf32, #tpu.memory_space<hbm>>) dst(%arg8 : memref<120x128xf32, #tpu.memory_space<vmem>>)
      tpu.yield
    }) : () -> ()
    "tpu.region"() ({
      %run_scoped3A = tpu.sem_alloc : memref<!tpu.dma_semaphore, #tpu.memory_space<semaphore_mem>>
      %dma_start3A_15 = arith.constant 0 : i32
      %dma_start3A_16 = tpu.memref_slice %arg9[%mul3A_2, %dma_start3A_15] : memref<10240x128xf32, #tpu.memory_space<vmem_shared>> -> memref<640x128xf32, #tpu.memory_space<vmem_shared>>
      %dma_start3A_17 = arith.constant 0 : i32
      %dma_start3A_18 = tpu.memref_slice %arg4[%mul3A_2, %dma_start3A_17] : memref<10240x128xf32, #tpu.memory_space<hbm>> -> memref<640x128xf32, #tpu.memory_space<hbm>>
      tpu.enqueue_dma source(%dma_start3A_18 : memref<640x128xf32, #tpu.memory_space<hbm>>) target(%dma_start3A_16 : memref<640x128xf32, #tpu.memory_space<vmem_shared>>) target_semaphore(%run_scoped3A : memref<!tpu.dma_semaphore, #tpu.memory_space<semaphore_mem>>)
      %dma_wait3A_19 = arith.constant 0 : i32
      %dma_wait3A_20 = tpu.memref_slice %arg9[%mul3A_2, %dma_wait3A_19] : memref<10240x128xf32, #tpu.memory_space<vmem_shared>> -> memref<640x128xf32, #tpu.memory_space<vmem_shared>>
      %dma_wait3A_21 = arith.constant 0 : i32
      %dma_wait3A_22 = tpu.memref_slice %arg4[%mul3A_2, %dma_wait3A_21] : memref<10240x128xf32, #tpu.memory_space<hbm>> -> memref<640x128xf32, #tpu.memory_space<hbm>>
      tpu.wait_dma2 semaphore(%run_scoped3A : memref<!tpu.dma_semaphore, #tpu.memory_space<semaphore_mem>>) src(%dma_wait3A_22 : memref<640x128xf32, #tpu.memory_space<hbm>>) dst(%dma_wait3A_20 : memref<640x128xf32, #tpu.memory_space<vmem_shared>>)
      tpu.yield
    }) : () -> ()
    %barrier3A = arith.constant 0 : index
    tpu.barrier barrier_id(%barrier3A)
    %dma_start3A = tpu.memref_slice %arg2[%mul3A_4] : memref<322560xi32, #tpu.memory_space<hbm>> -> memref<120xi32, #tpu.memory_space<hbm>>
    %dma_start3A_7 = tpu.memref_slice %arg2[%mul3A_4] : memref<322560xi32, #tpu.memory_space<hbm>> -> memref<120xi32, #tpu.memory_space<hbm>>
    tpu.enqueue_dma source(%dma_start3A_7 : memref<120xi32, #tpu.memory_space<hbm>>) target(%arg6 : memref<120xi32, #tpu.memory_space<vmem>>) target_semaphore(%arg10 : memref<!tpu.dma_semaphore, #tpu.memory_space<semaphore_mem>>)
    %scan3A = arith.constant 0 : i32
    %scan3A_8 = arith.constant 0 : i32
    %scan3A_9 = arith.constant 42 : i32
    %scan3A_10 = arith.addi %scan3A_8, %scan3A_9 : i32
    %scan3A_11 = arith.constant 1 : i32
    scf.for %scan3A_15 = %scan3A_8 to %scan3A_10 step %scan3A_11  : i32 {
      %mul3A_16 = arith.constant 2 : i32
      %mul3A_17 = arith.muli %mul3A_16, %scan3A_15 : i32
      %mul3A_18 = arith.constant 120 : i32
      %mul3A_19 = arith.muli %mul3A_17, %mul3A_18 : i32
      %add3A_20 = arith.addi %mul3A_4, %mul3A_19 : i32
      %add3A_21 = arith.constant 120 : i32
      %add3A_22 = arith.addi %add3A_20, %add3A_21 : i32
      %dma_start3A_23 = tpu.memref_slice %arg2[%add3A_22] : memref<322560xi32, #tpu.memory_space<hbm>> -> memref<120xi32, #tpu.memory_space<hbm>>
      %dma_start3A_24 = tpu.memref_slice %arg2[%add3A_22] : memref<322560xi32, #tpu.memory_space<hbm>> -> memref<120xi32, #tpu.memory_space<hbm>>
      tpu.enqueue_dma source(%dma_start3A_24 : memref<120xi32, #tpu.memory_space<hbm>>) target(%arg7 : memref<120xi32, #tpu.memory_space<vmem>>) target_semaphore(%arg11 : memref<!tpu.dma_semaphore, #tpu.memory_space<semaphore_mem>>)
      %dma_wait3A_25 = tpu.memref_slice %arg2[%mul3A_4] : memref<322560xi32, #tpu.memory_space<hbm>> -> memref<120xi32, #tpu.memory_space<hbm>>
      %dma_wait3A_26 = tpu.memref_slice %arg2[%mul3A_4] : memref<322560xi32, #tpu.memory_space<hbm>> -> memref<120xi32, #tpu.memory_space<hbm>>
      tpu.wait_dma2 semaphore(%arg10 : memref<!tpu.dma_semaphore, #tpu.memory_space<semaphore_mem>>) src(%dma_wait3A_26 : memref<120xi32, #tpu.memory_space<hbm>>) dst(%arg6 : memref<120xi32, #tpu.memory_space<vmem>>)
      "tpu.region"() ({
        %run_scoped3A = tpu.sem_alloc : memref<!tpu.dma_semaphore, #tpu.memory_space<semaphore_mem>>
        %dma_start3A_33 = arith.constant 0 : i32
        %dma_start3A_34 = arith.constant 0 : i32
        %dma_start3A_35 = tpu.memref_slice %arg9[%dma_start3A_33, %dma_start3A_34] : memref<10240x128xf32, #tpu.memory_space<vmem_shared>> -> memref<10240x128xf32, #tpu.memory_space<vmem_shared>>
        tpu.enqueue_indirect_dma source(%arg8 : memref<120x128xf32, #tpu.memory_space<vmem>>) target(%dma_start3A_35 : memref<10240x128xf32, #tpu.memory_space<vmem_shared>>) offsets(%arg6 : memref<120xi32, #tpu.memory_space<vmem>>) semaphore(%run_scoped3A : memref<!tpu.dma_semaphore, #tpu.memory_space<semaphore_mem>>) {add = true}
        %dma_wait3A_36 = arith.constant 0 : i32
        %dma_wait3A_37 = arith.constant 0 : i32
        %dma_wait3A_38 = tpu.memref_slice %arg9[%dma_wait3A_36, %dma_wait3A_37] : memref<10240x128xf32, #tpu.memory_space<vmem_shared>> -> memref<10240x128xf32, #tpu.memory_space<vmem_shared>>
        tpu.wait_indirect_dma semaphore(%run_scoped3A : memref<!tpu.dma_semaphore, #tpu.memory_space<semaphore_mem>>) src(%arg8 : memref<120x128xf32, #tpu.memory_space<vmem>>) dst(%dma_wait3A_38 : memref<10240x128xf32, #tpu.memory_space<vmem_shared>>)
        tpu.yield
      }) : () -> ()
      %add3A_27 = arith.constant 240 : i32
      %add3A_28 = arith.addi %add3A_20, %add3A_27 : i32
      %min3A = arith.minsi %add3A_28, %add3A_6 : i32
      %dma_start3A_29 = tpu.memref_slice %arg2[%min3A] : memref<322560xi32, #tpu.memory_space<hbm>> -> memref<120xi32, #tpu.memory_space<hbm>>
      %dma_start3A_30 = tpu.memref_slice %arg2[%min3A] : memref<322560xi32, #tpu.memory_space<hbm>> -> memref<120xi32, #tpu.memory_space<hbm>>
      tpu.enqueue_dma source(%dma_start3A_30 : memref<120xi32, #tpu.memory_space<hbm>>) target(%arg6 : memref<120xi32, #tpu.memory_space<vmem>>) target_semaphore(%arg10 : memref<!tpu.dma_semaphore, #tpu.memory_space<semaphore_mem>>)
      %dma_wait3A_31 = tpu.memref_slice %arg2[%mul3A_4] : memref<322560xi32, #tpu.memory_space<hbm>> -> memref<120xi32, #tpu.memory_space<hbm>>
      %dma_wait3A_32 = tpu.memref_slice %arg2[%mul3A_4] : memref<322560xi32, #tpu.memory_space<hbm>> -> memref<120xi32, #tpu.memory_space<hbm>>
      tpu.wait_dma2 semaphore(%arg11 : memref<!tpu.dma_semaphore, #tpu.memory_space<semaphore_mem>>) src(%dma_wait3A_32 : memref<120xi32, #tpu.memory_space<hbm>>) dst(%arg7 : memref<120xi32, #tpu.memory_space<vmem>>)
      "tpu.region"() ({
        %run_scoped3A = tpu.sem_alloc : memref<!tpu.dma_semaphore, #tpu.memory_space<semaphore_mem>>
        %dma_start3A_33 = arith.constant 0 : i32
        %dma_start3A_34 = arith.constant 0 : i32
        %dma_start3A_35 = tpu.memref_slice %arg9[%dma_start3A_33, %dma_start3A_34] : memref<10240x128xf32, #tpu.memory_space<vmem_shared>> -> memref<10240x128xf32, #tpu.memory_space<vmem_shared>>
        tpu.enqueue_indirect_dma source(%arg8 : memref<120x128xf32, #tpu.memory_space<vmem>>) target(%dma_start3A_35 : memref<10240x128xf32, #tpu.memory_space<vmem_shared>>) offsets(%arg7 : memref<120xi32, #tpu.memory_space<vmem>>) semaphore(%run_scoped3A : memref<!tpu.dma_semaphore, #tpu.memory_space<semaphore_mem>>) {add = true}
        %dma_wait3A_36 = arith.constant 0 : i32
        %dma_wait3A_37 = arith.constant 0 : i32
        %dma_wait3A_38 = tpu.memref_slice %arg9[%dma_wait3A_36, %dma_wait3A_37] : memref<10240x128xf32, #tpu.memory_space<vmem_shared>> -> memref<10240x128xf32, #tpu.memory_space<vmem_shared>>
        tpu.wait_indirect_dma semaphore(%run_scoped3A : memref<!tpu.dma_semaphore, #tpu.memory_space<semaphore_mem>>) src(%arg8 : memref<120x128xf32, #tpu.memory_space<vmem>>) dst(%dma_wait3A_38 : memref<10240x128xf32, #tpu.memory_space<vmem_shared>>)
        tpu.yield
      }) : () -> ()
    }
    %scan3A_12 = arith.constant 42 : i32
    %dma_wait3A = tpu.memref_slice %arg2[%mul3A_4] : memref<322560xi32, #tpu.memory_space<hbm>> -> memref<120xi32, #tpu.memory_space<hbm>>
    %dma_wait3A_13 = tpu.memref_slice %arg2[%mul3A_4] : memref<322560xi32, #tpu.memory_space<hbm>> -> memref<120xi32, #tpu.memory_space<hbm>>
    tpu.wait_dma2 semaphore(%arg10 : memref<!tpu.dma_semaphore, #tpu.memory_space<semaphore_mem>>) src(%dma_wait3A_13 : memref<120xi32, #tpu.memory_space<hbm>>) dst(%arg6 : memref<120xi32, #tpu.memory_space<vmem>>)
    %barrier3A_14 = arith.constant 0 : index
    tpu.barrier barrier_id(%barrier3A_14)
    "tpu.region"() ({
      %run_scoped3A = tpu.sem_alloc : memref<!tpu.dma_semaphore, #tpu.memory_space<semaphore_mem>>
      %dma_start3A_15 = arith.constant 0 : i32
      %dma_start3A_16 = tpu.memref_slice %arg5[%arg0, %mul3A_2, %dma_start3A_15] : memref<2x10240x128xf32, #tpu.memory_space<hbm>> -> memref<1x640x128xf32, #tpu.memory_space<hbm>>
      %dma_start3A_17 = tpu.memref_squeeze %dma_start3A_16 : memref<1x640x128xf32, #tpu.memory_space<hbm>> -> memref<640x128xf32, #tpu.memory_space<hbm>>
      %dma_start3A_18 = arith.constant 0 : i32
      %dma_start3A_19 = tpu.memref_slice %arg9[%mul3A_2, %dma_start3A_18] : memref<10240x128xf32, #tpu.memory_space<vmem_shared>> -> memref<640x128xf32, #tpu.memory_space<vmem_shared>>
      tpu.enqueue_dma source(%dma_start3A_19 : memref<640x128xf32, #tpu.memory_space<vmem_shared>>) target(%dma_start3A_17 : memref<640x128xf32, #tpu.memory_space<hbm>>) target_semaphore(%run_scoped3A : memref<!tpu.dma_semaphore, #tpu.memory_space<semaphore_mem>>)
      %dma_wait3A_20 = arith.constant 0 : i32
      %dma_wait3A_21 = tpu.memref_slice %arg5[%arg0, %mul3A_2, %dma_wait3A_20] : memref<2x10240x128xf32, #tpu.memory_space<hbm>> -> memref<1x640x128xf32, #tpu.memory_space<hbm>>
      %dma_wait3A_22 = tpu.memref_squeeze %dma_wait3A_21 : memref<1x640x128xf32, #tpu.memory_space<hbm>> -> memref<640x128xf32, #tpu.memory_space<hbm>>
      %dma_wait3A_23 = arith.constant 0 : i32
      %dma_wait3A_24 = tpu.memref_slice %arg9[%mul3A_2, %dma_wait3A_23] : memref<10240x128xf32, #tpu.memory_space<vmem_shared>> -> memref<640x128xf32, #tpu.memory_space<vmem_shared>>
      tpu.wait_dma2 semaphore(%run_scoped3A : memref<!tpu.dma_semaphore, #tpu.memory_space<semaphore_mem>>) src(%dma_wait3A_24 : memref<640x128xf32, #tpu.memory_space<vmem_shared>>) dst(%dma_wait3A_22 : memref<640x128xf32, #tpu.memory_space<hbm>>)
      tpu.yield
    }) : () -> ()
    return
  }
}

#map = affine_map<(d0, d1) -> (0, 0)>
#map1 = affine_map<(d0, d1) -> (0, 0, 0)>
module attributes {stable_mosaic.version = 14 : i64} {
  func.func @spmm(%arg0: i32, %arg1: i32, %arg2: memref<10000x128xf32, #tpu.memory_space<hbm>>, %arg3: memref<2688x2x120xi32, #tpu.memory_space<hbm>>, %arg4: memref<10240x128xf32, #tpu.memory_space<hbm>>, %arg5: memref<2x10240x128xf32, #tpu.memory_space<hbm>>, %arg6: memref<2x120xi32, #tpu.memory_space<vmem>>, %arg7: memref<2x120xi32, #tpu.memory_space<vmem>>, %arg8: memref<2x120xi32, #tpu.memory_space<vmem>>, %arg9: memref<120x128xf32, #tpu.memory_space<vmem>>, %arg10: memref<120x128xf32, #tpu.memory_space<vmem>>, %arg11: memref<120x128xf32, #tpu.memory_space<vmem>>, %arg12: memref<10240x128xf32, #tpu.memory_space<vmem_shared>>, %arg13: memref<!tpu.dma_semaphore, #tpu.memory_space<semaphore_mem>>, %arg14: memref<!tpu.dma_semaphore, #tpu.memory_space<semaphore_mem>>, %arg15: memref<!tpu.dma_semaphore, #tpu.memory_space<semaphore_mem>>, %arg16: memref<!tpu.dma_semaphore, #tpu.memory_space<semaphore_mem>>, %arg17: memref<!tpu.dma_semaphore, #tpu.memory_space<semaphore_mem>>, %arg18: memref<!tpu.dma_semaphore, #tpu.memory_space<semaphore_mem>>) attributes {dimension_semantics = [#tpu.dimension_semantics<core_parallel>, #tpu.dimension_semantics<subcore_parallel>], iteration_bounds = array<i64: 2, 16>, scalar_prefetch = 0 : i64, scratch_operands = 13 : i64, tpu.core_type = #tpu.core_type<sc_vector_subcore>, window_params = [{transform_indices = #map}, {transform_indices = #map1}, {transform_indices = #map}, {transform_indices = #map1}]} {
    %mul3A = arith.constant 640 : i32
    %mul3A_0 = arith.muli %arg1, %mul3A : i32
    "tpu.region"() ({
      %run_scoped3A = tpu.sem_alloc : memref<!tpu.dma_semaphore, #tpu.memory_space<semaphore_mem>>
      %dma_start3A_122 = arith.constant 0 : i32
      %dma_start3A_123 = tpu.memref_slice %arg12[%mul3A_0, %dma_start3A_122] : memref<10240x128xf32, #tpu.memory_space<vmem_shared>> -> memref<640x128xf32, #tpu.memory_space<vmem_shared>>
      %dma_start3A_124 = arith.constant 0 : i32
      %dma_start3A_125 = tpu.memref_slice %arg4[%mul3A_0, %dma_start3A_124] : memref<10240x128xf32, #tpu.memory_space<hbm>> -> memref<640x128xf32, #tpu.memory_space<hbm>>
      tpu.enqueue_dma source(%dma_start3A_125 : memref<640x128xf32, #tpu.memory_space<hbm>>) target(%dma_start3A_123 : memref<640x128xf32, #tpu.memory_space<vmem_shared>>) target_semaphore(%run_scoped3A : memref<!tpu.dma_semaphore, #tpu.memory_space<semaphore_mem>>)
      %dma_wait3A_126 = arith.constant 0 : i32
      %dma_wait3A_127 = tpu.memref_slice %arg12[%mul3A_0, %dma_wait3A_126] : memref<10240x128xf32, #tpu.memory_space<vmem_shared>> -> memref<640x128xf32, #tpu.memory_space<vmem_shared>>
      %dma_wait3A_128 = arith.constant 0 : i32
      %dma_wait3A_129 = tpu.memref_slice %arg4[%mul3A_0, %dma_wait3A_128] : memref<10240x128xf32, #tpu.memory_space<hbm>> -> memref<640x128xf32, #tpu.memory_space<hbm>>
      tpu.wait_dma2 semaphore(%run_scoped3A : memref<!tpu.dma_semaphore, #tpu.memory_space<semaphore_mem>>) src(%dma_wait3A_129 : memref<640x128xf32, #tpu.memory_space<hbm>>) dst(%dma_wait3A_127 : memref<640x128xf32, #tpu.memory_space<vmem_shared>>)
      tpu.yield
    }) : () -> ()
    %barrier3A = arith.constant 0 : index
    tpu.barrier barrier_id(%barrier3A)
    %eq3A = arith.constant 0 : i32
    %eq3A_1 = arith.cmpi eq, %arg0, %eq3A : i32
    %mul3A_2 = arith.constant 132 : i32
    %mul3A_3 = arith.muli %arg1, %mul3A_2 : i32
    %mul3A_4 = arith.constant 36 : i32
    %mul3A_5 = arith.muli %arg1, %mul3A_4 : i32
    %add3A = arith.constant 2112 : i32
    %add3A_6 = arith.addi %add3A, %mul3A_5 : i32
    %select_n3A = arith.select %eq3A_1, %mul3A_3, %add3A_6 : i32
    %min3A = arith.constant 2685 : i32
    %min3A_7 = arith.minsi %select_n3A, %min3A : i32
    %eq3A_8 = arith.constant 0 : i32
    %eq3A_9 = arith.cmpi eq, %arg0, %eq3A_8 : i32
    %jit3A = arith.constant 44 : i32
    %jit3A_10 = arith.constant 12 : i32
    %select_n3A_11 = arith.select %eq3A_9, %jit3A, %jit3A_10 : i32
    %mul3A_12 = arith.constant 3 : i32
    %mul3A_13 = arith.muli %mul3A_12, %select_n3A_11 : i32
    %add3A_14 = arith.addi %min3A_7, %mul3A_13 : i32
    %sub3A = arith.constant 1 : i32
    %sub3A_15 = arith.subi %add3A_14, %sub3A : i32
    %add3A_16 = arith.constant 2 : i32
    %add3A_17 = arith.addi %min3A_7, %add3A_16 : i32
    %max3A = arith.maxsi %sub3A_15, %add3A_17 : i32
    %add3A_18 = arith.constant 0 : i32
    %add3A_19 = arith.addi %min3A_7, %add3A_18 : i32
    %dma_start3A = arith.constant 0 : i32
    %dma_start3A_20 = arith.constant 0 : i32
    %dma_start3A_21 = tpu.memref_slice %arg3[%add3A_19, %dma_start3A, %dma_start3A_20] : memref<2688x2x120xi32, #tpu.memory_space<hbm>> -> memref<1x2x120xi32, #tpu.memory_space<hbm>>
    %dma_start3A_22 = tpu.memref_squeeze %dma_start3A_21 : memref<1x2x120xi32, #tpu.memory_space<hbm>> -> memref<2x120xi32, #tpu.memory_space<hbm>>
    %dma_start3A_23 = arith.constant 0 : i32
    %dma_start3A_24 = arith.constant 0 : i32
    %dma_start3A_25 = tpu.memref_slice %arg3[%add3A_19, %dma_start3A_23, %dma_start3A_24] : memref<2688x2x120xi32, #tpu.memory_space<hbm>> -> memref<1x2x120xi32, #tpu.memory_space<hbm>>
    %dma_start3A_26 = tpu.memref_squeeze %dma_start3A_25 : memref<1x2x120xi32, #tpu.memory_space<hbm>> -> memref<2x120xi32, #tpu.memory_space<hbm>>
    tpu.enqueue_dma source(%dma_start3A_26 : memref<2x120xi32, #tpu.memory_space<hbm>>) target(%arg6 : memref<2x120xi32, #tpu.memory_space<vmem>>) target_semaphore(%arg16 : memref<!tpu.dma_semaphore, #tpu.memory_space<semaphore_mem>>)
    %add3A_27 = arith.constant 1 : i32
    %add3A_28 = arith.addi %min3A_7, %add3A_27 : i32
    %dma_start3A_29 = arith.constant 0 : i32
    %dma_start3A_30 = arith.constant 0 : i32
    %dma_start3A_31 = tpu.memref_slice %arg3[%add3A_28, %dma_start3A_29, %dma_start3A_30] : memref<2688x2x120xi32, #tpu.memory_space<hbm>> -> memref<1x2x120xi32, #tpu.memory_space<hbm>>
    %dma_start3A_32 = tpu.memref_squeeze %dma_start3A_31 : memref<1x2x120xi32, #tpu.memory_space<hbm>> -> memref<2x120xi32, #tpu.memory_space<hbm>>
    %dma_start3A_33 = arith.constant 0 : i32
    %dma_start3A_34 = arith.constant 0 : i32
    %dma_start3A_35 = tpu.memref_slice %arg3[%add3A_28, %dma_start3A_33, %dma_start3A_34] : memref<2688x2x120xi32, #tpu.memory_space<hbm>> -> memref<1x2x120xi32, #tpu.memory_space<hbm>>
    %dma_start3A_36 = tpu.memref_squeeze %dma_start3A_35 : memref<1x2x120xi32, #tpu.memory_space<hbm>> -> memref<2x120xi32, #tpu.memory_space<hbm>>
    tpu.enqueue_dma source(%dma_start3A_36 : memref<2x120xi32, #tpu.memory_space<hbm>>) target(%arg7 : memref<2x120xi32, #tpu.memory_space<vmem>>) target_semaphore(%arg17 : memref<!tpu.dma_semaphore, #tpu.memory_space<semaphore_mem>>)
    %add3A_37 = arith.constant 2 : i32
    %add3A_38 = arith.addi %min3A_7, %add3A_37 : i32
    %dma_start3A_39 = arith.constant 0 : i32
    %dma_start3A_40 = arith.constant 0 : i32
    %dma_start3A_41 = tpu.memref_slice %arg3[%add3A_38, %dma_start3A_39, %dma_start3A_40] : memref<2688x2x120xi32, #tpu.memory_space<hbm>> -> memref<1x2x120xi32, #tpu.memory_space<hbm>>
    %dma_start3A_42 = tpu.memref_squeeze %dma_start3A_41 : memref<1x2x120xi32, #tpu.memory_space<hbm>> -> memref<2x120xi32, #tpu.memory_space<hbm>>
    %dma_start3A_43 = arith.constant 0 : i32
    %dma_start3A_44 = arith.constant 0 : i32
    %dma_start3A_45 = tpu.memref_slice %arg3[%add3A_38, %dma_start3A_43, %dma_start3A_44] : memref<2688x2x120xi32, #tpu.memory_space<hbm>> -> memref<1x2x120xi32, #tpu.memory_space<hbm>>
    %dma_start3A_46 = tpu.memref_squeeze %dma_start3A_45 : memref<1x2x120xi32, #tpu.memory_space<hbm>> -> memref<2x120xi32, #tpu.memory_space<hbm>>
    tpu.enqueue_dma source(%dma_start3A_46 : memref<2x120xi32, #tpu.memory_space<hbm>>) target(%arg8 : memref<2x120xi32, #tpu.memory_space<vmem>>) target_semaphore(%arg18 : memref<!tpu.dma_semaphore, #tpu.memory_space<semaphore_mem>>)
    %dma_wait3A = arith.constant 0 : i32
    %dma_wait3A_47 = arith.constant 0 : i32
    %dma_wait3A_48 = tpu.memref_slice %arg3[%min3A_7, %dma_wait3A, %dma_wait3A_47] : memref<2688x2x120xi32, #tpu.memory_space<hbm>> -> memref<1x2x120xi32, #tpu.memory_space<hbm>>
    %dma_wait3A_49 = tpu.memref_squeeze %dma_wait3A_48 : memref<1x2x120xi32, #tpu.memory_space<hbm>> -> memref<2x120xi32, #tpu.memory_space<hbm>>
    %dma_wait3A_50 = arith.constant 0 : i32
    %dma_wait3A_51 = arith.constant 0 : i32
    %dma_wait3A_52 = tpu.memref_slice %arg3[%min3A_7, %dma_wait3A_50, %dma_wait3A_51] : memref<2688x2x120xi32, #tpu.memory_space<hbm>> -> memref<1x2x120xi32, #tpu.memory_space<hbm>>
    %dma_wait3A_53 = tpu.memref_squeeze %dma_wait3A_52 : memref<1x2x120xi32, #tpu.memory_space<hbm>> -> memref<2x120xi32, #tpu.memory_space<hbm>>
    tpu.wait_dma2 semaphore(%arg16 : memref<!tpu.dma_semaphore, #tpu.memory_space<semaphore_mem>>) src(%dma_wait3A_53 : memref<2x120xi32, #tpu.memory_space<hbm>>) dst(%arg6 : memref<2x120xi32, #tpu.memory_space<vmem>>)
    %dma_start3A_54 = arith.constant 0 : i32
    %dma_start3A_55 = arith.constant 0 : i32
    %dma_start3A_56 = tpu.memref_slice %arg6[%dma_start3A_54, %dma_start3A_55] : memref<2x120xi32, #tpu.memory_space<vmem>> -> memref<1x120xi32, #tpu.memory_space<vmem>>
    %dma_start3A_57 = tpu.memref_squeeze %dma_start3A_56 : memref<1x120xi32, #tpu.memory_space<vmem>> -> memref<120xi32, #tpu.memory_space<vmem>>
    %dma_start3A_58 = arith.constant 0 : i32
    %dma_start3A_59 = arith.constant 0 : i32
    %dma_start3A_60 = tpu.memref_slice %arg2[%dma_start3A_58, %dma_start3A_59] : memref<10000x128xf32, #tpu.memory_space<hbm>> -> memref<10000x128xf32, #tpu.memory_space<hbm>>
    tpu.enqueue_indirect_dma source(%dma_start3A_60 : memref<10000x128xf32, #tpu.memory_space<hbm>>) target(%arg9 : memref<120x128xf32, #tpu.memory_space<vmem>>) offsets(%dma_start3A_57 : memref<120xi32, #tpu.memory_space<vmem>>) semaphore(%arg13 : memref<!tpu.dma_semaphore, #tpu.memory_space<semaphore_mem>>)
    %dma_wait3A_61 = arith.constant 0 : i32
    %dma_wait3A_62 = arith.constant 0 : i32
    %dma_wait3A_63 = tpu.memref_slice %arg3[%min3A_7, %dma_wait3A_61, %dma_wait3A_62] : memref<2688x2x120xi32, #tpu.memory_space<hbm>> -> memref<1x2x120xi32, #tpu.memory_space<hbm>>
    %dma_wait3A_64 = tpu.memref_squeeze %dma_wait3A_63 : memref<1x2x120xi32, #tpu.memory_space<hbm>> -> memref<2x120xi32, #tpu.memory_space<hbm>>
    %dma_wait3A_65 = arith.constant 0 : i32
    %dma_wait3A_66 = arith.constant 0 : i32
    %dma_wait3A_67 = tpu.memref_slice %arg3[%min3A_7, %dma_wait3A_65, %dma_wait3A_66] : memref<2688x2x120xi32, #tpu.memory_space<hbm>> -> memref<1x2x120xi32, #tpu.memory_space<hbm>>
    %dma_wait3A_68 = tpu.memref_squeeze %dma_wait3A_67 : memref<1x2x120xi32, #tpu.memory_space<hbm>> -> memref<2x120xi32, #tpu.memory_space<hbm>>
    tpu.wait_dma2 semaphore(%arg17 : memref<!tpu.dma_semaphore, #tpu.memory_space<semaphore_mem>>) src(%dma_wait3A_68 : memref<2x120xi32, #tpu.memory_space<hbm>>) dst(%arg7 : memref<2x120xi32, #tpu.memory_space<vmem>>)
    %dma_start3A_69 = arith.constant 0 : i32
    %dma_start3A_70 = arith.constant 0 : i32
    %dma_start3A_71 = tpu.memref_slice %arg7[%dma_start3A_69, %dma_start3A_70] : memref<2x120xi32, #tpu.memory_space<vmem>> -> memref<1x120xi32, #tpu.memory_space<vmem>>
    %dma_start3A_72 = tpu.memref_squeeze %dma_start3A_71 : memref<1x120xi32, #tpu.memory_space<vmem>> -> memref<120xi32, #tpu.memory_space<vmem>>
    %dma_start3A_73 = arith.constant 0 : i32
    %dma_start3A_74 = arith.constant 0 : i32
    %dma_start3A_75 = tpu.memref_slice %arg2[%dma_start3A_73, %dma_start3A_74] : memref<10000x128xf32, #tpu.memory_space<hbm>> -> memref<10000x128xf32, #tpu.memory_space<hbm>>
    tpu.enqueue_indirect_dma source(%dma_start3A_75 : memref<10000x128xf32, #tpu.memory_space<hbm>>) target(%arg10 : memref<120x128xf32, #tpu.memory_space<vmem>>) offsets(%dma_start3A_72 : memref<120xi32, #tpu.memory_space<vmem>>) semaphore(%arg14 : memref<!tpu.dma_semaphore, #tpu.memory_space<semaphore_mem>>)
    %dma_wait3A_76 = arith.constant 0 : i32
    %dma_wait3A_77 = arith.constant 0 : i32
    %dma_wait3A_78 = tpu.memref_slice %arg3[%min3A_7, %dma_wait3A_76, %dma_wait3A_77] : memref<2688x2x120xi32, #tpu.memory_space<hbm>> -> memref<1x2x120xi32, #tpu.memory_space<hbm>>
    %dma_wait3A_79 = tpu.memref_squeeze %dma_wait3A_78 : memref<1x2x120xi32, #tpu.memory_space<hbm>> -> memref<2x120xi32, #tpu.memory_space<hbm>>
    %dma_wait3A_80 = arith.constant 0 : i32
    %dma_wait3A_81 = arith.constant 0 : i32
    %dma_wait3A_82 = tpu.memref_slice %arg3[%min3A_7, %dma_wait3A_80, %dma_wait3A_81] : memref<2688x2x120xi32, #tpu.memory_space<hbm>> -> memref<1x2x120xi32, #tpu.memory_space<hbm>>
    %dma_wait3A_83 = tpu.memref_squeeze %dma_wait3A_82 : memref<1x2x120xi32, #tpu.memory_space<hbm>> -> memref<2x120xi32, #tpu.memory_space<hbm>>
    tpu.wait_dma2 semaphore(%arg18 : memref<!tpu.dma_semaphore, #tpu.memory_space<semaphore_mem>>) src(%dma_wait3A_83 : memref<2x120xi32, #tpu.memory_space<hbm>>) dst(%arg8 : memref<2x120xi32, #tpu.memory_space<vmem>>)
    %dma_start3A_84 = arith.constant 0 : i32
    %dma_start3A_85 = arith.constant 0 : i32
    %dma_start3A_86 = tpu.memref_slice %arg8[%dma_start3A_84, %dma_start3A_85] : memref<2x120xi32, #tpu.memory_space<vmem>> -> memref<1x120xi32, #tpu.memory_space<vmem>>
    %dma_start3A_87 = tpu.memref_squeeze %dma_start3A_86 : memref<1x120xi32, #tpu.memory_space<vmem>> -> memref<120xi32, #tpu.memory_space<vmem>>
    %dma_start3A_88 = arith.constant 0 : i32
    %dma_start3A_89 = arith.constant 0 : i32
    %dma_start3A_90 = tpu.memref_slice %arg2[%dma_start3A_88, %dma_start3A_89] : memref<10000x128xf32, #tpu.memory_space<hbm>> -> memref<10000x128xf32, #tpu.memory_space<hbm>>
    tpu.enqueue_indirect_dma source(%dma_start3A_90 : memref<10000x128xf32, #tpu.memory_space<hbm>>) target(%arg11 : memref<120x128xf32, #tpu.memory_space<vmem>>) offsets(%dma_start3A_87 : memref<120xi32, #tpu.memory_space<vmem>>) semaphore(%arg15 : memref<!tpu.dma_semaphore, #tpu.memory_space<semaphore_mem>>)
    %while3A = arith.constant 0 : i32
    %while3A_91 = arith.constant 0 : i32
    %while3A_92 = arith.subi %select_n3A_11, %while3A_91 : i32
    %while3A_93 = arith.addi %while3A_91, %while3A_92 : i32
    %while3A_94 = arith.constant 1 : i32
    %while3A_95 = arith.divsi %while3A_92, %while3A_94 : i32
    %while3A_96 = arith.muli %while3A_95, %while3A_94 : i32
    %while3A_97 = arith.addi %while3A_91, %while3A_96 : i32
    %while3A_98 = arith.constant 1 : i32
    scf.for %while3A_122 = %while3A_91 to %while3A_97 step %while3A_98  : i32 {
      %mul3A_123 = arith.constant 3 : i32
      %mul3A_124 = arith.muli %mul3A_123, %while3A_122 : i32
      %add3A_125 = arith.addi %min3A_7, %mul3A_124 : i32
      %dma_wait3A_126 = arith.constant 0 : i32
      %dma_wait3A_127 = arith.constant 0 : i32
      %dma_wait3A_128 = tpu.memref_slice %arg6[%dma_wait3A_126, %dma_wait3A_127] : memref<2x120xi32, #tpu.memory_space<vmem>> -> memref<1x120xi32, #tpu.memory_space<vmem>>
      %dma_wait3A_129 = tpu.memref_squeeze %dma_wait3A_128 : memref<1x120xi32, #tpu.memory_space<vmem>> -> memref<120xi32, #tpu.memory_space<vmem>>
      %dma_wait3A_130 = arith.constant 0 : i32
      %dma_wait3A_131 = arith.constant 0 : i32
      %dma_wait3A_132 = tpu.memref_slice %arg2[%dma_wait3A_130, %dma_wait3A_131] : memref<10000x128xf32, #tpu.memory_space<hbm>> -> memref<10000x128xf32, #tpu.memory_space<hbm>>
      tpu.wait_indirect_dma semaphore(%arg13 : memref<!tpu.dma_semaphore, #tpu.memory_space<semaphore_mem>>) src(%dma_wait3A_132 : memref<10000x128xf32, #tpu.memory_space<hbm>>) dst(%arg9 : memref<120x128xf32, #tpu.memory_space<vmem>>)
      %run_scoped3A = arith.constant 1 : i32
      "tpu.region"() ({
        %run_scoped3A_233 = tpu.sem_alloc : memref<!tpu.dma_semaphore, #tpu.memory_space<semaphore_mem>>
        %dma_start3A_234 = arith.constant 0 : i32
        %dma_start3A_235 = tpu.memref_slice %arg6[%run_scoped3A, %dma_start3A_234] : memref<2x120xi32, #tpu.memory_space<vmem>> -> memref<1x120xi32, #tpu.memory_space<vmem>>
        %dma_start3A_236 = tpu.memref_squeeze %dma_start3A_235 : memref<1x120xi32, #tpu.memory_space<vmem>> -> memref<120xi32, #tpu.memory_space<vmem>>
        %dma_start3A_237 = arith.constant 0 : i32
        %dma_start3A_238 = arith.constant 0 : i32
        %dma_start3A_239 = tpu.memref_slice %arg12[%dma_start3A_237, %dma_start3A_238] : memref<10240x128xf32, #tpu.memory_space<vmem_shared>> -> memref<10240x128xf32, #tpu.memory_space<vmem_shared>>
        tpu.enqueue_indirect_dma source(%arg9 : memref<120x128xf32, #tpu.memory_space<vmem>>) target(%dma_start3A_239 : memref<10240x128xf32, #tpu.memory_space<vmem_shared>>) offsets(%dma_start3A_236 : memref<120xi32, #tpu.memory_space<vmem>>) semaphore(%run_scoped3A_233 : memref<!tpu.dma_semaphore, #tpu.memory_space<semaphore_mem>>) {add = true}
        %dma_wait3A_240 = arith.constant 0 : i32
        %dma_wait3A_241 = tpu.memref_slice %arg6[%run_scoped3A, %dma_wait3A_240] : memref<2x120xi32, #tpu.memory_space<vmem>> -> memref<1x120xi32, #tpu.memory_space<vmem>>
        %dma_wait3A_242 = tpu.memref_squeeze %dma_wait3A_241 : memref<1x120xi32, #tpu.memory_space<vmem>> -> memref<120xi32, #tpu.memory_space<vmem>>
        %dma_wait3A_243 = arith.constant 0 : i32
        %dma_wait3A_244 = arith.constant 0 : i32
        %dma_wait3A_245 = tpu.memref_slice %arg12[%dma_wait3A_243, %dma_wait3A_244] : memref<10240x128xf32, #tpu.memory_space<vmem_shared>> -> memref<10240x128xf32, #tpu.memory_space<vmem_shared>>
        tpu.wait_indirect_dma semaphore(%run_scoped3A_233 : memref<!tpu.dma_semaphore, #tpu.memory_space<semaphore_mem>>) src(%arg9 : memref<120x128xf32, #tpu.memory_space<vmem>>) dst(%dma_wait3A_245 : memref<10240x128xf32, #tpu.memory_space<vmem_shared>>)
        tpu.yield
      }) : () -> ()
      %add3A_133 = arith.constant 0 : i32
      %add3A_134 = arith.addi %add3A_125, %add3A_133 : i32
      %add3A_135 = arith.constant 3 : i32
      %add3A_136 = arith.addi %add3A_134, %add3A_135 : i32
      %min3A_137 = arith.minsi %add3A_136, %max3A : i32
      %dma_start3A_138 = arith.constant 0 : i32
      %dma_start3A_139 = arith.constant 0 : i32
      %dma_start3A_140 = tpu.memref_slice %arg3[%min3A_137, %dma_start3A_138, %dma_start3A_139] : memref<2688x2x120xi32, #tpu.memory_space<hbm>> -> memref<1x2x120xi32, #tpu.memory_space<hbm>>
      %dma_start3A_141 = tpu.memref_squeeze %dma_start3A_140 : memref<1x2x120xi32, #tpu.memory_space<hbm>> -> memref<2x120xi32, #tpu.memory_space<hbm>>
      %dma_start3A_142 = arith.constant 0 : i32
      %dma_start3A_143 = arith.constant 0 : i32
      %dma_start3A_144 = tpu.memref_slice %arg3[%min3A_137, %dma_start3A_142, %dma_start3A_143] : memref<2688x2x120xi32, #tpu.memory_space<hbm>> -> memref<1x2x120xi32, #tpu.memory_space<hbm>>
      %dma_start3A_145 = tpu.memref_squeeze %dma_start3A_144 : memref<1x2x120xi32, #tpu.memory_space<hbm>> -> memref<2x120xi32, #tpu.memory_space<hbm>>
      tpu.enqueue_dma source(%dma_start3A_145 : memref<2x120xi32, #tpu.memory_space<hbm>>) target(%arg6 : memref<2x120xi32, #tpu.memory_space<vmem>>) target_semaphore(%arg16 : memref<!tpu.dma_semaphore, #tpu.memory_space<semaphore_mem>>)
      %dma_wait3A_146 = arith.constant 0 : i32
      %dma_wait3A_147 = arith.constant 0 : i32
      %dma_wait3A_148 = tpu.memref_slice %arg3[%min3A_7, %dma_wait3A_146, %dma_wait3A_147] : memref<2688x2x120xi32, #tpu.memory_space<hbm>> -> memref<1x2x120xi32, #tpu.memory_space<hbm>>
      %dma_wait3A_149 = tpu.memref_squeeze %dma_wait3A_148 : memref<1x2x120xi32, #tpu.memory_space<hbm>> -> memref<2x120xi32, #tpu.memory_space<hbm>>
      %dma_wait3A_150 = arith.constant 0 : i32
      %dma_wait3A_151 = arith.constant 0 : i32
      %dma_wait3A_152 = tpu.memref_slice %arg3[%min3A_7, %dma_wait3A_150, %dma_wait3A_151] : memref<2688x2x120xi32, #tpu.memory_space<hbm>> -> memref<1x2x120xi32, #tpu.memory_space<hbm>>
      %dma_wait3A_153 = tpu.memref_squeeze %dma_wait3A_152 : memref<1x2x120xi32, #tpu.memory_space<hbm>> -> memref<2x120xi32, #tpu.memory_space<hbm>>
      tpu.wait_dma2 semaphore(%arg16 : memref<!tpu.dma_semaphore, #tpu.memory_space<semaphore_mem>>) src(%dma_wait3A_153 : memref<2x120xi32, #tpu.memory_space<hbm>>) dst(%arg6 : memref<2x120xi32, #tpu.memory_space<vmem>>)
      %dma_start3A_154 = arith.constant 0 : i32
      %dma_start3A_155 = arith.constant 0 : i32
      %dma_start3A_156 = tpu.memref_slice %arg6[%dma_start3A_154, %dma_start3A_155] : memref<2x120xi32, #tpu.memory_space<vmem>> -> memref<1x120xi32, #tpu.memory_space<vmem>>
      %dma_start3A_157 = tpu.memref_squeeze %dma_start3A_156 : memref<1x120xi32, #tpu.memory_space<vmem>> -> memref<120xi32, #tpu.memory_space<vmem>>
      %dma_start3A_158 = arith.constant 0 : i32
      %dma_start3A_159 = arith.constant 0 : i32
      %dma_start3A_160 = tpu.memref_slice %arg2[%dma_start3A_158, %dma_start3A_159] : memref<10000x128xf32, #tpu.memory_space<hbm>> -> memref<10000x128xf32, #tpu.memory_space<hbm>>
      tpu.enqueue_indirect_dma source(%dma_start3A_160 : memref<10000x128xf32, #tpu.memory_space<hbm>>) target(%arg9 : memref<120x128xf32, #tpu.memory_space<vmem>>) offsets(%dma_start3A_157 : memref<120xi32, #tpu.memory_space<vmem>>) semaphore(%arg13 : memref<!tpu.dma_semaphore, #tpu.memory_space<semaphore_mem>>)
      %dma_wait3A_161 = arith.constant 0 : i32
      %dma_wait3A_162 = arith.constant 0 : i32
      %dma_wait3A_163 = tpu.memref_slice %arg7[%dma_wait3A_161, %dma_wait3A_162] : memref<2x120xi32, #tpu.memory_space<vmem>> -> memref<1x120xi32, #tpu.memory_space<vmem>>
      %dma_wait3A_164 = tpu.memref_squeeze %dma_wait3A_163 : memref<1x120xi32, #tpu.memory_space<vmem>> -> memref<120xi32, #tpu.memory_space<vmem>>
      %dma_wait3A_165 = arith.constant 0 : i32
      %dma_wait3A_166 = arith.constant 0 : i32
      %dma_wait3A_167 = tpu.memref_slice %arg2[%dma_wait3A_165, %dma_wait3A_166] : memref<10000x128xf32, #tpu.memory_space<hbm>> -> memref<10000x128xf32, #tpu.memory_space<hbm>>
      tpu.wait_indirect_dma semaphore(%arg14 : memref<!tpu.dma_semaphore, #tpu.memory_space<semaphore_mem>>) src(%dma_wait3A_167 : memref<10000x128xf32, #tpu.memory_space<hbm>>) dst(%arg10 : memref<120x128xf32, #tpu.memory_space<vmem>>)
      %run_scoped3A_168 = arith.constant 1 : i32
      "tpu.region"() ({
        %run_scoped3A_233 = tpu.sem_alloc : memref<!tpu.dma_semaphore, #tpu.memory_space<semaphore_mem>>
        %dma_start3A_234 = arith.constant 0 : i32
        %dma_start3A_235 = tpu.memref_slice %arg7[%run_scoped3A_168, %dma_start3A_234] : memref<2x120xi32, #tpu.memory_space<vmem>> -> memref<1x120xi32, #tpu.memory_space<vmem>>
        %dma_start3A_236 = tpu.memref_squeeze %dma_start3A_235 : memref<1x120xi32, #tpu.memory_space<vmem>> -> memref<120xi32, #tpu.memory_space<vmem>>
        %dma_start3A_237 = arith.constant 0 : i32
        %dma_start3A_238 = arith.constant 0 : i32
        %dma_start3A_239 = tpu.memref_slice %arg12[%dma_start3A_237, %dma_start3A_238] : memref<10240x128xf32, #tpu.memory_space<vmem_shared>> -> memref<10240x128xf32, #tpu.memory_space<vmem_shared>>
        tpu.enqueue_indirect_dma source(%arg10 : memref<120x128xf32, #tpu.memory_space<vmem>>) target(%dma_start3A_239 : memref<10240x128xf32, #tpu.memory_space<vmem_shared>>) offsets(%dma_start3A_236 : memref<120xi32, #tpu.memory_space<vmem>>) semaphore(%run_scoped3A_233 : memref<!tpu.dma_semaphore, #tpu.memory_space<semaphore_mem>>) {add = true}
        %dma_wait3A_240 = arith.constant 0 : i32
        %dma_wait3A_241 = tpu.memref_slice %arg7[%run_scoped3A_168, %dma_wait3A_240] : memref<2x120xi32, #tpu.memory_space<vmem>> -> memref<1x120xi32, #tpu.memory_space<vmem>>
        %dma_wait3A_242 = tpu.memref_squeeze %dma_wait3A_241 : memref<1x120xi32, #tpu.memory_space<vmem>> -> memref<120xi32, #tpu.memory_space<vmem>>
        %dma_wait3A_243 = arith.constant 0 : i32
        %dma_wait3A_244 = arith.constant 0 : i32
        %dma_wait3A_245 = tpu.memref_slice %arg12[%dma_wait3A_243, %dma_wait3A_244] : memref<10240x128xf32, #tpu.memory_space<vmem_shared>> -> memref<10240x128xf32, #tpu.memory_space<vmem_shared>>
        tpu.wait_indirect_dma semaphore(%run_scoped3A_233 : memref<!tpu.dma_semaphore, #tpu.memory_space<semaphore_mem>>) src(%arg10 : memref<120x128xf32, #tpu.memory_space<vmem>>) dst(%dma_wait3A_245 : memref<10240x128xf32, #tpu.memory_space<vmem_shared>>)
        tpu.yield
      }) : () -> ()
      %add3A_169 = arith.constant 1 : i32
      %add3A_170 = arith.addi %add3A_125, %add3A_169 : i32
      %add3A_171 = arith.constant 3 : i32
      %add3A_172 = arith.addi %add3A_170, %add3A_171 : i32
      %min3A_173 = arith.minsi %add3A_172, %max3A : i32
      %dma_start3A_174 = arith.constant 0 : i32
      %dma_start3A_175 = arith.constant 0 : i32
      %dma_start3A_176 = tpu.memref_slice %arg3[%min3A_173, %dma_start3A_174, %dma_start3A_175] : memref<2688x2x120xi32, #tpu.memory_space<hbm>> -> memref<1x2x120xi32, #tpu.memory_space<hbm>>
      %dma_start3A_177 = tpu.memref_squeeze %dma_start3A_176 : memref<1x2x120xi32, #tpu.memory_space<hbm>> -> memref<2x120xi32, #tpu.memory_space<hbm>>
      %dma_start3A_178 = arith.constant 0 : i32
      %dma_start3A_179 = arith.constant 0 : i32
      %dma_start3A_180 = tpu.memref_slice %arg3[%min3A_173, %dma_start3A_178, %dma_start3A_179] : memref<2688x2x120xi32, #tpu.memory_space<hbm>> -> memref<1x2x120xi32, #tpu.memory_space<hbm>>
      %dma_start3A_181 = tpu.memref_squeeze %dma_start3A_180 : memref<1x2x120xi32, #tpu.memory_space<hbm>> -> memref<2x120xi32, #tpu.memory_space<hbm>>
      tpu.enqueue_dma source(%dma_start3A_181 : memref<2x120xi32, #tpu.memory_space<hbm>>) target(%arg7 : memref<2x120xi32, #tpu.memory_space<vmem>>) target_semaphore(%arg17 : memref<!tpu.dma_semaphore, #tpu.memory_space<semaphore_mem>>)
      %dma_wait3A_182 = arith.constant 0 : i32
      %dma_wait3A_183 = arith.constant 0 : i32
      %dma_wait3A_184 = tpu.memref_slice %arg3[%min3A_7, %dma_wait3A_182, %dma_wait3A_183] : memref<2688x2x120xi32, #tpu.memory_space<hbm>> -> memref<1x2x120xi32, #tpu.memory_space<hbm>>
      %dma_wait3A_185 = tpu.memref_squeeze %dma_wait3A_184 : memref<1x2x120xi32, #tpu.memory_space<hbm>> -> memref<2x120xi32, #tpu.memory_space<hbm>>
      %dma_wait3A_186 = arith.constant 0 : i32
      %dma_wait3A_187 = arith.constant 0 : i32
      %dma_wait3A_188 = tpu.memref_slice %arg3[%min3A_7, %dma_wait3A_186, %dma_wait3A_187] : memref<2688x2x120xi32, #tpu.memory_space<hbm>> -> memref<1x2x120xi32, #tpu.memory_space<hbm>>
      %dma_wait3A_189 = tpu.memref_squeeze %dma_wait3A_188 : memref<1x2x120xi32, #tpu.memory_space<hbm>> -> memref<2x120xi32, #tpu.memory_space<hbm>>
      tpu.wait_dma2 semaphore(%arg17 : memref<!tpu.dma_semaphore, #tpu.memory_space<semaphore_mem>>) src(%dma_wait3A_189 : memref<2x120xi32, #tpu.memory_space<hbm>>) dst(%arg7 : memref<2x120xi32, #tpu.memory_space<vmem>>)
      %dma_start3A_190 = arith.constant 0 : i32
      %dma_start3A_191 = arith.constant 0 : i32
      %dma_start3A_192 = tpu.memref_slice %arg7[%dma_start3A_190, %dma_start3A_191] : memref<2x120xi32, #tpu.memory_space<vmem>> -> memref<1x120xi32, #tpu.memory_space<vmem>>
      %dma_start3A_193 = tpu.memref_squeeze %dma_start3A_192 : memref<1x120xi32, #tpu.memory_space<vmem>> -> memref<120xi32, #tpu.memory_space<vmem>>
      %dma_start3A_194 = arith.constant 0 : i32
      %dma_start3A_195 = arith.constant 0 : i32
      %dma_start3A_196 = tpu.memref_slice %arg2[%dma_start3A_194, %dma_start3A_195] : memref<10000x128xf32, #tpu.memory_space<hbm>> -> memref<10000x128xf32, #tpu.memory_space<hbm>>
      tpu.enqueue_indirect_dma source(%dma_start3A_196 : memref<10000x128xf32, #tpu.memory_space<hbm>>) target(%arg10 : memref<120x128xf32, #tpu.memory_space<vmem>>) offsets(%dma_start3A_193 : memref<120xi32, #tpu.memory_space<vmem>>) semaphore(%arg14 : memref<!tpu.dma_semaphore, #tpu.memory_space<semaphore_mem>>)
      %dma_wait3A_197 = arith.constant 0 : i32
      %dma_wait3A_198 = arith.constant 0 : i32
      %dma_wait3A_199 = tpu.memref_slice %arg8[%dma_wait3A_197, %dma_wait3A_198] : memref<2x120xi32, #tpu.memory_space<vmem>> -> memref<1x120xi32, #tpu.memory_space<vmem>>
      %dma_wait3A_200 = tpu.memref_squeeze %dma_wait3A_199 : memref<1x120xi32, #tpu.memory_space<vmem>> -> memref<120xi32, #tpu.memory_space<vmem>>
      %dma_wait3A_201 = arith.constant 0 : i32
      %dma_wait3A_202 = arith.constant 0 : i32
      %dma_wait3A_203 = tpu.memref_slice %arg2[%dma_wait3A_201, %dma_wait3A_202] : memref<10000x128xf32, #tpu.memory_space<hbm>> -> memref<10000x128xf32, #tpu.memory_space<hbm>>
      tpu.wait_indirect_dma semaphore(%arg15 : memref<!tpu.dma_semaphore, #tpu.memory_space<semaphore_mem>>) src(%dma_wait3A_203 : memref<10000x128xf32, #tpu.memory_space<hbm>>) dst(%arg11 : memref<120x128xf32, #tpu.memory_space<vmem>>)
      %run_scoped3A_204 = arith.constant 1 : i32
      "tpu.region"() ({
        %run_scoped3A_233 = tpu.sem_alloc : memref<!tpu.dma_semaphore, #tpu.memory_space<semaphore_mem>>
        %dma_start3A_234 = arith.constant 0 : i32
        %dma_start3A_235 = tpu.memref_slice %arg8[%run_scoped3A_204, %dma_start3A_234] : memref<2x120xi32, #tpu.memory_space<vmem>> -> memref<1x120xi32, #tpu.memory_space<vmem>>
        %dma_start3A_236 = tpu.memref_squeeze %dma_start3A_235 : memref<1x120xi32, #tpu.memory_space<vmem>> -> memref<120xi32, #tpu.memory_space<vmem>>
        %dma_start3A_237 = arith.constant 0 : i32
        %dma_start3A_238 = arith.constant 0 : i32
        %dma_start3A_239 = tpu.memref_slice %arg12[%dma_start3A_237, %dma_start3A_238] : memref<10240x128xf32, #tpu.memory_space<vmem_shared>> -> memref<10240x128xf32, #tpu.memory_space<vmem_shared>>
        tpu.enqueue_indirect_dma source(%arg11 : memref<120x128xf32, #tpu.memory_space<vmem>>) target(%dma_start3A_239 : memref<10240x128xf32, #tpu.memory_space<vmem_shared>>) offsets(%dma_start3A_236 : memref<120xi32, #tpu.memory_space<vmem>>) semaphore(%run_scoped3A_233 : memref<!tpu.dma_semaphore, #tpu.memory_space<semaphore_mem>>) {add = true}
        %dma_wait3A_240 = arith.constant 0 : i32
        %dma_wait3A_241 = tpu.memref_slice %arg8[%run_scoped3A_204, %dma_wait3A_240] : memref<2x120xi32, #tpu.memory_space<vmem>> -> memref<1x120xi32, #tpu.memory_space<vmem>>
        %dma_wait3A_242 = tpu.memref_squeeze %dma_wait3A_241 : memref<1x120xi32, #tpu.memory_space<vmem>> -> memref<120xi32, #tpu.memory_space<vmem>>
        %dma_wait3A_243 = arith.constant 0 : i32
        %dma_wait3A_244 = arith.constant 0 : i32
        %dma_wait3A_245 = tpu.memref_slice %arg12[%dma_wait3A_243, %dma_wait3A_244] : memref<10240x128xf32, #tpu.memory_space<vmem_shared>> -> memref<10240x128xf32, #tpu.memory_space<vmem_shared>>
        tpu.wait_indirect_dma semaphore(%run_scoped3A_233 : memref<!tpu.dma_semaphore, #tpu.memory_space<semaphore_mem>>) src(%arg11 : memref<120x128xf32, #tpu.memory_space<vmem>>) dst(%dma_wait3A_245 : memref<10240x128xf32, #tpu.memory_space<vmem_shared>>)
        tpu.yield
      }) : () -> ()
      %add3A_205 = arith.constant 2 : i32
      %add3A_206 = arith.addi %add3A_125, %add3A_205 : i32
      %add3A_207 = arith.constant 3 : i32
      %add3A_208 = arith.addi %add3A_206, %add3A_207 : i32
      %min3A_209 = arith.minsi %add3A_208, %max3A : i32
      %dma_start3A_210 = arith.constant 0 : i32
      %dma_start3A_211 = arith.constant 0 : i32
      %dma_start3A_212 = tpu.memref_slice %arg3[%min3A_209, %dma_start3A_210, %dma_start3A_211] : memref<2688x2x120xi32, #tpu.memory_space<hbm>> -> memref<1x2x120xi32, #tpu.memory_space<hbm>>
      %dma_start3A_213 = tpu.memref_squeeze %dma_start3A_212 : memref<1x2x120xi32, #tpu.memory_space<hbm>> -> memref<2x120xi32, #tpu.memory_space<hbm>>
      %dma_start3A_214 = arith.constant 0 : i32
      %dma_start3A_215 = arith.constant 0 : i32
      %dma_start3A_216 = tpu.memref_slice %arg3[%min3A_209, %dma_start3A_214, %dma_start3A_215] : memref<2688x2x120xi32, #tpu.memory_space<hbm>> -> memref<1x2x120xi32, #tpu.memory_space<hbm>>
      %dma_start3A_217 = tpu.memref_squeeze %dma_start3A_216 : memref<1x2x120xi32, #tpu.memory_space<hbm>> -> memref<2x120xi32, #tpu.memory_space<hbm>>
      tpu.enqueue_dma source(%dma_start3A_217 : memref<2x120xi32, #tpu.memory_space<hbm>>) target(%arg8 : memref<2x120xi32, #tpu.memory_space<vmem>>) target_semaphore(%arg18 : memref<!tpu.dma_semaphore, #tpu.memory_space<semaphore_mem>>)
      %dma_wait3A_218 = arith.constant 0 : i32
      %dma_wait3A_219 = arith.constant 0 : i32
      %dma_wait3A_220 = tpu.memref_slice %arg3[%min3A_7, %dma_wait3A_218, %dma_wait3A_219] : memref<2688x2x120xi32, #tpu.memory_space<hbm>> -> memref<1x2x120xi32, #tpu.memory_space<hbm>>
      %dma_wait3A_221 = tpu.memref_squeeze %dma_wait3A_220 : memref<1x2x120xi32, #tpu.memory_space<hbm>> -> memref<2x120xi32, #tpu.memory_space<hbm>>
      %dma_wait3A_222 = arith.constant 0 : i32
      %dma_wait3A_223 = arith.constant 0 : i32
      %dma_wait3A_224 = tpu.memref_slice %arg3[%min3A_7, %dma_wait3A_222, %dma_wait3A_223] : memref<2688x2x120xi32, #tpu.memory_space<hbm>> -> memref<1x2x120xi32, #tpu.memory_space<hbm>>
      %dma_wait3A_225 = tpu.memref_squeeze %dma_wait3A_224 : memref<1x2x120xi32, #tpu.memory_space<hbm>> -> memref<2x120xi32, #tpu.memory_space<hbm>>
      tpu.wait_dma2 semaphore(%arg18 : memref<!tpu.dma_semaphore, #tpu.memory_space<semaphore_mem>>) src(%dma_wait3A_225 : memref<2x120xi32, #tpu.memory_space<hbm>>) dst(%arg8 : memref<2x120xi32, #tpu.memory_space<vmem>>)
      %dma_start3A_226 = arith.constant 0 : i32
      %dma_start3A_227 = arith.constant 0 : i32
      %dma_start3A_228 = tpu.memref_slice %arg8[%dma_start3A_226, %dma_start3A_227] : memref<2x120xi32, #tpu.memory_space<vmem>> -> memref<1x120xi32, #tpu.memory_space<vmem>>
      %dma_start3A_229 = tpu.memref_squeeze %dma_start3A_228 : memref<1x120xi32, #tpu.memory_space<vmem>> -> memref<120xi32, #tpu.memory_space<vmem>>
      %dma_start3A_230 = arith.constant 0 : i32
      %dma_start3A_231 = arith.constant 0 : i32
      %dma_start3A_232 = tpu.memref_slice %arg2[%dma_start3A_230, %dma_start3A_231] : memref<10000x128xf32, #tpu.memory_space<hbm>> -> memref<10000x128xf32, #tpu.memory_space<hbm>>
      tpu.enqueue_indirect_dma source(%dma_start3A_232 : memref<10000x128xf32, #tpu.memory_space<hbm>>) target(%arg11 : memref<120x128xf32, #tpu.memory_space<vmem>>) offsets(%dma_start3A_229 : memref<120xi32, #tpu.memory_space<vmem>>) semaphore(%arg15 : memref<!tpu.dma_semaphore, #tpu.memory_space<semaphore_mem>>)
    }
    %while3A_99 = arith.constant 1 : i32
    scf.for %while3A_122 = %while3A_97 to %while3A_93 step %while3A_99  : i32 {
      %mul3A_123 = arith.constant 3 : i32
      %mul3A_124 = arith.muli %mul3A_123, %while3A_122 : i32
      %add3A_125 = arith.addi %min3A_7, %mul3A_124 : i32
      %dma_wait3A_126 = arith.constant 0 : i32
      %dma_wait3A_127 = arith.constant 0 : i32
      %dma_wait3A_128 = tpu.memref_slice %arg6[%dma_wait3A_126, %dma_wait3A_127] : memref<2x120xi32, #tpu.memory_space<vmem>> -> memref<1x120xi32, #tpu.memory_space<vmem>>
      %dma_wait3A_129 = tpu.memref_squeeze %dma_wait3A_128 : memref<1x120xi32, #tpu.memory_space<vmem>> -> memref<120xi32, #tpu.memory_space<vmem>>
      %dma_wait3A_130 = arith.constant 0 : i32
      %dma_wait3A_131 = arith.constant 0 : i32
      %dma_wait3A_132 = tpu.memref_slice %arg2[%dma_wait3A_130, %dma_wait3A_131] : memref<10000x128xf32, #tpu.memory_space<hbm>> -> memref<10000x128xf32, #tpu.memory_space<hbm>>
      tpu.wait_indirect_dma semaphore(%arg13 : memref<!tpu.dma_semaphore, #tpu.memory_space<semaphore_mem>>) src(%dma_wait3A_132 : memref<10000x128xf32, #tpu.memory_space<hbm>>) dst(%arg9 : memref<120x128xf32, #tpu.memory_space<vmem>>)
      %run_scoped3A = arith.constant 1 : i32
      "tpu.region"() ({
        %run_scoped3A_233 = tpu.sem_alloc : memref<!tpu.dma_semaphore, #tpu.memory_space<semaphore_mem>>
        %dma_start3A_234 = arith.constant 0 : i32
        %dma_start3A_235 = tpu.memref_slice %arg6[%run_scoped3A, %dma_start3A_234] : memref<2x120xi32, #tpu.memory_space<vmem>> -> memref<1x120xi32, #tpu.memory_space<vmem>>
        %dma_start3A_236 = tpu.memref_squeeze %dma_start3A_235 : memref<1x120xi32, #tpu.memory_space<vmem>> -> memref<120xi32, #tpu.memory_space<vmem>>
        %dma_start3A_237 = arith.constant 0 : i32
        %dma_start3A_238 = arith.constant 0 : i32
        %dma_start3A_239 = tpu.memref_slice %arg12[%dma_start3A_237, %dma_start3A_238] : memref<10240x128xf32, #tpu.memory_space<vmem_shared>> -> memref<10240x128xf32, #tpu.memory_space<vmem_shared>>
        tpu.enqueue_indirect_dma source(%arg9 : memref<120x128xf32, #tpu.memory_space<vmem>>) target(%dma_start3A_239 : memref<10240x128xf32, #tpu.memory_space<vmem_shared>>) offsets(%dma_start3A_236 : memref<120xi32, #tpu.memory_space<vmem>>) semaphore(%run_scoped3A_233 : memref<!tpu.dma_semaphore, #tpu.memory_space<semaphore_mem>>) {add = true}
        %dma_wait3A_240 = arith.constant 0 : i32
        %dma_wait3A_241 = tpu.memref_slice %arg6[%run_scoped3A, %dma_wait3A_240] : memref<2x120xi32, #tpu.memory_space<vmem>> -> memref<1x120xi32, #tpu.memory_space<vmem>>
        %dma_wait3A_242 = tpu.memref_squeeze %dma_wait3A_241 : memref<1x120xi32, #tpu.memory_space<vmem>> -> memref<120xi32, #tpu.memory_space<vmem>>
        %dma_wait3A_243 = arith.constant 0 : i32
        %dma_wait3A_244 = arith.constant 0 : i32
        %dma_wait3A_245 = tpu.memref_slice %arg12[%dma_wait3A_243, %dma_wait3A_244] : memref<10240x128xf32, #tpu.memory_space<vmem_shared>> -> memref<10240x128xf32, #tpu.memory_space<vmem_shared>>
        tpu.wait_indirect_dma semaphore(%run_scoped3A_233 : memref<!tpu.dma_semaphore, #tpu.memory_space<semaphore_mem>>) src(%arg9 : memref<120x128xf32, #tpu.memory_space<vmem>>) dst(%dma_wait3A_245 : memref<10240x128xf32, #tpu.memory_space<vmem_shared>>)
        tpu.yield
      }) : () -> ()
      %add3A_133 = arith.constant 0 : i32
      %add3A_134 = arith.addi %add3A_125, %add3A_133 : i32
      %add3A_135 = arith.constant 3 : i32
      %add3A_136 = arith.addi %add3A_134, %add3A_135 : i32
      %min3A_137 = arith.minsi %add3A_136, %max3A : i32
      %dma_start3A_138 = arith.constant 0 : i32
      %dma_start3A_139 = arith.constant 0 : i32
      %dma_start3A_140 = tpu.memref_slice %arg3[%min3A_137, %dma_start3A_138, %dma_start3A_139] : memref<2688x2x120xi32, #tpu.memory_space<hbm>> -> memref<1x2x120xi32, #tpu.memory_space<hbm>>
      %dma_start3A_141 = tpu.memref_squeeze %dma_start3A_140 : memref<1x2x120xi32, #tpu.memory_space<hbm>> -> memref<2x120xi32, #tpu.memory_space<hbm>>
      %dma_start3A_142 = arith.constant 0 : i32
      %dma_start3A_143 = arith.constant 0 : i32
      %dma_start3A_144 = tpu.memref_slice %arg3[%min3A_137, %dma_start3A_142, %dma_start3A_143] : memref<2688x2x120xi32, #tpu.memory_space<hbm>> -> memref<1x2x120xi32, #tpu.memory_space<hbm>>
      %dma_start3A_145 = tpu.memref_squeeze %dma_start3A_144 : memref<1x2x120xi32, #tpu.memory_space<hbm>> -> memref<2x120xi32, #tpu.memory_space<hbm>>
      tpu.enqueue_dma source(%dma_start3A_145 : memref<2x120xi32, #tpu.memory_space<hbm>>) target(%arg6 : memref<2x120xi32, #tpu.memory_space<vmem>>) target_semaphore(%arg16 : memref<!tpu.dma_semaphore, #tpu.memory_space<semaphore_mem>>)
      %dma_wait3A_146 = arith.constant 0 : i32
      %dma_wait3A_147 = arith.constant 0 : i32
      %dma_wait3A_148 = tpu.memref_slice %arg3[%min3A_7, %dma_wait3A_146, %dma_wait3A_147] : memref<2688x2x120xi32, #tpu.memory_space<hbm>> -> memref<1x2x120xi32, #tpu.memory_space<hbm>>
      %dma_wait3A_149 = tpu.memref_squeeze %dma_wait3A_148 : memref<1x2x120xi32, #tpu.memory_space<hbm>> -> memref<2x120xi32, #tpu.memory_space<hbm>>
      %dma_wait3A_150 = arith.constant 0 : i32
      %dma_wait3A_151 = arith.constant 0 : i32
      %dma_wait3A_152 = tpu.memref_slice %arg3[%min3A_7, %dma_wait3A_150, %dma_wait3A_151] : memref<2688x2x120xi32, #tpu.memory_space<hbm>> -> memref<1x2x120xi32, #tpu.memory_space<hbm>>
      %dma_wait3A_153 = tpu.memref_squeeze %dma_wait3A_152 : memref<1x2x120xi32, #tpu.memory_space<hbm>> -> memref<2x120xi32, #tpu.memory_space<hbm>>
      tpu.wait_dma2 semaphore(%arg16 : memref<!tpu.dma_semaphore, #tpu.memory_space<semaphore_mem>>) src(%dma_wait3A_153 : memref<2x120xi32, #tpu.memory_space<hbm>>) dst(%arg6 : memref<2x120xi32, #tpu.memory_space<vmem>>)
      %dma_start3A_154 = arith.constant 0 : i32
      %dma_start3A_155 = arith.constant 0 : i32
      %dma_start3A_156 = tpu.memref_slice %arg6[%dma_start3A_154, %dma_start3A_155] : memref<2x120xi32, #tpu.memory_space<vmem>> -> memref<1x120xi32, #tpu.memory_space<vmem>>
      %dma_start3A_157 = tpu.memref_squeeze %dma_start3A_156 : memref<1x120xi32, #tpu.memory_space<vmem>> -> memref<120xi32, #tpu.memory_space<vmem>>
      %dma_start3A_158 = arith.constant 0 : i32
      %dma_start3A_159 = arith.constant 0 : i32
      %dma_start3A_160 = tpu.memref_slice %arg2[%dma_start3A_158, %dma_start3A_159] : memref<10000x128xf32, #tpu.memory_space<hbm>> -> memref<10000x128xf32, #tpu.memory_space<hbm>>
      tpu.enqueue_indirect_dma source(%dma_start3A_160 : memref<10000x128xf32, #tpu.memory_space<hbm>>) target(%arg9 : memref<120x128xf32, #tpu.memory_space<vmem>>) offsets(%dma_start3A_157 : memref<120xi32, #tpu.memory_space<vmem>>) semaphore(%arg13 : memref<!tpu.dma_semaphore, #tpu.memory_space<semaphore_mem>>)
      %dma_wait3A_161 = arith.constant 0 : i32
      %dma_wait3A_162 = arith.constant 0 : i32
      %dma_wait3A_163 = tpu.memref_slice %arg7[%dma_wait3A_161, %dma_wait3A_162] : memref<2x120xi32, #tpu.memory_space<vmem>> -> memref<1x120xi32, #tpu.memory_space<vmem>>
      %dma_wait3A_164 = tpu.memref_squeeze %dma_wait3A_163 : memref<1x120xi32, #tpu.memory_space<vmem>> -> memref<120xi32, #tpu.memory_space<vmem>>
      %dma_wait3A_165 = arith.constant 0 : i32
      %dma_wait3A_166 = arith.constant 0 : i32
      %dma_wait3A_167 = tpu.memref_slice %arg2[%dma_wait3A_165, %dma_wait3A_166] : memref<10000x128xf32, #tpu.memory_space<hbm>> -> memref<10000x128xf32, #tpu.memory_space<hbm>>
      tpu.wait_indirect_dma semaphore(%arg14 : memref<!tpu.dma_semaphore, #tpu.memory_space<semaphore_mem>>) src(%dma_wait3A_167 : memref<10000x128xf32, #tpu.memory_space<hbm>>) dst(%arg10 : memref<120x128xf32, #tpu.memory_space<vmem>>)
      %run_scoped3A_168 = arith.constant 1 : i32
      "tpu.region"() ({
        %run_scoped3A_233 = tpu.sem_alloc : memref<!tpu.dma_semaphore, #tpu.memory_space<semaphore_mem>>
        %dma_start3A_234 = arith.constant 0 : i32
        %dma_start3A_235 = tpu.memref_slice %arg7[%run_scoped3A_168, %dma_start3A_234] : memref<2x120xi32, #tpu.memory_space<vmem>> -> memref<1x120xi32, #tpu.memory_space<vmem>>
        %dma_start3A_236 = tpu.memref_squeeze %dma_start3A_235 : memref<1x120xi32, #tpu.memory_space<vmem>> -> memref<120xi32, #tpu.memory_space<vmem>>
        %dma_start3A_237 = arith.constant 0 : i32
        %dma_start3A_238 = arith.constant 0 : i32
        %dma_start3A_239 = tpu.memref_slice %arg12[%dma_start3A_237, %dma_start3A_238] : memref<10240x128xf32, #tpu.memory_space<vmem_shared>> -> memref<10240x128xf32, #tpu.memory_space<vmem_shared>>
        tpu.enqueue_indirect_dma source(%arg10 : memref<120x128xf32, #tpu.memory_space<vmem>>) target(%dma_start3A_239 : memref<10240x128xf32, #tpu.memory_space<vmem_shared>>) offsets(%dma_start3A_236 : memref<120xi32, #tpu.memory_space<vmem>>) semaphore(%run_scoped3A_233 : memref<!tpu.dma_semaphore, #tpu.memory_space<semaphore_mem>>) {add = true}
        %dma_wait3A_240 = arith.constant 0 : i32
        %dma_wait3A_241 = tpu.memref_slice %arg7[%run_scoped3A_168, %dma_wait3A_240] : memref<2x120xi32, #tpu.memory_space<vmem>> -> memref<1x120xi32, #tpu.memory_space<vmem>>
        %dma_wait3A_242 = tpu.memref_squeeze %dma_wait3A_241 : memref<1x120xi32, #tpu.memory_space<vmem>> -> memref<120xi32, #tpu.memory_space<vmem>>
        %dma_wait3A_243 = arith.constant 0 : i32
        %dma_wait3A_244 = arith.constant 0 : i32
        %dma_wait3A_245 = tpu.memref_slice %arg12[%dma_wait3A_243, %dma_wait3A_244] : memref<10240x128xf32, #tpu.memory_space<vmem_shared>> -> memref<10240x128xf32, #tpu.memory_space<vmem_shared>>
        tpu.wait_indirect_dma semaphore(%run_scoped3A_233 : memref<!tpu.dma_semaphore, #tpu.memory_space<semaphore_mem>>) src(%arg10 : memref<120x128xf32, #tpu.memory_space<vmem>>) dst(%dma_wait3A_245 : memref<10240x128xf32, #tpu.memory_space<vmem_shared>>)
        tpu.yield
      }) : () -> ()
      %add3A_169 = arith.constant 1 : i32
      %add3A_170 = arith.addi %add3A_125, %add3A_169 : i32
      %add3A_171 = arith.constant 3 : i32
      %add3A_172 = arith.addi %add3A_170, %add3A_171 : i32
      %min3A_173 = arith.minsi %add3A_172, %max3A : i32
      %dma_start3A_174 = arith.constant 0 : i32
      %dma_start3A_175 = arith.constant 0 : i32
      %dma_start3A_176 = tpu.memref_slice %arg3[%min3A_173, %dma_start3A_174, %dma_start3A_175] : memref<2688x2x120xi32, #tpu.memory_space<hbm>> -> memref<1x2x120xi32, #tpu.memory_space<hbm>>
      %dma_start3A_177 = tpu.memref_squeeze %dma_start3A_176 : memref<1x2x120xi32, #tpu.memory_space<hbm>> -> memref<2x120xi32, #tpu.memory_space<hbm>>
      %dma_start3A_178 = arith.constant 0 : i32
      %dma_start3A_179 = arith.constant 0 : i32
      %dma_start3A_180 = tpu.memref_slice %arg3[%min3A_173, %dma_start3A_178, %dma_start3A_179] : memref<2688x2x120xi32, #tpu.memory_space<hbm>> -> memref<1x2x120xi32, #tpu.memory_space<hbm>>
      %dma_start3A_181 = tpu.memref_squeeze %dma_start3A_180 : memref<1x2x120xi32, #tpu.memory_space<hbm>> -> memref<2x120xi32, #tpu.memory_space<hbm>>
      tpu.enqueue_dma source(%dma_start3A_181 : memref<2x120xi32, #tpu.memory_space<hbm>>) target(%arg7 : memref<2x120xi32, #tpu.memory_space<vmem>>) target_semaphore(%arg17 : memref<!tpu.dma_semaphore, #tpu.memory_space<semaphore_mem>>)
      %dma_wait3A_182 = arith.constant 0 : i32
      %dma_wait3A_183 = arith.constant 0 : i32
      %dma_wait3A_184 = tpu.memref_slice %arg3[%min3A_7, %dma_wait3A_182, %dma_wait3A_183] : memref<2688x2x120xi32, #tpu.memory_space<hbm>> -> memref<1x2x120xi32, #tpu.memory_space<hbm>>
      %dma_wait3A_185 = tpu.memref_squeeze %dma_wait3A_184 : memref<1x2x120xi32, #tpu.memory_space<hbm>> -> memref<2x120xi32, #tpu.memory_space<hbm>>
      %dma_wait3A_186 = arith.constant 0 : i32
      %dma_wait3A_187 = arith.constant 0 : i32
      %dma_wait3A_188 = tpu.memref_slice %arg3[%min3A_7, %dma_wait3A_186, %dma_wait3A_187] : memref<2688x2x120xi32, #tpu.memory_space<hbm>> -> memref<1x2x120xi32, #tpu.memory_space<hbm>>
      %dma_wait3A_189 = tpu.memref_squeeze %dma_wait3A_188 : memref<1x2x120xi32, #tpu.memory_space<hbm>> -> memref<2x120xi32, #tpu.memory_space<hbm>>
      tpu.wait_dma2 semaphore(%arg17 : memref<!tpu.dma_semaphore, #tpu.memory_space<semaphore_mem>>) src(%dma_wait3A_189 : memref<2x120xi32, #tpu.memory_space<hbm>>) dst(%arg7 : memref<2x120xi32, #tpu.memory_space<vmem>>)
      %dma_start3A_190 = arith.constant 0 : i32
      %dma_start3A_191 = arith.constant 0 : i32
      %dma_start3A_192 = tpu.memref_slice %arg7[%dma_start3A_190, %dma_start3A_191] : memref<2x120xi32, #tpu.memory_space<vmem>> -> memref<1x120xi32, #tpu.memory_space<vmem>>
      %dma_start3A_193 = tpu.memref_squeeze %dma_start3A_192 : memref<1x120xi32, #tpu.memory_space<vmem>> -> memref<120xi32, #tpu.memory_space<vmem>>
      %dma_start3A_194 = arith.constant 0 : i32
      %dma_start3A_195 = arith.constant 0 : i32
      %dma_start3A_196 = tpu.memref_slice %arg2[%dma_start3A_194, %dma_start3A_195] : memref<10000x128xf32, #tpu.memory_space<hbm>> -> memref<10000x128xf32, #tpu.memory_space<hbm>>
      tpu.enqueue_indirect_dma source(%dma_start3A_196 : memref<10000x128xf32, #tpu.memory_space<hbm>>) target(%arg10 : memref<120x128xf32, #tpu.memory_space<vmem>>) offsets(%dma_start3A_193 : memref<120xi32, #tpu.memory_space<vmem>>) semaphore(%arg14 : memref<!tpu.dma_semaphore, #tpu.memory_space<semaphore_mem>>)
      %dma_wait3A_197 = arith.constant 0 : i32
      %dma_wait3A_198 = arith.constant 0 : i32
      %dma_wait3A_199 = tpu.memref_slice %arg8[%dma_wait3A_197, %dma_wait3A_198] : memref<2x120xi32, #tpu.memory_space<vmem>> -> memref<1x120xi32, #tpu.memory_space<vmem>>
      %dma_wait3A_200 = tpu.memref_squeeze %dma_wait3A_199 : memref<1x120xi32, #tpu.memory_space<vmem>> -> memref<120xi32, #tpu.memory_space<vmem>>
      %dma_wait3A_201 = arith.constant 0 : i32
      %dma_wait3A_202 = arith.constant 0 : i32
      %dma_wait3A_203 = tpu.memref_slice %arg2[%dma_wait3A_201, %dma_wait3A_202] : memref<10000x128xf32, #tpu.memory_space<hbm>> -> memref<10000x128xf32, #tpu.memory_space<hbm>>
      tpu.wait_indirect_dma semaphore(%arg15 : memref<!tpu.dma_semaphore, #tpu.memory_space<semaphore_mem>>) src(%dma_wait3A_203 : memref<10000x128xf32, #tpu.memory_space<hbm>>) dst(%arg11 : memref<120x128xf32, #tpu.memory_space<vmem>>)
      %run_scoped3A_204 = arith.constant 1 : i32
      "tpu.region"() ({
        %run_scoped3A_233 = tpu.sem_alloc : memref<!tpu.dma_semaphore, #tpu.memory_space<semaphore_mem>>
        %dma_start3A_234 = arith.constant 0 : i32
        %dma_start3A_235 = tpu.memref_slice %arg8[%run_scoped3A_204, %dma_start3A_234] : memref<2x120xi32, #tpu.memory_space<vmem>> -> memref<1x120xi32, #tpu.memory_space<vmem>>
        %dma_start3A_236 = tpu.memref_squeeze %dma_start3A_235 : memref<1x120xi32, #tpu.memory_space<vmem>> -> memref<120xi32, #tpu.memory_space<vmem>>
        %dma_start3A_237 = arith.constant 0 : i32
        %dma_start3A_238 = arith.constant 0 : i32
        %dma_start3A_239 = tpu.memref_slice %arg12[%dma_start3A_237, %dma_start3A_238] : memref<10240x128xf32, #tpu.memory_space<vmem_shared>> -> memref<10240x128xf32, #tpu.memory_space<vmem_shared>>
        tpu.enqueue_indirect_dma source(%arg11 : memref<120x128xf32, #tpu.memory_space<vmem>>) target(%dma_start3A_239 : memref<10240x128xf32, #tpu.memory_space<vmem_shared>>) offsets(%dma_start3A_236 : memref<120xi32, #tpu.memory_space<vmem>>) semaphore(%run_scoped3A_233 : memref<!tpu.dma_semaphore, #tpu.memory_space<semaphore_mem>>) {add = true}
        %dma_wait3A_240 = arith.constant 0 : i32
        %dma_wait3A_241 = tpu.memref_slice %arg8[%run_scoped3A_204, %dma_wait3A_240] : memref<2x120xi32, #tpu.memory_space<vmem>> -> memref<1x120xi32, #tpu.memory_space<vmem>>
        %dma_wait3A_242 = tpu.memref_squeeze %dma_wait3A_241 : memref<1x120xi32, #tpu.memory_space<vmem>> -> memref<120xi32, #tpu.memory_space<vmem>>
        %dma_wait3A_243 = arith.constant 0 : i32
        %dma_wait3A_244 = arith.constant 0 : i32
        %dma_wait3A_245 = tpu.memref_slice %arg12[%dma_wait3A_243, %dma_wait3A_244] : memref<10240x128xf32, #tpu.memory_space<vmem_shared>> -> memref<10240x128xf32, #tpu.memory_space<vmem_shared>>
        tpu.wait_indirect_dma semaphore(%run_scoped3A_233 : memref<!tpu.dma_semaphore, #tpu.memory_space<semaphore_mem>>) src(%arg11 : memref<120x128xf32, #tpu.memory_space<vmem>>) dst(%dma_wait3A_245 : memref<10240x128xf32, #tpu.memory_space<vmem_shared>>)
        tpu.yield
      }) : () -> ()
      %add3A_205 = arith.constant 2 : i32
      %add3A_206 = arith.addi %add3A_125, %add3A_205 : i32
      %add3A_207 = arith.constant 3 : i32
      %add3A_208 = arith.addi %add3A_206, %add3A_207 : i32
      %min3A_209 = arith.minsi %add3A_208, %max3A : i32
      %dma_start3A_210 = arith.constant 0 : i32
      %dma_start3A_211 = arith.constant 0 : i32
      %dma_start3A_212 = tpu.memref_slice %arg3[%min3A_209, %dma_start3A_210, %dma_start3A_211] : memref<2688x2x120xi32, #tpu.memory_space<hbm>> -> memref<1x2x120xi32, #tpu.memory_space<hbm>>
      %dma_start3A_213 = tpu.memref_squeeze %dma_start3A_212 : memref<1x2x120xi32, #tpu.memory_space<hbm>> -> memref<2x120xi32, #tpu.memory_space<hbm>>
      %dma_start3A_214 = arith.constant 0 : i32
      %dma_start3A_215 = arith.constant 0 : i32
      %dma_start3A_216 = tpu.memref_slice %arg3[%min3A_209, %dma_start3A_214, %dma_start3A_215] : memref<2688x2x120xi32, #tpu.memory_space<hbm>> -> memref<1x2x120xi32, #tpu.memory_space<hbm>>
      %dma_start3A_217 = tpu.memref_squeeze %dma_start3A_216 : memref<1x2x120xi32, #tpu.memory_space<hbm>> -> memref<2x120xi32, #tpu.memory_space<hbm>>
      tpu.enqueue_dma source(%dma_start3A_217 : memref<2x120xi32, #tpu.memory_space<hbm>>) target(%arg8 : memref<2x120xi32, #tpu.memory_space<vmem>>) target_semaphore(%arg18 : memref<!tpu.dma_semaphore, #tpu.memory_space<semaphore_mem>>)
      %dma_wait3A_218 = arith.constant 0 : i32
      %dma_wait3A_219 = arith.constant 0 : i32
      %dma_wait3A_220 = tpu.memref_slice %arg3[%min3A_7, %dma_wait3A_218, %dma_wait3A_219] : memref<2688x2x120xi32, #tpu.memory_space<hbm>> -> memref<1x2x120xi32, #tpu.memory_space<hbm>>
      %dma_wait3A_221 = tpu.memref_squeeze %dma_wait3A_220 : memref<1x2x120xi32, #tpu.memory_space<hbm>> -> memref<2x120xi32, #tpu.memory_space<hbm>>
      %dma_wait3A_222 = arith.constant 0 : i32
      %dma_wait3A_223 = arith.constant 0 : i32
      %dma_wait3A_224 = tpu.memref_slice %arg3[%min3A_7, %dma_wait3A_222, %dma_wait3A_223] : memref<2688x2x120xi32, #tpu.memory_space<hbm>> -> memref<1x2x120xi32, #tpu.memory_space<hbm>>
      %dma_wait3A_225 = tpu.memref_squeeze %dma_wait3A_224 : memref<1x2x120xi32, #tpu.memory_space<hbm>> -> memref<2x120xi32, #tpu.memory_space<hbm>>
      tpu.wait_dma2 semaphore(%arg18 : memref<!tpu.dma_semaphore, #tpu.memory_space<semaphore_mem>>) src(%dma_wait3A_225 : memref<2x120xi32, #tpu.memory_space<hbm>>) dst(%arg8 : memref<2x120xi32, #tpu.memory_space<vmem>>)
      %dma_start3A_226 = arith.constant 0 : i32
      %dma_start3A_227 = arith.constant 0 : i32
      %dma_start3A_228 = tpu.memref_slice %arg8[%dma_start3A_226, %dma_start3A_227] : memref<2x120xi32, #tpu.memory_space<vmem>> -> memref<1x120xi32, #tpu.memory_space<vmem>>
      %dma_start3A_229 = tpu.memref_squeeze %dma_start3A_228 : memref<1x120xi32, #tpu.memory_space<vmem>> -> memref<120xi32, #tpu.memory_space<vmem>>
      %dma_start3A_230 = arith.constant 0 : i32
      %dma_start3A_231 = arith.constant 0 : i32
      %dma_start3A_232 = tpu.memref_slice %arg2[%dma_start3A_230, %dma_start3A_231] : memref<10000x128xf32, #tpu.memory_space<hbm>> -> memref<10000x128xf32, #tpu.memory_space<hbm>>
      tpu.enqueue_indirect_dma source(%dma_start3A_232 : memref<10000x128xf32, #tpu.memory_space<hbm>>) target(%arg11 : memref<120x128xf32, #tpu.memory_space<vmem>>) offsets(%dma_start3A_229 : memref<120xi32, #tpu.memory_space<vmem>>) semaphore(%arg15 : memref<!tpu.dma_semaphore, #tpu.memory_space<semaphore_mem>>)
    }
    %dma_wait3A_100 = arith.constant 0 : i32
    %dma_wait3A_101 = arith.constant 0 : i32
    %dma_wait3A_102 = tpu.memref_slice %arg6[%dma_wait3A_100, %dma_wait3A_101] : memref<2x120xi32, #tpu.memory_space<vmem>> -> memref<1x120xi32, #tpu.memory_space<vmem>>
    %dma_wait3A_103 = tpu.memref_squeeze %dma_wait3A_102 : memref<1x120xi32, #tpu.memory_space<vmem>> -> memref<120xi32, #tpu.memory_space<vmem>>
    %dma_wait3A_104 = arith.constant 0 : i32
    %dma_wait3A_105 = arith.constant 0 : i32
    %dma_wait3A_106 = tpu.memref_slice %arg2[%dma_wait3A_104, %dma_wait3A_105] : memref<10000x128xf32, #tpu.memory_space<hbm>> -> memref<10000x128xf32, #tpu.memory_space<hbm>>
    tpu.wait_indirect_dma semaphore(%arg13 : memref<!tpu.dma_semaphore, #tpu.memory_space<semaphore_mem>>) src(%dma_wait3A_106 : memref<10000x128xf32, #tpu.memory_space<hbm>>) dst(%arg9 : memref<120x128xf32, #tpu.memory_space<vmem>>)
    %dma_wait3A_107 = arith.constant 0 : i32
    %dma_wait3A_108 = arith.constant 0 : i32
    %dma_wait3A_109 = tpu.memref_slice %arg7[%dma_wait3A_107, %dma_wait3A_108] : memref<2x120xi32, #tpu.memory_space<vmem>> -> memref<1x120xi32, #tpu.memory_space<vmem>>
    %dma_wait3A_110 = tpu.memref_squeeze %dma_wait3A_109 : memref<1x120xi32, #tpu.memory_space<vmem>> -> memref<120xi32, #tpu.memory_space<vmem>>
    %dma_wait3A_111 = arith.constant 0 : i32
    %dma_wait3A_112 = arith.constant 0 : i32
    %dma_wait3A_113 = tpu.memref_slice %arg2[%dma_wait3A_111, %dma_wait3A_112] : memref<10000x128xf32, #tpu.memory_space<hbm>> -> memref<10000x128xf32, #tpu.memory_space<hbm>>
    tpu.wait_indirect_dma semaphore(%arg14 : memref<!tpu.dma_semaphore, #tpu.memory_space<semaphore_mem>>) src(%dma_wait3A_113 : memref<10000x128xf32, #tpu.memory_space<hbm>>) dst(%arg10 : memref<120x128xf32, #tpu.memory_space<vmem>>)
    %dma_wait3A_114 = arith.constant 0 : i32
    %dma_wait3A_115 = arith.constant 0 : i32
    %dma_wait3A_116 = tpu.memref_slice %arg8[%dma_wait3A_114, %dma_wait3A_115] : memref<2x120xi32, #tpu.memory_space<vmem>> -> memref<1x120xi32, #tpu.memory_space<vmem>>
    %dma_wait3A_117 = tpu.memref_squeeze %dma_wait3A_116 : memref<1x120xi32, #tpu.memory_space<vmem>> -> memref<120xi32, #tpu.memory_space<vmem>>
    %dma_wait3A_118 = arith.constant 0 : i32
    %dma_wait3A_119 = arith.constant 0 : i32
    %dma_wait3A_120 = tpu.memref_slice %arg2[%dma_wait3A_118, %dma_wait3A_119] : memref<10000x128xf32, #tpu.memory_space<hbm>> -> memref<10000x128xf32, #tpu.memory_space<hbm>>
    tpu.wait_indirect_dma semaphore(%arg15 : memref<!tpu.dma_semaphore, #tpu.memory_space<semaphore_mem>>) src(%dma_wait3A_120 : memref<10000x128xf32, #tpu.memory_space<hbm>>) dst(%arg11 : memref<120x128xf32, #tpu.memory_space<vmem>>)
    %barrier3A_121 = arith.constant 0 : index
    tpu.barrier barrier_id(%barrier3A_121)
    "tpu.region"() ({
      %run_scoped3A = tpu.sem_alloc : memref<!tpu.dma_semaphore, #tpu.memory_space<semaphore_mem>>
      %dma_start3A_122 = arith.constant 0 : i32
      %dma_start3A_123 = tpu.memref_slice %arg5[%arg0, %mul3A_0, %dma_start3A_122] : memref<2x10240x128xf32, #tpu.memory_space<hbm>> -> memref<1x640x128xf32, #tpu.memory_space<hbm>>
      %dma_start3A_124 = tpu.memref_squeeze %dma_start3A_123 : memref<1x640x128xf32, #tpu.memory_space<hbm>> -> memref<640x128xf32, #tpu.memory_space<hbm>>
      %dma_start3A_125 = arith.constant 0 : i32
      %dma_start3A_126 = tpu.memref_slice %arg12[%mul3A_0, %dma_start3A_125] : memref<10240x128xf32, #tpu.memory_space<vmem_shared>> -> memref<640x128xf32, #tpu.memory_space<vmem_shared>>
      tpu.enqueue_dma source(%dma_start3A_126 : memref<640x128xf32, #tpu.memory_space<vmem_shared>>) target(%dma_start3A_124 : memref<640x128xf32, #tpu.memory_space<hbm>>) target_semaphore(%run_scoped3A : memref<!tpu.dma_semaphore, #tpu.memory_space<semaphore_mem>>)
      %dma_wait3A_127 = arith.constant 0 : i32
      %dma_wait3A_128 = tpu.memref_slice %arg5[%arg0, %mul3A_0, %dma_wait3A_127] : memref<2x10240x128xf32, #tpu.memory_space<hbm>> -> memref<1x640x128xf32, #tpu.memory_space<hbm>>
      %dma_wait3A_129 = tpu.memref_squeeze %dma_wait3A_128 : memref<1x640x128xf32, #tpu.memory_space<hbm>> -> memref<640x128xf32, #tpu.memory_space<hbm>>
      %dma_wait3A_130 = arith.constant 0 : i32
      %dma_wait3A_131 = tpu.memref_slice %arg12[%mul3A_0, %dma_wait3A_130] : memref<10240x128xf32, #tpu.memory_space<vmem_shared>> -> memref<640x128xf32, #tpu.memory_space<vmem_shared>>
      tpu.wait_dma2 semaphore(%run_scoped3A : memref<!tpu.dma_semaphore, #tpu.memory_space<semaphore_mem>>) src(%dma_wait3A_131 : memref<640x128xf32, #tpu.memory_space<vmem_shared>>) dst(%dma_wait3A_129 : memref<640x128xf32, #tpu.memory_space<hbm>>)
      tpu.yield
    }) : () -> ()
    return
  }
}

#map = affine_map<(d0, d1) -> (0, 0)>
#map1 = affine_map<(d0, d1) -> (0, 0, 0)>
module attributes {stable_mosaic.version = 14 : i64} {
  func.func @spmm(%arg0: i32, %arg1: i32, %arg2: memref<10000x128xf32, #tpu.memory_space<hbm>>, %arg3: memref<2688x2x120xi32, #tpu.memory_space<hbm>>, %arg4: memref<10240x128xf32, #tpu.memory_space<hbm>>, %arg5: memref<2x10240x128xf32, #tpu.memory_space<hbm>>, %arg6: memref<2x120xi32, #tpu.memory_space<vmem>>, %arg7: memref<2x120xi32, #tpu.memory_space<vmem>>, %arg8: memref<2x120xi32, #tpu.memory_space<vmem>>, %arg9: memref<120x128xf32, #tpu.memory_space<vmem>>, %arg10: memref<120x128xf32, #tpu.memory_space<vmem>>, %arg11: memref<120x128xf32, #tpu.memory_space<vmem>>, %arg12: memref<10240x128xf32, #tpu.memory_space<vmem_shared>>, %arg13: memref<!tpu.dma_semaphore, #tpu.memory_space<semaphore_mem>>, %arg14: memref<!tpu.dma_semaphore, #tpu.memory_space<semaphore_mem>>, %arg15: memref<!tpu.dma_semaphore, #tpu.memory_space<semaphore_mem>>, %arg16: memref<!tpu.dma_semaphore, #tpu.memory_space<semaphore_mem>>, %arg17: memref<!tpu.dma_semaphore, #tpu.memory_space<semaphore_mem>>, %arg18: memref<!tpu.dma_semaphore, #tpu.memory_space<semaphore_mem>>) attributes {dimension_semantics = [#tpu.dimension_semantics<core_parallel>, #tpu.dimension_semantics<subcore_parallel>], iteration_bounds = array<i64: 2, 16>, scalar_prefetch = 0 : i64, scratch_operands = 13 : i64, tpu.core_type = #tpu.core_type<sc_vector_subcore>, window_params = [{transform_indices = #map}, {transform_indices = #map1}, {transform_indices = #map}, {transform_indices = #map1}]} {
    %mul3A = arith.constant 640 : i32
    %mul3A_0 = arith.muli %arg1, %mul3A : i32
    "tpu.region"() ({
      %run_scoped3A = tpu.sem_alloc : memref<!tpu.dma_semaphore, #tpu.memory_space<semaphore_mem>>
      %dma_start3A_122 = arith.constant 0 : i32
      %dma_start3A_123 = tpu.memref_slice %arg12[%mul3A_0, %dma_start3A_122] : memref<10240x128xf32, #tpu.memory_space<vmem_shared>> -> memref<640x128xf32, #tpu.memory_space<vmem_shared>>
      %dma_start3A_124 = arith.constant 0 : i32
      %dma_start3A_125 = tpu.memref_slice %arg4[%mul3A_0, %dma_start3A_124] : memref<10240x128xf32, #tpu.memory_space<hbm>> -> memref<640x128xf32, #tpu.memory_space<hbm>>
      tpu.enqueue_dma source(%dma_start3A_125 : memref<640x128xf32, #tpu.memory_space<hbm>>) target(%dma_start3A_123 : memref<640x128xf32, #tpu.memory_space<vmem_shared>>) target_semaphore(%run_scoped3A : memref<!tpu.dma_semaphore, #tpu.memory_space<semaphore_mem>>)
      %dma_wait3A_126 = arith.constant 0 : i32
      %dma_wait3A_127 = tpu.memref_slice %arg12[%mul3A_0, %dma_wait3A_126] : memref<10240x128xf32, #tpu.memory_space<vmem_shared>> -> memref<640x128xf32, #tpu.memory_space<vmem_shared>>
      %dma_wait3A_128 = arith.constant 0 : i32
      %dma_wait3A_129 = tpu.memref_slice %arg4[%mul3A_0, %dma_wait3A_128] : memref<10240x128xf32, #tpu.memory_space<hbm>> -> memref<640x128xf32, #tpu.memory_space<hbm>>
      tpu.wait_dma2 semaphore(%run_scoped3A : memref<!tpu.dma_semaphore, #tpu.memory_space<semaphore_mem>>) src(%dma_wait3A_129 : memref<640x128xf32, #tpu.memory_space<hbm>>) dst(%dma_wait3A_127 : memref<640x128xf32, #tpu.memory_space<vmem_shared>>)
      tpu.yield
    }) : () -> ()
    %barrier3A = arith.constant 0 : index
    tpu.barrier barrier_id(%barrier3A)
    %eq3A = arith.constant 0 : i32
    %eq3A_1 = arith.cmpi eq, %arg0, %eq3A : i32
    %mul3A_2 = arith.constant 132 : i32
    %mul3A_3 = arith.muli %arg1, %mul3A_2 : i32
    %mul3A_4 = arith.constant 36 : i32
    %mul3A_5 = arith.muli %arg1, %mul3A_4 : i32
    %add3A = arith.constant 2112 : i32
    %add3A_6 = arith.addi %add3A, %mul3A_5 : i32
    %select_n3A = arith.select %eq3A_1, %mul3A_3, %add3A_6 : i32
    %min3A = arith.constant 2685 : i32
    %min3A_7 = arith.minsi %select_n3A, %min3A : i32
    %eq3A_8 = arith.constant 0 : i32
    %eq3A_9 = arith.cmpi eq, %arg0, %eq3A_8 : i32
    %jit3A = arith.constant 44 : i32
    %jit3A_10 = arith.constant 12 : i32
    %select_n3A_11 = arith.select %eq3A_9, %jit3A, %jit3A_10 : i32
    %mul3A_12 = arith.constant 3 : i32
    %mul3A_13 = arith.muli %mul3A_12, %select_n3A_11 : i32
    %add3A_14 = arith.addi %min3A_7, %mul3A_13 : i32
    %sub3A = arith.constant 1 : i32
    %sub3A_15 = arith.subi %add3A_14, %sub3A : i32
    %add3A_16 = arith.constant 2 : i32
    %add3A_17 = arith.addi %min3A_7, %add3A_16 : i32
    %max3A = arith.maxsi %sub3A_15, %add3A_17 : i32
    %add3A_18 = arith.constant 0 : i32
    %add3A_19 = arith.addi %min3A_7, %add3A_18 : i32
    %dma_start3A = arith.constant 0 : i32
    %dma_start3A_20 = arith.constant 0 : i32
    %dma_start3A_21 = tpu.memref_slice %arg3[%add3A_19, %dma_start3A, %dma_start3A_20] : memref<2688x2x120xi32, #tpu.memory_space<hbm>> -> memref<1x2x120xi32, #tpu.memory_space<hbm>>
    %dma_start3A_22 = tpu.memref_squeeze %dma_start3A_21 : memref<1x2x120xi32, #tpu.memory_space<hbm>> -> memref<2x120xi32, #tpu.memory_space<hbm>>
    %dma_start3A_23 = arith.constant 0 : i32
    %dma_start3A_24 = arith.constant 0 : i32
    %dma_start3A_25 = tpu.memref_slice %arg3[%add3A_19, %dma_start3A_23, %dma_start3A_24] : memref<2688x2x120xi32, #tpu.memory_space<hbm>> -> memref<1x2x120xi32, #tpu.memory_space<hbm>>
    %dma_start3A_26 = tpu.memref_squeeze %dma_start3A_25 : memref<1x2x120xi32, #tpu.memory_space<hbm>> -> memref<2x120xi32, #tpu.memory_space<hbm>>
    tpu.enqueue_dma source(%dma_start3A_26 : memref<2x120xi32, #tpu.memory_space<hbm>>) target(%arg6 : memref<2x120xi32, #tpu.memory_space<vmem>>) target_semaphore(%arg16 : memref<!tpu.dma_semaphore, #tpu.memory_space<semaphore_mem>>)
    %add3A_27 = arith.constant 1 : i32
    %add3A_28 = arith.addi %min3A_7, %add3A_27 : i32
    %dma_start3A_29 = arith.constant 0 : i32
    %dma_start3A_30 = arith.constant 0 : i32
    %dma_start3A_31 = tpu.memref_slice %arg3[%add3A_28, %dma_start3A_29, %dma_start3A_30] : memref<2688x2x120xi32, #tpu.memory_space<hbm>> -> memref<1x2x120xi32, #tpu.memory_space<hbm>>
    %dma_start3A_32 = tpu.memref_squeeze %dma_start3A_31 : memref<1x2x120xi32, #tpu.memory_space<hbm>> -> memref<2x120xi32, #tpu.memory_space<hbm>>
    %dma_start3A_33 = arith.constant 0 : i32
    %dma_start3A_34 = arith.constant 0 : i32
    %dma_start3A_35 = tpu.memref_slice %arg3[%add3A_28, %dma_start3A_33, %dma_start3A_34] : memref<2688x2x120xi32, #tpu.memory_space<hbm>> -> memref<1x2x120xi32, #tpu.memory_space<hbm>>
    %dma_start3A_36 = tpu.memref_squeeze %dma_start3A_35 : memref<1x2x120xi32, #tpu.memory_space<hbm>> -> memref<2x120xi32, #tpu.memory_space<hbm>>
    tpu.enqueue_dma source(%dma_start3A_36 : memref<2x120xi32, #tpu.memory_space<hbm>>) target(%arg7 : memref<2x120xi32, #tpu.memory_space<vmem>>) target_semaphore(%arg17 : memref<!tpu.dma_semaphore, #tpu.memory_space<semaphore_mem>>)
    %add3A_37 = arith.constant 2 : i32
    %add3A_38 = arith.addi %min3A_7, %add3A_37 : i32
    %dma_start3A_39 = arith.constant 0 : i32
    %dma_start3A_40 = arith.constant 0 : i32
    %dma_start3A_41 = tpu.memref_slice %arg3[%add3A_38, %dma_start3A_39, %dma_start3A_40] : memref<2688x2x120xi32, #tpu.memory_space<hbm>> -> memref<1x2x120xi32, #tpu.memory_space<hbm>>
    %dma_start3A_42 = tpu.memref_squeeze %dma_start3A_41 : memref<1x2x120xi32, #tpu.memory_space<hbm>> -> memref<2x120xi32, #tpu.memory_space<hbm>>
    %dma_start3A_43 = arith.constant 0 : i32
    %dma_start3A_44 = arith.constant 0 : i32
    %dma_start3A_45 = tpu.memref_slice %arg3[%add3A_38, %dma_start3A_43, %dma_start3A_44] : memref<2688x2x120xi32, #tpu.memory_space<hbm>> -> memref<1x2x120xi32, #tpu.memory_space<hbm>>
    %dma_start3A_46 = tpu.memref_squeeze %dma_start3A_45 : memref<1x2x120xi32, #tpu.memory_space<hbm>> -> memref<2x120xi32, #tpu.memory_space<hbm>>
    tpu.enqueue_dma source(%dma_start3A_46 : memref<2x120xi32, #tpu.memory_space<hbm>>) target(%arg8 : memref<2x120xi32, #tpu.memory_space<vmem>>) target_semaphore(%arg18 : memref<!tpu.dma_semaphore, #tpu.memory_space<semaphore_mem>>)
    %dma_wait3A = arith.constant 0 : i32
    %dma_wait3A_47 = arith.constant 0 : i32
    %dma_wait3A_48 = tpu.memref_slice %arg3[%min3A_7, %dma_wait3A, %dma_wait3A_47] : memref<2688x2x120xi32, #tpu.memory_space<hbm>> -> memref<1x2x120xi32, #tpu.memory_space<hbm>>
    %dma_wait3A_49 = tpu.memref_squeeze %dma_wait3A_48 : memref<1x2x120xi32, #tpu.memory_space<hbm>> -> memref<2x120xi32, #tpu.memory_space<hbm>>
    %dma_wait3A_50 = arith.constant 0 : i32
    %dma_wait3A_51 = arith.constant 0 : i32
    %dma_wait3A_52 = tpu.memref_slice %arg3[%min3A_7, %dma_wait3A_50, %dma_wait3A_51] : memref<2688x2x120xi32, #tpu.memory_space<hbm>> -> memref<1x2x120xi32, #tpu.memory_space<hbm>>
    %dma_wait3A_53 = tpu.memref_squeeze %dma_wait3A_52 : memref<1x2x120xi32, #tpu.memory_space<hbm>> -> memref<2x120xi32, #tpu.memory_space<hbm>>
    tpu.wait_dma2 semaphore(%arg16 : memref<!tpu.dma_semaphore, #tpu.memory_space<semaphore_mem>>) src(%dma_wait3A_53 : memref<2x120xi32, #tpu.memory_space<hbm>>) dst(%arg6 : memref<2x120xi32, #tpu.memory_space<vmem>>)
    %dma_start3A_54 = arith.constant 0 : i32
    %dma_start3A_55 = arith.constant 0 : i32
    %dma_start3A_56 = tpu.memref_slice %arg6[%dma_start3A_54, %dma_start3A_55] : memref<2x120xi32, #tpu.memory_space<vmem>> -> memref<1x120xi32, #tpu.memory_space<vmem>>
    %dma_start3A_57 = tpu.memref_squeeze %dma_start3A_56 : memref<1x120xi32, #tpu.memory_space<vmem>> -> memref<120xi32, #tpu.memory_space<vmem>>
    %dma_start3A_58 = arith.constant 0 : i32
    %dma_start3A_59 = arith.constant 0 : i32
    %dma_start3A_60 = tpu.memref_slice %arg2[%dma_start3A_58, %dma_start3A_59] : memref<10000x128xf32, #tpu.memory_space<hbm>> -> memref<10000x128xf32, #tpu.memory_space<hbm>>
    tpu.enqueue_indirect_dma source(%dma_start3A_60 : memref<10000x128xf32, #tpu.memory_space<hbm>>) target(%arg9 : memref<120x128xf32, #tpu.memory_space<vmem>>) offsets(%dma_start3A_57 : memref<120xi32, #tpu.memory_space<vmem>>) semaphore(%arg13 : memref<!tpu.dma_semaphore, #tpu.memory_space<semaphore_mem>>)
    %dma_wait3A_61 = arith.constant 0 : i32
    %dma_wait3A_62 = arith.constant 0 : i32
    %dma_wait3A_63 = tpu.memref_slice %arg3[%min3A_7, %dma_wait3A_61, %dma_wait3A_62] : memref<2688x2x120xi32, #tpu.memory_space<hbm>> -> memref<1x2x120xi32, #tpu.memory_space<hbm>>
    %dma_wait3A_64 = tpu.memref_squeeze %dma_wait3A_63 : memref<1x2x120xi32, #tpu.memory_space<hbm>> -> memref<2x120xi32, #tpu.memory_space<hbm>>
    %dma_wait3A_65 = arith.constant 0 : i32
    %dma_wait3A_66 = arith.constant 0 : i32
    %dma_wait3A_67 = tpu.memref_slice %arg3[%min3A_7, %dma_wait3A_65, %dma_wait3A_66] : memref<2688x2x120xi32, #tpu.memory_space<hbm>> -> memref<1x2x120xi32, #tpu.memory_space<hbm>>
    %dma_wait3A_68 = tpu.memref_squeeze %dma_wait3A_67 : memref<1x2x120xi32, #tpu.memory_space<hbm>> -> memref<2x120xi32, #tpu.memory_space<hbm>>
    tpu.wait_dma2 semaphore(%arg17 : memref<!tpu.dma_semaphore, #tpu.memory_space<semaphore_mem>>) src(%dma_wait3A_68 : memref<2x120xi32, #tpu.memory_space<hbm>>) dst(%arg7 : memref<2x120xi32, #tpu.memory_space<vmem>>)
    %dma_start3A_69 = arith.constant 0 : i32
    %dma_start3A_70 = arith.constant 0 : i32
    %dma_start3A_71 = tpu.memref_slice %arg7[%dma_start3A_69, %dma_start3A_70] : memref<2x120xi32, #tpu.memory_space<vmem>> -> memref<1x120xi32, #tpu.memory_space<vmem>>
    %dma_start3A_72 = tpu.memref_squeeze %dma_start3A_71 : memref<1x120xi32, #tpu.memory_space<vmem>> -> memref<120xi32, #tpu.memory_space<vmem>>
    %dma_start3A_73 = arith.constant 0 : i32
    %dma_start3A_74 = arith.constant 0 : i32
    %dma_start3A_75 = tpu.memref_slice %arg2[%dma_start3A_73, %dma_start3A_74] : memref<10000x128xf32, #tpu.memory_space<hbm>> -> memref<10000x128xf32, #tpu.memory_space<hbm>>
    tpu.enqueue_indirect_dma source(%dma_start3A_75 : memref<10000x128xf32, #tpu.memory_space<hbm>>) target(%arg10 : memref<120x128xf32, #tpu.memory_space<vmem>>) offsets(%dma_start3A_72 : memref<120xi32, #tpu.memory_space<vmem>>) semaphore(%arg14 : memref<!tpu.dma_semaphore, #tpu.memory_space<semaphore_mem>>)
    %dma_wait3A_76 = arith.constant 0 : i32
    %dma_wait3A_77 = arith.constant 0 : i32
    %dma_wait3A_78 = tpu.memref_slice %arg3[%min3A_7, %dma_wait3A_76, %dma_wait3A_77] : memref<2688x2x120xi32, #tpu.memory_space<hbm>> -> memref<1x2x120xi32, #tpu.memory_space<hbm>>
    %dma_wait3A_79 = tpu.memref_squeeze %dma_wait3A_78 : memref<1x2x120xi32, #tpu.memory_space<hbm>> -> memref<2x120xi32, #tpu.memory_space<hbm>>
    %dma_wait3A_80 = arith.constant 0 : i32
    %dma_wait3A_81 = arith.constant 0 : i32
    %dma_wait3A_82 = tpu.memref_slice %arg3[%min3A_7, %dma_wait3A_80, %dma_wait3A_81] : memref<2688x2x120xi32, #tpu.memory_space<hbm>> -> memref<1x2x120xi32, #tpu.memory_space<hbm>>
    %dma_wait3A_83 = tpu.memref_squeeze %dma_wait3A_82 : memref<1x2x120xi32, #tpu.memory_space<hbm>> -> memref<2x120xi32, #tpu.memory_space<hbm>>
    tpu.wait_dma2 semaphore(%arg18 : memref<!tpu.dma_semaphore, #tpu.memory_space<semaphore_mem>>) src(%dma_wait3A_83 : memref<2x120xi32, #tpu.memory_space<hbm>>) dst(%arg8 : memref<2x120xi32, #tpu.memory_space<vmem>>)
    %dma_start3A_84 = arith.constant 0 : i32
    %dma_start3A_85 = arith.constant 0 : i32
    %dma_start3A_86 = tpu.memref_slice %arg8[%dma_start3A_84, %dma_start3A_85] : memref<2x120xi32, #tpu.memory_space<vmem>> -> memref<1x120xi32, #tpu.memory_space<vmem>>
    %dma_start3A_87 = tpu.memref_squeeze %dma_start3A_86 : memref<1x120xi32, #tpu.memory_space<vmem>> -> memref<120xi32, #tpu.memory_space<vmem>>
    %dma_start3A_88 = arith.constant 0 : i32
    %dma_start3A_89 = arith.constant 0 : i32
    %dma_start3A_90 = tpu.memref_slice %arg2[%dma_start3A_88, %dma_start3A_89] : memref<10000x128xf32, #tpu.memory_space<hbm>> -> memref<10000x128xf32, #tpu.memory_space<hbm>>
    tpu.enqueue_indirect_dma source(%dma_start3A_90 : memref<10000x128xf32, #tpu.memory_space<hbm>>) target(%arg11 : memref<120x128xf32, #tpu.memory_space<vmem>>) offsets(%dma_start3A_87 : memref<120xi32, #tpu.memory_space<vmem>>) semaphore(%arg15 : memref<!tpu.dma_semaphore, #tpu.memory_space<semaphore_mem>>)
    %while3A = arith.constant 0 : i32
    %while3A_91 = arith.constant 0 : i32
    %while3A_92 = arith.subi %select_n3A_11, %while3A_91 : i32
    %while3A_93 = arith.addi %while3A_91, %while3A_92 : i32
    %while3A_94 = arith.constant 1 : i32
    %while3A_95 = arith.divsi %while3A_92, %while3A_94 : i32
    %while3A_96 = arith.muli %while3A_95, %while3A_94 : i32
    %while3A_97 = arith.addi %while3A_91, %while3A_96 : i32
    %while3A_98 = arith.constant 1 : i32
    scf.for %while3A_122 = %while3A_91 to %while3A_97 step %while3A_98  : i32 {
      %mul3A_123 = arith.constant 3 : i32
      %mul3A_124 = arith.muli %mul3A_123, %while3A_122 : i32
      %add3A_125 = arith.addi %min3A_7, %mul3A_124 : i32
      %dma_wait3A_126 = arith.constant 0 : i32
      %dma_wait3A_127 = arith.constant 0 : i32
      %dma_wait3A_128 = tpu.memref_slice %arg6[%dma_wait3A_126, %dma_wait3A_127] : memref<2x120xi32, #tpu.memory_space<vmem>> -> memref<1x120xi32, #tpu.memory_space<vmem>>
      %dma_wait3A_129 = tpu.memref_squeeze %dma_wait3A_128 : memref<1x120xi32, #tpu.memory_space<vmem>> -> memref<120xi32, #tpu.memory_space<vmem>>
      %dma_wait3A_130 = arith.constant 0 : i32
      %dma_wait3A_131 = arith.constant 0 : i32
      %dma_wait3A_132 = tpu.memref_slice %arg2[%dma_wait3A_130, %dma_wait3A_131] : memref<10000x128xf32, #tpu.memory_space<hbm>> -> memref<10000x128xf32, #tpu.memory_space<hbm>>
      tpu.wait_indirect_dma semaphore(%arg13 : memref<!tpu.dma_semaphore, #tpu.memory_space<semaphore_mem>>) src(%dma_wait3A_132 : memref<10000x128xf32, #tpu.memory_space<hbm>>) dst(%arg9 : memref<120x128xf32, #tpu.memory_space<vmem>>)
      %run_scoped3A = arith.constant 1 : i32
      "tpu.region"() ({
        %run_scoped3A_233 = tpu.sem_alloc : memref<!tpu.dma_semaphore, #tpu.memory_space<semaphore_mem>>
        %dma_start3A_234 = arith.constant 0 : i32
        %dma_start3A_235 = tpu.memref_slice %arg6[%run_scoped3A, %dma_start3A_234] : memref<2x120xi32, #tpu.memory_space<vmem>> -> memref<1x120xi32, #tpu.memory_space<vmem>>
        %dma_start3A_236 = tpu.memref_squeeze %dma_start3A_235 : memref<1x120xi32, #tpu.memory_space<vmem>> -> memref<120xi32, #tpu.memory_space<vmem>>
        %dma_start3A_237 = arith.constant 0 : i32
        %dma_start3A_238 = arith.constant 0 : i32
        %dma_start3A_239 = tpu.memref_slice %arg12[%dma_start3A_237, %dma_start3A_238] : memref<10240x128xf32, #tpu.memory_space<vmem_shared>> -> memref<10240x128xf32, #tpu.memory_space<vmem_shared>>
        tpu.enqueue_indirect_dma source(%arg9 : memref<120x128xf32, #tpu.memory_space<vmem>>) target(%dma_start3A_239 : memref<10240x128xf32, #tpu.memory_space<vmem_shared>>) offsets(%dma_start3A_236 : memref<120xi32, #tpu.memory_space<vmem>>) semaphore(%run_scoped3A_233 : memref<!tpu.dma_semaphore, #tpu.memory_space<semaphore_mem>>) {add = true}
        %dma_wait3A_240 = arith.constant 0 : i32
        %dma_wait3A_241 = tpu.memref_slice %arg6[%run_scoped3A, %dma_wait3A_240] : memref<2x120xi32, #tpu.memory_space<vmem>> -> memref<1x120xi32, #tpu.memory_space<vmem>>
        %dma_wait3A_242 = tpu.memref_squeeze %dma_wait3A_241 : memref<1x120xi32, #tpu.memory_space<vmem>> -> memref<120xi32, #tpu.memory_space<vmem>>
        %dma_wait3A_243 = arith.constant 0 : i32
        %dma_wait3A_244 = arith.constant 0 : i32
        %dma_wait3A_245 = tpu.memref_slice %arg12[%dma_wait3A_243, %dma_wait3A_244] : memref<10240x128xf32, #tpu.memory_space<vmem_shared>> -> memref<10240x128xf32, #tpu.memory_space<vmem_shared>>
        tpu.wait_indirect_dma semaphore(%run_scoped3A_233 : memref<!tpu.dma_semaphore, #tpu.memory_space<semaphore_mem>>) src(%arg9 : memref<120x128xf32, #tpu.memory_space<vmem>>) dst(%dma_wait3A_245 : memref<10240x128xf32, #tpu.memory_space<vmem_shared>>)
        tpu.yield
      }) : () -> ()
      %add3A_133 = arith.constant 0 : i32
      %add3A_134 = arith.addi %add3A_125, %add3A_133 : i32
      %add3A_135 = arith.constant 3 : i32
      %add3A_136 = arith.addi %add3A_134, %add3A_135 : i32
      %min3A_137 = arith.minsi %add3A_136, %max3A : i32
      %dma_start3A_138 = arith.constant 0 : i32
      %dma_start3A_139 = arith.constant 0 : i32
      %dma_start3A_140 = tpu.memref_slice %arg3[%min3A_137, %dma_start3A_138, %dma_start3A_139] : memref<2688x2x120xi32, #tpu.memory_space<hbm>> -> memref<1x2x120xi32, #tpu.memory_space<hbm>>
      %dma_start3A_141 = tpu.memref_squeeze %dma_start3A_140 : memref<1x2x120xi32, #tpu.memory_space<hbm>> -> memref<2x120xi32, #tpu.memory_space<hbm>>
      %dma_start3A_142 = arith.constant 0 : i32
      %dma_start3A_143 = arith.constant 0 : i32
      %dma_start3A_144 = tpu.memref_slice %arg3[%min3A_137, %dma_start3A_142, %dma_start3A_143] : memref<2688x2x120xi32, #tpu.memory_space<hbm>> -> memref<1x2x120xi32, #tpu.memory_space<hbm>>
      %dma_start3A_145 = tpu.memref_squeeze %dma_start3A_144 : memref<1x2x120xi32, #tpu.memory_space<hbm>> -> memref<2x120xi32, #tpu.memory_space<hbm>>
      tpu.enqueue_dma source(%dma_start3A_145 : memref<2x120xi32, #tpu.memory_space<hbm>>) target(%arg6 : memref<2x120xi32, #tpu.memory_space<vmem>>) target_semaphore(%arg16 : memref<!tpu.dma_semaphore, #tpu.memory_space<semaphore_mem>>)
      %dma_wait3A_146 = arith.constant 0 : i32
      %dma_wait3A_147 = arith.constant 0 : i32
      %dma_wait3A_148 = tpu.memref_slice %arg3[%min3A_7, %dma_wait3A_146, %dma_wait3A_147] : memref<2688x2x120xi32, #tpu.memory_space<hbm>> -> memref<1x2x120xi32, #tpu.memory_space<hbm>>
      %dma_wait3A_149 = tpu.memref_squeeze %dma_wait3A_148 : memref<1x2x120xi32, #tpu.memory_space<hbm>> -> memref<2x120xi32, #tpu.memory_space<hbm>>
      %dma_wait3A_150 = arith.constant 0 : i32
      %dma_wait3A_151 = arith.constant 0 : i32
      %dma_wait3A_152 = tpu.memref_slice %arg3[%min3A_7, %dma_wait3A_150, %dma_wait3A_151] : memref<2688x2x120xi32, #tpu.memory_space<hbm>> -> memref<1x2x120xi32, #tpu.memory_space<hbm>>
      %dma_wait3A_153 = tpu.memref_squeeze %dma_wait3A_152 : memref<1x2x120xi32, #tpu.memory_space<hbm>> -> memref<2x120xi32, #tpu.memory_space<hbm>>
      tpu.wait_dma2 semaphore(%arg16 : memref<!tpu.dma_semaphore, #tpu.memory_space<semaphore_mem>>) src(%dma_wait3A_153 : memref<2x120xi32, #tpu.memory_space<hbm>>) dst(%arg6 : memref<2x120xi32, #tpu.memory_space<vmem>>)
      %dma_start3A_154 = arith.constant 0 : i32
      %dma_start3A_155 = arith.constant 0 : i32
      %dma_start3A_156 = tpu.memref_slice %arg6[%dma_start3A_154, %dma_start3A_155] : memref<2x120xi32, #tpu.memory_space<vmem>> -> memref<1x120xi32, #tpu.memory_space<vmem>>
      %dma_start3A_157 = tpu.memref_squeeze %dma_start3A_156 : memref<1x120xi32, #tpu.memory_space<vmem>> -> memref<120xi32, #tpu.memory_space<vmem>>
      %dma_start3A_158 = arith.constant 0 : i32
      %dma_start3A_159 = arith.constant 0 : i32
      %dma_start3A_160 = tpu.memref_slice %arg2[%dma_start3A_158, %dma_start3A_159] : memref<10000x128xf32, #tpu.memory_space<hbm>> -> memref<10000x128xf32, #tpu.memory_space<hbm>>
      tpu.enqueue_indirect_dma source(%dma_start3A_160 : memref<10000x128xf32, #tpu.memory_space<hbm>>) target(%arg9 : memref<120x128xf32, #tpu.memory_space<vmem>>) offsets(%dma_start3A_157 : memref<120xi32, #tpu.memory_space<vmem>>) semaphore(%arg13 : memref<!tpu.dma_semaphore, #tpu.memory_space<semaphore_mem>>)
      %dma_wait3A_161 = arith.constant 0 : i32
      %dma_wait3A_162 = arith.constant 0 : i32
      %dma_wait3A_163 = tpu.memref_slice %arg7[%dma_wait3A_161, %dma_wait3A_162] : memref<2x120xi32, #tpu.memory_space<vmem>> -> memref<1x120xi32, #tpu.memory_space<vmem>>
      %dma_wait3A_164 = tpu.memref_squeeze %dma_wait3A_163 : memref<1x120xi32, #tpu.memory_space<vmem>> -> memref<120xi32, #tpu.memory_space<vmem>>
      %dma_wait3A_165 = arith.constant 0 : i32
      %dma_wait3A_166 = arith.constant 0 : i32
      %dma_wait3A_167 = tpu.memref_slice %arg2[%dma_wait3A_165, %dma_wait3A_166] : memref<10000x128xf32, #tpu.memory_space<hbm>> -> memref<10000x128xf32, #tpu.memory_space<hbm>>
      tpu.wait_indirect_dma semaphore(%arg14 : memref<!tpu.dma_semaphore, #tpu.memory_space<semaphore_mem>>) src(%dma_wait3A_167 : memref<10000x128xf32, #tpu.memory_space<hbm>>) dst(%arg10 : memref<120x128xf32, #tpu.memory_space<vmem>>)
      %run_scoped3A_168 = arith.constant 1 : i32
      "tpu.region"() ({
        %run_scoped3A_233 = tpu.sem_alloc : memref<!tpu.dma_semaphore, #tpu.memory_space<semaphore_mem>>
        %dma_start3A_234 = arith.constant 0 : i32
        %dma_start3A_235 = tpu.memref_slice %arg7[%run_scoped3A_168, %dma_start3A_234] : memref<2x120xi32, #tpu.memory_space<vmem>> -> memref<1x120xi32, #tpu.memory_space<vmem>>
        %dma_start3A_236 = tpu.memref_squeeze %dma_start3A_235 : memref<1x120xi32, #tpu.memory_space<vmem>> -> memref<120xi32, #tpu.memory_space<vmem>>
        %dma_start3A_237 = arith.constant 0 : i32
        %dma_start3A_238 = arith.constant 0 : i32
        %dma_start3A_239 = tpu.memref_slice %arg12[%dma_start3A_237, %dma_start3A_238] : memref<10240x128xf32, #tpu.memory_space<vmem_shared>> -> memref<10240x128xf32, #tpu.memory_space<vmem_shared>>
        tpu.enqueue_indirect_dma source(%arg10 : memref<120x128xf32, #tpu.memory_space<vmem>>) target(%dma_start3A_239 : memref<10240x128xf32, #tpu.memory_space<vmem_shared>>) offsets(%dma_start3A_236 : memref<120xi32, #tpu.memory_space<vmem>>) semaphore(%run_scoped3A_233 : memref<!tpu.dma_semaphore, #tpu.memory_space<semaphore_mem>>) {add = true}
        %dma_wait3A_240 = arith.constant 0 : i32
        %dma_wait3A_241 = tpu.memref_slice %arg7[%run_scoped3A_168, %dma_wait3A_240] : memref<2x120xi32, #tpu.memory_space<vmem>> -> memref<1x120xi32, #tpu.memory_space<vmem>>
        %dma_wait3A_242 = tpu.memref_squeeze %dma_wait3A_241 : memref<1x120xi32, #tpu.memory_space<vmem>> -> memref<120xi32, #tpu.memory_space<vmem>>
        %dma_wait3A_243 = arith.constant 0 : i32
        %dma_wait3A_244 = arith.constant 0 : i32
        %dma_wait3A_245 = tpu.memref_slice %arg12[%dma_wait3A_243, %dma_wait3A_244] : memref<10240x128xf32, #tpu.memory_space<vmem_shared>> -> memref<10240x128xf32, #tpu.memory_space<vmem_shared>>
        tpu.wait_indirect_dma semaphore(%run_scoped3A_233 : memref<!tpu.dma_semaphore, #tpu.memory_space<semaphore_mem>>) src(%arg10 : memref<120x128xf32, #tpu.memory_space<vmem>>) dst(%dma_wait3A_245 : memref<10240x128xf32, #tpu.memory_space<vmem_shared>>)
        tpu.yield
      }) : () -> ()
      %add3A_169 = arith.constant 1 : i32
      %add3A_170 = arith.addi %add3A_125, %add3A_169 : i32
      %add3A_171 = arith.constant 3 : i32
      %add3A_172 = arith.addi %add3A_170, %add3A_171 : i32
      %min3A_173 = arith.minsi %add3A_172, %max3A : i32
      %dma_start3A_174 = arith.constant 0 : i32
      %dma_start3A_175 = arith.constant 0 : i32
      %dma_start3A_176 = tpu.memref_slice %arg3[%min3A_173, %dma_start3A_174, %dma_start3A_175] : memref<2688x2x120xi32, #tpu.memory_space<hbm>> -> memref<1x2x120xi32, #tpu.memory_space<hbm>>
      %dma_start3A_177 = tpu.memref_squeeze %dma_start3A_176 : memref<1x2x120xi32, #tpu.memory_space<hbm>> -> memref<2x120xi32, #tpu.memory_space<hbm>>
      %dma_start3A_178 = arith.constant 0 : i32
      %dma_start3A_179 = arith.constant 0 : i32
      %dma_start3A_180 = tpu.memref_slice %arg3[%min3A_173, %dma_start3A_178, %dma_start3A_179] : memref<2688x2x120xi32, #tpu.memory_space<hbm>> -> memref<1x2x120xi32, #tpu.memory_space<hbm>>
      %dma_start3A_181 = tpu.memref_squeeze %dma_start3A_180 : memref<1x2x120xi32, #tpu.memory_space<hbm>> -> memref<2x120xi32, #tpu.memory_space<hbm>>
      tpu.enqueue_dma source(%dma_start3A_181 : memref<2x120xi32, #tpu.memory_space<hbm>>) target(%arg7 : memref<2x120xi32, #tpu.memory_space<vmem>>) target_semaphore(%arg17 : memref<!tpu.dma_semaphore, #tpu.memory_space<semaphore_mem>>)
      %dma_wait3A_182 = arith.constant 0 : i32
      %dma_wait3A_183 = arith.constant 0 : i32
      %dma_wait3A_184 = tpu.memref_slice %arg3[%min3A_7, %dma_wait3A_182, %dma_wait3A_183] : memref<2688x2x120xi32, #tpu.memory_space<hbm>> -> memref<1x2x120xi32, #tpu.memory_space<hbm>>
      %dma_wait3A_185 = tpu.memref_squeeze %dma_wait3A_184 : memref<1x2x120xi32, #tpu.memory_space<hbm>> -> memref<2x120xi32, #tpu.memory_space<hbm>>
      %dma_wait3A_186 = arith.constant 0 : i32
      %dma_wait3A_187 = arith.constant 0 : i32
      %dma_wait3A_188 = tpu.memref_slice %arg3[%min3A_7, %dma_wait3A_186, %dma_wait3A_187] : memref<2688x2x120xi32, #tpu.memory_space<hbm>> -> memref<1x2x120xi32, #tpu.memory_space<hbm>>
      %dma_wait3A_189 = tpu.memref_squeeze %dma_wait3A_188 : memref<1x2x120xi32, #tpu.memory_space<hbm>> -> memref<2x120xi32, #tpu.memory_space<hbm>>
      tpu.wait_dma2 semaphore(%arg17 : memref<!tpu.dma_semaphore, #tpu.memory_space<semaphore_mem>>) src(%dma_wait3A_189 : memref<2x120xi32, #tpu.memory_space<hbm>>) dst(%arg7 : memref<2x120xi32, #tpu.memory_space<vmem>>)
      %dma_start3A_190 = arith.constant 0 : i32
      %dma_start3A_191 = arith.constant 0 : i32
      %dma_start3A_192 = tpu.memref_slice %arg7[%dma_start3A_190, %dma_start3A_191] : memref<2x120xi32, #tpu.memory_space<vmem>> -> memref<1x120xi32, #tpu.memory_space<vmem>>
      %dma_start3A_193 = tpu.memref_squeeze %dma_start3A_192 : memref<1x120xi32, #tpu.memory_space<vmem>> -> memref<120xi32, #tpu.memory_space<vmem>>
      %dma_start3A_194 = arith.constant 0 : i32
      %dma_start3A_195 = arith.constant 0 : i32
      %dma_start3A_196 = tpu.memref_slice %arg2[%dma_start3A_194, %dma_start3A_195] : memref<10000x128xf32, #tpu.memory_space<hbm>> -> memref<10000x128xf32, #tpu.memory_space<hbm>>
      tpu.enqueue_indirect_dma source(%dma_start3A_196 : memref<10000x128xf32, #tpu.memory_space<hbm>>) target(%arg10 : memref<120x128xf32, #tpu.memory_space<vmem>>) offsets(%dma_start3A_193 : memref<120xi32, #tpu.memory_space<vmem>>) semaphore(%arg14 : memref<!tpu.dma_semaphore, #tpu.memory_space<semaphore_mem>>)
      %dma_wait3A_197 = arith.constant 0 : i32
      %dma_wait3A_198 = arith.constant 0 : i32
      %dma_wait3A_199 = tpu.memref_slice %arg8[%dma_wait3A_197, %dma_wait3A_198] : memref<2x120xi32, #tpu.memory_space<vmem>> -> memref<1x120xi32, #tpu.memory_space<vmem>>
      %dma_wait3A_200 = tpu.memref_squeeze %dma_wait3A_199 : memref<1x120xi32, #tpu.memory_space<vmem>> -> memref<120xi32, #tpu.memory_space<vmem>>
      %dma_wait3A_201 = arith.constant 0 : i32
      %dma_wait3A_202 = arith.constant 0 : i32
      %dma_wait3A_203 = tpu.memref_slice %arg2[%dma_wait3A_201, %dma_wait3A_202] : memref<10000x128xf32, #tpu.memory_space<hbm>> -> memref<10000x128xf32, #tpu.memory_space<hbm>>
      tpu.wait_indirect_dma semaphore(%arg15 : memref<!tpu.dma_semaphore, #tpu.memory_space<semaphore_mem>>) src(%dma_wait3A_203 : memref<10000x128xf32, #tpu.memory_space<hbm>>) dst(%arg11 : memref<120x128xf32, #tpu.memory_space<vmem>>)
      %run_scoped3A_204 = arith.constant 1 : i32
      "tpu.region"() ({
        %run_scoped3A_233 = tpu.sem_alloc : memref<!tpu.dma_semaphore, #tpu.memory_space<semaphore_mem>>
        %dma_start3A_234 = arith.constant 0 : i32
        %dma_start3A_235 = tpu.memref_slice %arg8[%run_scoped3A_204, %dma_start3A_234] : memref<2x120xi32, #tpu.memory_space<vmem>> -> memref<1x120xi32, #tpu.memory_space<vmem>>
        %dma_start3A_236 = tpu.memref_squeeze %dma_start3A_235 : memref<1x120xi32, #tpu.memory_space<vmem>> -> memref<120xi32, #tpu.memory_space<vmem>>
        %dma_start3A_237 = arith.constant 0 : i32
        %dma_start3A_238 = arith.constant 0 : i32
        %dma_start3A_239 = tpu.memref_slice %arg12[%dma_start3A_237, %dma_start3A_238] : memref<10240x128xf32, #tpu.memory_space<vmem_shared>> -> memref<10240x128xf32, #tpu.memory_space<vmem_shared>>
        tpu.enqueue_indirect_dma source(%arg11 : memref<120x128xf32, #tpu.memory_space<vmem>>) target(%dma_start3A_239 : memref<10240x128xf32, #tpu.memory_space<vmem_shared>>) offsets(%dma_start3A_236 : memref<120xi32, #tpu.memory_space<vmem>>) semaphore(%run_scoped3A_233 : memref<!tpu.dma_semaphore, #tpu.memory_space<semaphore_mem>>) {add = true}
        %dma_wait3A_240 = arith.constant 0 : i32
        %dma_wait3A_241 = tpu.memref_slice %arg8[%run_scoped3A_204, %dma_wait3A_240] : memref<2x120xi32, #tpu.memory_space<vmem>> -> memref<1x120xi32, #tpu.memory_space<vmem>>
        %dma_wait3A_242 = tpu.memref_squeeze %dma_wait3A_241 : memref<1x120xi32, #tpu.memory_space<vmem>> -> memref<120xi32, #tpu.memory_space<vmem>>
        %dma_wait3A_243 = arith.constant 0 : i32
        %dma_wait3A_244 = arith.constant 0 : i32
        %dma_wait3A_245 = tpu.memref_slice %arg12[%dma_wait3A_243, %dma_wait3A_244] : memref<10240x128xf32, #tpu.memory_space<vmem_shared>> -> memref<10240x128xf32, #tpu.memory_space<vmem_shared>>
        tpu.wait_indirect_dma semaphore(%run_scoped3A_233 : memref<!tpu.dma_semaphore, #tpu.memory_space<semaphore_mem>>) src(%arg11 : memref<120x128xf32, #tpu.memory_space<vmem>>) dst(%dma_wait3A_245 : memref<10240x128xf32, #tpu.memory_space<vmem_shared>>)
        tpu.yield
      }) : () -> ()
      %add3A_205 = arith.constant 2 : i32
      %add3A_206 = arith.addi %add3A_125, %add3A_205 : i32
      %add3A_207 = arith.constant 3 : i32
      %add3A_208 = arith.addi %add3A_206, %add3A_207 : i32
      %min3A_209 = arith.minsi %add3A_208, %max3A : i32
      %dma_start3A_210 = arith.constant 0 : i32
      %dma_start3A_211 = arith.constant 0 : i32
      %dma_start3A_212 = tpu.memref_slice %arg3[%min3A_209, %dma_start3A_210, %dma_start3A_211] : memref<2688x2x120xi32, #tpu.memory_space<hbm>> -> memref<1x2x120xi32, #tpu.memory_space<hbm>>
      %dma_start3A_213 = tpu.memref_squeeze %dma_start3A_212 : memref<1x2x120xi32, #tpu.memory_space<hbm>> -> memref<2x120xi32, #tpu.memory_space<hbm>>
      %dma_start3A_214 = arith.constant 0 : i32
      %dma_start3A_215 = arith.constant 0 : i32
      %dma_start3A_216 = tpu.memref_slice %arg3[%min3A_209, %dma_start3A_214, %dma_start3A_215] : memref<2688x2x120xi32, #tpu.memory_space<hbm>> -> memref<1x2x120xi32, #tpu.memory_space<hbm>>
      %dma_start3A_217 = tpu.memref_squeeze %dma_start3A_216 : memref<1x2x120xi32, #tpu.memory_space<hbm>> -> memref<2x120xi32, #tpu.memory_space<hbm>>
      tpu.enqueue_dma source(%dma_start3A_217 : memref<2x120xi32, #tpu.memory_space<hbm>>) target(%arg8 : memref<2x120xi32, #tpu.memory_space<vmem>>) target_semaphore(%arg18 : memref<!tpu.dma_semaphore, #tpu.memory_space<semaphore_mem>>)
      %dma_wait3A_218 = arith.constant 0 : i32
      %dma_wait3A_219 = arith.constant 0 : i32
      %dma_wait3A_220 = tpu.memref_slice %arg3[%min3A_7, %dma_wait3A_218, %dma_wait3A_219] : memref<2688x2x120xi32, #tpu.memory_space<hbm>> -> memref<1x2x120xi32, #tpu.memory_space<hbm>>
      %dma_wait3A_221 = tpu.memref_squeeze %dma_wait3A_220 : memref<1x2x120xi32, #tpu.memory_space<hbm>> -> memref<2x120xi32, #tpu.memory_space<hbm>>
      %dma_wait3A_222 = arith.constant 0 : i32
      %dma_wait3A_223 = arith.constant 0 : i32
      %dma_wait3A_224 = tpu.memref_slice %arg3[%min3A_7, %dma_wait3A_222, %dma_wait3A_223] : memref<2688x2x120xi32, #tpu.memory_space<hbm>> -> memref<1x2x120xi32, #tpu.memory_space<hbm>>
      %dma_wait3A_225 = tpu.memref_squeeze %dma_wait3A_224 : memref<1x2x120xi32, #tpu.memory_space<hbm>> -> memref<2x120xi32, #tpu.memory_space<hbm>>
      tpu.wait_dma2 semaphore(%arg18 : memref<!tpu.dma_semaphore, #tpu.memory_space<semaphore_mem>>) src(%dma_wait3A_225 : memref<2x120xi32, #tpu.memory_space<hbm>>) dst(%arg8 : memref<2x120xi32, #tpu.memory_space<vmem>>)
      %dma_start3A_226 = arith.constant 0 : i32
      %dma_start3A_227 = arith.constant 0 : i32
      %dma_start3A_228 = tpu.memref_slice %arg8[%dma_start3A_226, %dma_start3A_227] : memref<2x120xi32, #tpu.memory_space<vmem>> -> memref<1x120xi32, #tpu.memory_space<vmem>>
      %dma_start3A_229 = tpu.memref_squeeze %dma_start3A_228 : memref<1x120xi32, #tpu.memory_space<vmem>> -> memref<120xi32, #tpu.memory_space<vmem>>
      %dma_start3A_230 = arith.constant 0 : i32
      %dma_start3A_231 = arith.constant 0 : i32
      %dma_start3A_232 = tpu.memref_slice %arg2[%dma_start3A_230, %dma_start3A_231] : memref<10000x128xf32, #tpu.memory_space<hbm>> -> memref<10000x128xf32, #tpu.memory_space<hbm>>
      tpu.enqueue_indirect_dma source(%dma_start3A_232 : memref<10000x128xf32, #tpu.memory_space<hbm>>) target(%arg11 : memref<120x128xf32, #tpu.memory_space<vmem>>) offsets(%dma_start3A_229 : memref<120xi32, #tpu.memory_space<vmem>>) semaphore(%arg15 : memref<!tpu.dma_semaphore, #tpu.memory_space<semaphore_mem>>)
    }
    %while3A_99 = arith.constant 1 : i32
    scf.for %while3A_122 = %while3A_97 to %while3A_93 step %while3A_99  : i32 {
      %mul3A_123 = arith.constant 3 : i32
      %mul3A_124 = arith.muli %mul3A_123, %while3A_122 : i32
      %add3A_125 = arith.addi %min3A_7, %mul3A_124 : i32
      %dma_wait3A_126 = arith.constant 0 : i32
      %dma_wait3A_127 = arith.constant 0 : i32
      %dma_wait3A_128 = tpu.memref_slice %arg6[%dma_wait3A_126, %dma_wait3A_127] : memref<2x120xi32, #tpu.memory_space<vmem>> -> memref<1x120xi32, #tpu.memory_space<vmem>>
      %dma_wait3A_129 = tpu.memref_squeeze %dma_wait3A_128 : memref<1x120xi32, #tpu.memory_space<vmem>> -> memref<120xi32, #tpu.memory_space<vmem>>
      %dma_wait3A_130 = arith.constant 0 : i32
      %dma_wait3A_131 = arith.constant 0 : i32
      %dma_wait3A_132 = tpu.memref_slice %arg2[%dma_wait3A_130, %dma_wait3A_131] : memref<10000x128xf32, #tpu.memory_space<hbm>> -> memref<10000x128xf32, #tpu.memory_space<hbm>>
      tpu.wait_indirect_dma semaphore(%arg13 : memref<!tpu.dma_semaphore, #tpu.memory_space<semaphore_mem>>) src(%dma_wait3A_132 : memref<10000x128xf32, #tpu.memory_space<hbm>>) dst(%arg9 : memref<120x128xf32, #tpu.memory_space<vmem>>)
      %run_scoped3A = arith.constant 1 : i32
      "tpu.region"() ({
        %run_scoped3A_233 = tpu.sem_alloc : memref<!tpu.dma_semaphore, #tpu.memory_space<semaphore_mem>>
        %dma_start3A_234 = arith.constant 0 : i32
        %dma_start3A_235 = tpu.memref_slice %arg6[%run_scoped3A, %dma_start3A_234] : memref<2x120xi32, #tpu.memory_space<vmem>> -> memref<1x120xi32, #tpu.memory_space<vmem>>
        %dma_start3A_236 = tpu.memref_squeeze %dma_start3A_235 : memref<1x120xi32, #tpu.memory_space<vmem>> -> memref<120xi32, #tpu.memory_space<vmem>>
        %dma_start3A_237 = arith.constant 0 : i32
        %dma_start3A_238 = arith.constant 0 : i32
        %dma_start3A_239 = tpu.memref_slice %arg12[%dma_start3A_237, %dma_start3A_238] : memref<10240x128xf32, #tpu.memory_space<vmem_shared>> -> memref<10240x128xf32, #tpu.memory_space<vmem_shared>>
        tpu.enqueue_indirect_dma source(%arg9 : memref<120x128xf32, #tpu.memory_space<vmem>>) target(%dma_start3A_239 : memref<10240x128xf32, #tpu.memory_space<vmem_shared>>) offsets(%dma_start3A_236 : memref<120xi32, #tpu.memory_space<vmem>>) semaphore(%run_scoped3A_233 : memref<!tpu.dma_semaphore, #tpu.memory_space<semaphore_mem>>) {add = true}
        %dma_wait3A_240 = arith.constant 0 : i32
        %dma_wait3A_241 = tpu.memref_slice %arg6[%run_scoped3A, %dma_wait3A_240] : memref<2x120xi32, #tpu.memory_space<vmem>> -> memref<1x120xi32, #tpu.memory_space<vmem>>
        %dma_wait3A_242 = tpu.memref_squeeze %dma_wait3A_241 : memref<1x120xi32, #tpu.memory_space<vmem>> -> memref<120xi32, #tpu.memory_space<vmem>>
        %dma_wait3A_243 = arith.constant 0 : i32
        %dma_wait3A_244 = arith.constant 0 : i32
        %dma_wait3A_245 = tpu.memref_slice %arg12[%dma_wait3A_243, %dma_wait3A_244] : memref<10240x128xf32, #tpu.memory_space<vmem_shared>> -> memref<10240x128xf32, #tpu.memory_space<vmem_shared>>
        tpu.wait_indirect_dma semaphore(%run_scoped3A_233 : memref<!tpu.dma_semaphore, #tpu.memory_space<semaphore_mem>>) src(%arg9 : memref<120x128xf32, #tpu.memory_space<vmem>>) dst(%dma_wait3A_245 : memref<10240x128xf32, #tpu.memory_space<vmem_shared>>)
        tpu.yield
      }) : () -> ()
      %add3A_133 = arith.constant 0 : i32
      %add3A_134 = arith.addi %add3A_125, %add3A_133 : i32
      %add3A_135 = arith.constant 3 : i32
      %add3A_136 = arith.addi %add3A_134, %add3A_135 : i32
      %min3A_137 = arith.minsi %add3A_136, %max3A : i32
      %dma_start3A_138 = arith.constant 0 : i32
      %dma_start3A_139 = arith.constant 0 : i32
      %dma_start3A_140 = tpu.memref_slice %arg3[%min3A_137, %dma_start3A_138, %dma_start3A_139] : memref<2688x2x120xi32, #tpu.memory_space<hbm>> -> memref<1x2x120xi32, #tpu.memory_space<hbm>>
      %dma_start3A_141 = tpu.memref_squeeze %dma_start3A_140 : memref<1x2x120xi32, #tpu.memory_space<hbm>> -> memref<2x120xi32, #tpu.memory_space<hbm>>
      %dma_start3A_142 = arith.constant 0 : i32
      %dma_start3A_143 = arith.constant 0 : i32
      %dma_start3A_144 = tpu.memref_slice %arg3[%min3A_137, %dma_start3A_142, %dma_start3A_143] : memref<2688x2x120xi32, #tpu.memory_space<hbm>> -> memref<1x2x120xi32, #tpu.memory_space<hbm>>
      %dma_start3A_145 = tpu.memref_squeeze %dma_start3A_144 : memref<1x2x120xi32, #tpu.memory_space<hbm>> -> memref<2x120xi32, #tpu.memory_space<hbm>>
      tpu.enqueue_dma source(%dma_start3A_145 : memref<2x120xi32, #tpu.memory_space<hbm>>) target(%arg6 : memref<2x120xi32, #tpu.memory_space<vmem>>) target_semaphore(%arg16 : memref<!tpu.dma_semaphore, #tpu.memory_space<semaphore_mem>>)
      %dma_wait3A_146 = arith.constant 0 : i32
      %dma_wait3A_147 = arith.constant 0 : i32
      %dma_wait3A_148 = tpu.memref_slice %arg3[%min3A_7, %dma_wait3A_146, %dma_wait3A_147] : memref<2688x2x120xi32, #tpu.memory_space<hbm>> -> memref<1x2x120xi32, #tpu.memory_space<hbm>>
      %dma_wait3A_149 = tpu.memref_squeeze %dma_wait3A_148 : memref<1x2x120xi32, #tpu.memory_space<hbm>> -> memref<2x120xi32, #tpu.memory_space<hbm>>
      %dma_wait3A_150 = arith.constant 0 : i32
      %dma_wait3A_151 = arith.constant 0 : i32
      %dma_wait3A_152 = tpu.memref_slice %arg3[%min3A_7, %dma_wait3A_150, %dma_wait3A_151] : memref<2688x2x120xi32, #tpu.memory_space<hbm>> -> memref<1x2x120xi32, #tpu.memory_space<hbm>>
      %dma_wait3A_153 = tpu.memref_squeeze %dma_wait3A_152 : memref<1x2x120xi32, #tpu.memory_space<hbm>> -> memref<2x120xi32, #tpu.memory_space<hbm>>
      tpu.wait_dma2 semaphore(%arg16 : memref<!tpu.dma_semaphore, #tpu.memory_space<semaphore_mem>>) src(%dma_wait3A_153 : memref<2x120xi32, #tpu.memory_space<hbm>>) dst(%arg6 : memref<2x120xi32, #tpu.memory_space<vmem>>)
      %dma_start3A_154 = arith.constant 0 : i32
      %dma_start3A_155 = arith.constant 0 : i32
      %dma_start3A_156 = tpu.memref_slice %arg6[%dma_start3A_154, %dma_start3A_155] : memref<2x120xi32, #tpu.memory_space<vmem>> -> memref<1x120xi32, #tpu.memory_space<vmem>>
      %dma_start3A_157 = tpu.memref_squeeze %dma_start3A_156 : memref<1x120xi32, #tpu.memory_space<vmem>> -> memref<120xi32, #tpu.memory_space<vmem>>
      %dma_start3A_158 = arith.constant 0 : i32
      %dma_start3A_159 = arith.constant 0 : i32
      %dma_start3A_160 = tpu.memref_slice %arg2[%dma_start3A_158, %dma_start3A_159] : memref<10000x128xf32, #tpu.memory_space<hbm>> -> memref<10000x128xf32, #tpu.memory_space<hbm>>
      tpu.enqueue_indirect_dma source(%dma_start3A_160 : memref<10000x128xf32, #tpu.memory_space<hbm>>) target(%arg9 : memref<120x128xf32, #tpu.memory_space<vmem>>) offsets(%dma_start3A_157 : memref<120xi32, #tpu.memory_space<vmem>>) semaphore(%arg13 : memref<!tpu.dma_semaphore, #tpu.memory_space<semaphore_mem>>)
      %dma_wait3A_161 = arith.constant 0 : i32
      %dma_wait3A_162 = arith.constant 0 : i32
      %dma_wait3A_163 = tpu.memref_slice %arg7[%dma_wait3A_161, %dma_wait3A_162] : memref<2x120xi32, #tpu.memory_space<vmem>> -> memref<1x120xi32, #tpu.memory_space<vmem>>
      %dma_wait3A_164 = tpu.memref_squeeze %dma_wait3A_163 : memref<1x120xi32, #tpu.memory_space<vmem>> -> memref<120xi32, #tpu.memory_space<vmem>>
      %dma_wait3A_165 = arith.constant 0 : i32
      %dma_wait3A_166 = arith.constant 0 : i32
      %dma_wait3A_167 = tpu.memref_slice %arg2[%dma_wait3A_165, %dma_wait3A_166] : memref<10000x128xf32, #tpu.memory_space<hbm>> -> memref<10000x128xf32, #tpu.memory_space<hbm>>
      tpu.wait_indirect_dma semaphore(%arg14 : memref<!tpu.dma_semaphore, #tpu.memory_space<semaphore_mem>>) src(%dma_wait3A_167 : memref<10000x128xf32, #tpu.memory_space<hbm>>) dst(%arg10 : memref<120x128xf32, #tpu.memory_space<vmem>>)
      %run_scoped3A_168 = arith.constant 1 : i32
      "tpu.region"() ({
        %run_scoped3A_233 = tpu.sem_alloc : memref<!tpu.dma_semaphore, #tpu.memory_space<semaphore_mem>>
        %dma_start3A_234 = arith.constant 0 : i32
        %dma_start3A_235 = tpu.memref_slice %arg7[%run_scoped3A_168, %dma_start3A_234] : memref<2x120xi32, #tpu.memory_space<vmem>> -> memref<1x120xi32, #tpu.memory_space<vmem>>
        %dma_start3A_236 = tpu.memref_squeeze %dma_start3A_235 : memref<1x120xi32, #tpu.memory_space<vmem>> -> memref<120xi32, #tpu.memory_space<vmem>>
        %dma_start3A_237 = arith.constant 0 : i32
        %dma_start3A_238 = arith.constant 0 : i32
        %dma_start3A_239 = tpu.memref_slice %arg12[%dma_start3A_237, %dma_start3A_238] : memref<10240x128xf32, #tpu.memory_space<vmem_shared>> -> memref<10240x128xf32, #tpu.memory_space<vmem_shared>>
        tpu.enqueue_indirect_dma source(%arg10 : memref<120x128xf32, #tpu.memory_space<vmem>>) target(%dma_start3A_239 : memref<10240x128xf32, #tpu.memory_space<vmem_shared>>) offsets(%dma_start3A_236 : memref<120xi32, #tpu.memory_space<vmem>>) semaphore(%run_scoped3A_233 : memref<!tpu.dma_semaphore, #tpu.memory_space<semaphore_mem>>) {add = true}
        %dma_wait3A_240 = arith.constant 0 : i32
        %dma_wait3A_241 = tpu.memref_slice %arg7[%run_scoped3A_168, %dma_wait3A_240] : memref<2x120xi32, #tpu.memory_space<vmem>> -> memref<1x120xi32, #tpu.memory_space<vmem>>
        %dma_wait3A_242 = tpu.memref_squeeze %dma_wait3A_241 : memref<1x120xi32, #tpu.memory_space<vmem>> -> memref<120xi32, #tpu.memory_space<vmem>>
        %dma_wait3A_243 = arith.constant 0 : i32
        %dma_wait3A_244 = arith.constant 0 : i32
        %dma_wait3A_245 = tpu.memref_slice %arg12[%dma_wait3A_243, %dma_wait3A_244] : memref<10240x128xf32, #tpu.memory_space<vmem_shared>> -> memref<10240x128xf32, #tpu.memory_space<vmem_shared>>
        tpu.wait_indirect_dma semaphore(%run_scoped3A_233 : memref<!tpu.dma_semaphore, #tpu.memory_space<semaphore_mem>>) src(%arg10 : memref<120x128xf32, #tpu.memory_space<vmem>>) dst(%dma_wait3A_245 : memref<10240x128xf32, #tpu.memory_space<vmem_shared>>)
        tpu.yield
      }) : () -> ()
      %add3A_169 = arith.constant 1 : i32
      %add3A_170 = arith.addi %add3A_125, %add3A_169 : i32
      %add3A_171 = arith.constant 3 : i32
      %add3A_172 = arith.addi %add3A_170, %add3A_171 : i32
      %min3A_173 = arith.minsi %add3A_172, %max3A : i32
      %dma_start3A_174 = arith.constant 0 : i32
      %dma_start3A_175 = arith.constant 0 : i32
      %dma_start3A_176 = tpu.memref_slice %arg3[%min3A_173, %dma_start3A_174, %dma_start3A_175] : memref<2688x2x120xi32, #tpu.memory_space<hbm>> -> memref<1x2x120xi32, #tpu.memory_space<hbm>>
      %dma_start3A_177 = tpu.memref_squeeze %dma_start3A_176 : memref<1x2x120xi32, #tpu.memory_space<hbm>> -> memref<2x120xi32, #tpu.memory_space<hbm>>
      %dma_start3A_178 = arith.constant 0 : i32
      %dma_start3A_179 = arith.constant 0 : i32
      %dma_start3A_180 = tpu.memref_slice %arg3[%min3A_173, %dma_start3A_178, %dma_start3A_179] : memref<2688x2x120xi32, #tpu.memory_space<hbm>> -> memref<1x2x120xi32, #tpu.memory_space<hbm>>
      %dma_start3A_181 = tpu.memref_squeeze %dma_start3A_180 : memref<1x2x120xi32, #tpu.memory_space<hbm>> -> memref<2x120xi32, #tpu.memory_space<hbm>>
      tpu.enqueue_dma source(%dma_start3A_181 : memref<2x120xi32, #tpu.memory_space<hbm>>) target(%arg7 : memref<2x120xi32, #tpu.memory_space<vmem>>) target_semaphore(%arg17 : memref<!tpu.dma_semaphore, #tpu.memory_space<semaphore_mem>>)
      %dma_wait3A_182 = arith.constant 0 : i32
      %dma_wait3A_183 = arith.constant 0 : i32
      %dma_wait3A_184 = tpu.memref_slice %arg3[%min3A_7, %dma_wait3A_182, %dma_wait3A_183] : memref<2688x2x120xi32, #tpu.memory_space<hbm>> -> memref<1x2x120xi32, #tpu.memory_space<hbm>>
      %dma_wait3A_185 = tpu.memref_squeeze %dma_wait3A_184 : memref<1x2x120xi32, #tpu.memory_space<hbm>> -> memref<2x120xi32, #tpu.memory_space<hbm>>
      %dma_wait3A_186 = arith.constant 0 : i32
      %dma_wait3A_187 = arith.constant 0 : i32
      %dma_wait3A_188 = tpu.memref_slice %arg3[%min3A_7, %dma_wait3A_186, %dma_wait3A_187] : memref<2688x2x120xi32, #tpu.memory_space<hbm>> -> memref<1x2x120xi32, #tpu.memory_space<hbm>>
      %dma_wait3A_189 = tpu.memref_squeeze %dma_wait3A_188 : memref<1x2x120xi32, #tpu.memory_space<hbm>> -> memref<2x120xi32, #tpu.memory_space<hbm>>
      tpu.wait_dma2 semaphore(%arg17 : memref<!tpu.dma_semaphore, #tpu.memory_space<semaphore_mem>>) src(%dma_wait3A_189 : memref<2x120xi32, #tpu.memory_space<hbm>>) dst(%arg7 : memref<2x120xi32, #tpu.memory_space<vmem>>)
      %dma_start3A_190 = arith.constant 0 : i32
      %dma_start3A_191 = arith.constant 0 : i32
      %dma_start3A_192 = tpu.memref_slice %arg7[%dma_start3A_190, %dma_start3A_191] : memref<2x120xi32, #tpu.memory_space<vmem>> -> memref<1x120xi32, #tpu.memory_space<vmem>>
      %dma_start3A_193 = tpu.memref_squeeze %dma_start3A_192 : memref<1x120xi32, #tpu.memory_space<vmem>> -> memref<120xi32, #tpu.memory_space<vmem>>
      %dma_start3A_194 = arith.constant 0 : i32
      %dma_start3A_195 = arith.constant 0 : i32
      %dma_start3A_196 = tpu.memref_slice %arg2[%dma_start3A_194, %dma_start3A_195] : memref<10000x128xf32, #tpu.memory_space<hbm>> -> memref<10000x128xf32, #tpu.memory_space<hbm>>
      tpu.enqueue_indirect_dma source(%dma_start3A_196 : memref<10000x128xf32, #tpu.memory_space<hbm>>) target(%arg10 : memref<120x128xf32, #tpu.memory_space<vmem>>) offsets(%dma_start3A_193 : memref<120xi32, #tpu.memory_space<vmem>>) semaphore(%arg14 : memref<!tpu.dma_semaphore, #tpu.memory_space<semaphore_mem>>)
      %dma_wait3A_197 = arith.constant 0 : i32
      %dma_wait3A_198 = arith.constant 0 : i32
      %dma_wait3A_199 = tpu.memref_slice %arg8[%dma_wait3A_197, %dma_wait3A_198] : memref<2x120xi32, #tpu.memory_space<vmem>> -> memref<1x120xi32, #tpu.memory_space<vmem>>
      %dma_wait3A_200 = tpu.memref_squeeze %dma_wait3A_199 : memref<1x120xi32, #tpu.memory_space<vmem>> -> memref<120xi32, #tpu.memory_space<vmem>>
      %dma_wait3A_201 = arith.constant 0 : i32
      %dma_wait3A_202 = arith.constant 0 : i32
      %dma_wait3A_203 = tpu.memref_slice %arg2[%dma_wait3A_201, %dma_wait3A_202] : memref<10000x128xf32, #tpu.memory_space<hbm>> -> memref<10000x128xf32, #tpu.memory_space<hbm>>
      tpu.wait_indirect_dma semaphore(%arg15 : memref<!tpu.dma_semaphore, #tpu.memory_space<semaphore_mem>>) src(%dma_wait3A_203 : memref<10000x128xf32, #tpu.memory_space<hbm>>) dst(%arg11 : memref<120x128xf32, #tpu.memory_space<vmem>>)
      %run_scoped3A_204 = arith.constant 1 : i32
      "tpu.region"() ({
        %run_scoped3A_233 = tpu.sem_alloc : memref<!tpu.dma_semaphore, #tpu.memory_space<semaphore_mem>>
        %dma_start3A_234 = arith.constant 0 : i32
        %dma_start3A_235 = tpu.memref_slice %arg8[%run_scoped3A_204, %dma_start3A_234] : memref<2x120xi32, #tpu.memory_space<vmem>> -> memref<1x120xi32, #tpu.memory_space<vmem>>
        %dma_start3A_236 = tpu.memref_squeeze %dma_start3A_235 : memref<1x120xi32, #tpu.memory_space<vmem>> -> memref<120xi32, #tpu.memory_space<vmem>>
        %dma_start3A_237 = arith.constant 0 : i32
        %dma_start3A_238 = arith.constant 0 : i32
        %dma_start3A_239 = tpu.memref_slice %arg12[%dma_start3A_237, %dma_start3A_238] : memref<10240x128xf32, #tpu.memory_space<vmem_shared>> -> memref<10240x128xf32, #tpu.memory_space<vmem_shared>>
        tpu.enqueue_indirect_dma source(%arg11 : memref<120x128xf32, #tpu.memory_space<vmem>>) target(%dma_start3A_239 : memref<10240x128xf32, #tpu.memory_space<vmem_shared>>) offsets(%dma_start3A_236 : memref<120xi32, #tpu.memory_space<vmem>>) semaphore(%run_scoped3A_233 : memref<!tpu.dma_semaphore, #tpu.memory_space<semaphore_mem>>) {add = true}
        %dma_wait3A_240 = arith.constant 0 : i32
        %dma_wait3A_241 = tpu.memref_slice %arg8[%run_scoped3A_204, %dma_wait3A_240] : memref<2x120xi32, #tpu.memory_space<vmem>> -> memref<1x120xi32, #tpu.memory_space<vmem>>
        %dma_wait3A_242 = tpu.memref_squeeze %dma_wait3A_241 : memref<1x120xi32, #tpu.memory_space<vmem>> -> memref<120xi32, #tpu.memory_space<vmem>>
        %dma_wait3A_243 = arith.constant 0 : i32
        %dma_wait3A_244 = arith.constant 0 : i32
        %dma_wait3A_245 = tpu.memref_slice %arg12[%dma_wait3A_243, %dma_wait3A_244] : memref<10240x128xf32, #tpu.memory_space<vmem_shared>> -> memref<10240x128xf32, #tpu.memory_space<vmem_shared>>
        tpu.wait_indirect_dma semaphore(%run_scoped3A_233 : memref<!tpu.dma_semaphore, #tpu.memory_space<semaphore_mem>>) src(%arg11 : memref<120x128xf32, #tpu.memory_space<vmem>>) dst(%dma_wait3A_245 : memref<10240x128xf32, #tpu.memory_space<vmem_shared>>)
        tpu.yield
      }) : () -> ()
      %add3A_205 = arith.constant 2 : i32
      %add3A_206 = arith.addi %add3A_125, %add3A_205 : i32
      %add3A_207 = arith.constant 3 : i32
      %add3A_208 = arith.addi %add3A_206, %add3A_207 : i32
      %min3A_209 = arith.minsi %add3A_208, %max3A : i32
      %dma_start3A_210 = arith.constant 0 : i32
      %dma_start3A_211 = arith.constant 0 : i32
      %dma_start3A_212 = tpu.memref_slice %arg3[%min3A_209, %dma_start3A_210, %dma_start3A_211] : memref<2688x2x120xi32, #tpu.memory_space<hbm>> -> memref<1x2x120xi32, #tpu.memory_space<hbm>>
      %dma_start3A_213 = tpu.memref_squeeze %dma_start3A_212 : memref<1x2x120xi32, #tpu.memory_space<hbm>> -> memref<2x120xi32, #tpu.memory_space<hbm>>
      %dma_start3A_214 = arith.constant 0 : i32
      %dma_start3A_215 = arith.constant 0 : i32
      %dma_start3A_216 = tpu.memref_slice %arg3[%min3A_209, %dma_start3A_214, %dma_start3A_215] : memref<2688x2x120xi32, #tpu.memory_space<hbm>> -> memref<1x2x120xi32, #tpu.memory_space<hbm>>
      %dma_start3A_217 = tpu.memref_squeeze %dma_start3A_216 : memref<1x2x120xi32, #tpu.memory_space<hbm>> -> memref<2x120xi32, #tpu.memory_space<hbm>>
      tpu.enqueue_dma source(%dma_start3A_217 : memref<2x120xi32, #tpu.memory_space<hbm>>) target(%arg8 : memref<2x120xi32, #tpu.memory_space<vmem>>) target_semaphore(%arg18 : memref<!tpu.dma_semaphore, #tpu.memory_space<semaphore_mem>>)
      %dma_wait3A_218 = arith.constant 0 : i32
      %dma_wait3A_219 = arith.constant 0 : i32
      %dma_wait3A_220 = tpu.memref_slice %arg3[%min3A_7, %dma_wait3A_218, %dma_wait3A_219] : memref<2688x2x120xi32, #tpu.memory_space<hbm>> -> memref<1x2x120xi32, #tpu.memory_space<hbm>>
      %dma_wait3A_221 = tpu.memref_squeeze %dma_wait3A_220 : memref<1x2x120xi32, #tpu.memory_space<hbm>> -> memref<2x120xi32, #tpu.memory_space<hbm>>
      %dma_wait3A_222 = arith.constant 0 : i32
      %dma_wait3A_223 = arith.constant 0 : i32
      %dma_wait3A_224 = tpu.memref_slice %arg3[%min3A_7, %dma_wait3A_222, %dma_wait3A_223] : memref<2688x2x120xi32, #tpu.memory_space<hbm>> -> memref<1x2x120xi32, #tpu.memory_space<hbm>>
      %dma_wait3A_225 = tpu.memref_squeeze %dma_wait3A_224 : memref<1x2x120xi32, #tpu.memory_space<hbm>> -> memref<2x120xi32, #tpu.memory_space<hbm>>
      tpu.wait_dma2 semaphore(%arg18 : memref<!tpu.dma_semaphore, #tpu.memory_space<semaphore_mem>>) src(%dma_wait3A_225 : memref<2x120xi32, #tpu.memory_space<hbm>>) dst(%arg8 : memref<2x120xi32, #tpu.memory_space<vmem>>)
      %dma_start3A_226 = arith.constant 0 : i32
      %dma_start3A_227 = arith.constant 0 : i32
      %dma_start3A_228 = tpu.memref_slice %arg8[%dma_start3A_226, %dma_start3A_227] : memref<2x120xi32, #tpu.memory_space<vmem>> -> memref<1x120xi32, #tpu.memory_space<vmem>>
      %dma_start3A_229 = tpu.memref_squeeze %dma_start3A_228 : memref<1x120xi32, #tpu.memory_space<vmem>> -> memref<120xi32, #tpu.memory_space<vmem>>
      %dma_start3A_230 = arith.constant 0 : i32
      %dma_start3A_231 = arith.constant 0 : i32
      %dma_start3A_232 = tpu.memref_slice %arg2[%dma_start3A_230, %dma_start3A_231] : memref<10000x128xf32, #tpu.memory_space<hbm>> -> memref<10000x128xf32, #tpu.memory_space<hbm>>
      tpu.enqueue_indirect_dma source(%dma_start3A_232 : memref<10000x128xf32, #tpu.memory_space<hbm>>) target(%arg11 : memref<120x128xf32, #tpu.memory_space<vmem>>) offsets(%dma_start3A_229 : memref<120xi32, #tpu.memory_space<vmem>>) semaphore(%arg15 : memref<!tpu.dma_semaphore, #tpu.memory_space<semaphore_mem>>)
    }
    %dma_wait3A_100 = arith.constant 0 : i32
    %dma_wait3A_101 = arith.constant 0 : i32
    %dma_wait3A_102 = tpu.memref_slice %arg6[%dma_wait3A_100, %dma_wait3A_101] : memref<2x120xi32, #tpu.memory_space<vmem>> -> memref<1x120xi32, #tpu.memory_space<vmem>>
    %dma_wait3A_103 = tpu.memref_squeeze %dma_wait3A_102 : memref<1x120xi32, #tpu.memory_space<vmem>> -> memref<120xi32, #tpu.memory_space<vmem>>
    %dma_wait3A_104 = arith.constant 0 : i32
    %dma_wait3A_105 = arith.constant 0 : i32
    %dma_wait3A_106 = tpu.memref_slice %arg2[%dma_wait3A_104, %dma_wait3A_105] : memref<10000x128xf32, #tpu.memory_space<hbm>> -> memref<10000x128xf32, #tpu.memory_space<hbm>>
    tpu.wait_indirect_dma semaphore(%arg13 : memref<!tpu.dma_semaphore, #tpu.memory_space<semaphore_mem>>) src(%dma_wait3A_106 : memref<10000x128xf32, #tpu.memory_space<hbm>>) dst(%arg9 : memref<120x128xf32, #tpu.memory_space<vmem>>)
    %dma_wait3A_107 = arith.constant 0 : i32
    %dma_wait3A_108 = arith.constant 0 : i32
    %dma_wait3A_109 = tpu.memref_slice %arg7[%dma_wait3A_107, %dma_wait3A_108] : memref<2x120xi32, #tpu.memory_space<vmem>> -> memref<1x120xi32, #tpu.memory_space<vmem>>
    %dma_wait3A_110 = tpu.memref_squeeze %dma_wait3A_109 : memref<1x120xi32, #tpu.memory_space<vmem>> -> memref<120xi32, #tpu.memory_space<vmem>>
    %dma_wait3A_111 = arith.constant 0 : i32
    %dma_wait3A_112 = arith.constant 0 : i32
    %dma_wait3A_113 = tpu.memref_slice %arg2[%dma_wait3A_111, %dma_wait3A_112] : memref<10000x128xf32, #tpu.memory_space<hbm>> -> memref<10000x128xf32, #tpu.memory_space<hbm>>
    tpu.wait_indirect_dma semaphore(%arg14 : memref<!tpu.dma_semaphore, #tpu.memory_space<semaphore_mem>>) src(%dma_wait3A_113 : memref<10000x128xf32, #tpu.memory_space<hbm>>) dst(%arg10 : memref<120x128xf32, #tpu.memory_space<vmem>>)
    %dma_wait3A_114 = arith.constant 0 : i32
    %dma_wait3A_115 = arith.constant 0 : i32
    %dma_wait3A_116 = tpu.memref_slice %arg8[%dma_wait3A_114, %dma_wait3A_115] : memref<2x120xi32, #tpu.memory_space<vmem>> -> memref<1x120xi32, #tpu.memory_space<vmem>>
    %dma_wait3A_117 = tpu.memref_squeeze %dma_wait3A_116 : memref<1x120xi32, #tpu.memory_space<vmem>> -> memref<120xi32, #tpu.memory_space<vmem>>
    %dma_wait3A_118 = arith.constant 0 : i32
    %dma_wait3A_119 = arith.constant 0 : i32
    %dma_wait3A_120 = tpu.memref_slice %arg2[%dma_wait3A_118, %dma_wait3A_119] : memref<10000x128xf32, #tpu.memory_space<hbm>> -> memref<10000x128xf32, #tpu.memory_space<hbm>>
    tpu.wait_indirect_dma semaphore(%arg15 : memref<!tpu.dma_semaphore, #tpu.memory_space<semaphore_mem>>) src(%dma_wait3A_120 : memref<10000x128xf32, #tpu.memory_space<hbm>>) dst(%arg11 : memref<120x128xf32, #tpu.memory_space<vmem>>)
    %barrier3A_121 = arith.constant 0 : index
    tpu.barrier barrier_id(%barrier3A_121)
    "tpu.region"() ({
      %run_scoped3A = tpu.sem_alloc : memref<!tpu.dma_semaphore, #tpu.memory_space<semaphore_mem>>
      %dma_start3A_122 = arith.constant 0 : i32
      %dma_start3A_123 = tpu.memref_slice %arg5[%arg0, %mul3A_0, %dma_start3A_122] : memref<2x10240x128xf32, #tpu.memory_space<hbm>> -> memref<1x640x128xf32, #tpu.memory_space<hbm>>
      %dma_start3A_124 = tpu.memref_squeeze %dma_start3A_123 : memref<1x640x128xf32, #tpu.memory_space<hbm>> -> memref<640x128xf32, #tpu.memory_space<hbm>>
      %dma_start3A_125 = arith.constant 0 : i32
      %dma_start3A_126 = tpu.memref_slice %arg12[%mul3A_0, %dma_start3A_125] : memref<10240x128xf32, #tpu.memory_space<vmem_shared>> -> memref<640x128xf32, #tpu.memory_space<vmem_shared>>
      tpu.enqueue_dma source(%dma_start3A_126 : memref<640x128xf32, #tpu.memory_space<vmem_shared>>) target(%dma_start3A_124 : memref<640x128xf32, #tpu.memory_space<hbm>>) target_semaphore(%run_scoped3A : memref<!tpu.dma_semaphore, #tpu.memory_space<semaphore_mem>>)
      %dma_wait3A_127 = arith.constant 0 : i32
      %dma_wait3A_128 = tpu.memref_slice %arg5[%arg0, %mul3A_0, %dma_wait3A_127] : memref<2x10240x128xf32, #tpu.memory_space<hbm>> -> memref<1x640x128xf32, #tpu.memory_space<hbm>>
      %dma_wait3A_129 = tpu.memref_squeeze %dma_wait3A_128 : memref<1x640x128xf32, #tpu.memory_space<hbm>> -> memref<640x128xf32, #tpu.memory_space<hbm>>
      %dma_wait3A_130 = arith.constant 0 : i32
      %dma_wait3A_131 = tpu.memref_slice %arg12[%mul3A_0, %dma_wait3A_130] : memref<10240x128xf32, #tpu.memory_space<vmem_shared>> -> memref<640x128xf32, #tpu.memory_space<vmem_shared>>
      tpu.wait_dma2 semaphore(%run_scoped3A : memref<!tpu.dma_semaphore, #tpu.memory_space<semaphore_mem>>) src(%dma_wait3A_131 : memref<640x128xf32, #tpu.memory_space<vmem_shared>>) dst(%dma_wait3A_129 : memref<640x128xf32, #tpu.memory_space<hbm>>)
      tpu.yield
    }) : () -> ()
    return
  }
}

#map = affine_map<(d0, d1) -> (0, 0)>
#map1 = affine_map<(d0, d1) -> (0, 0, 0)>
module attributes {stable_mosaic.version = 14 : i64} {
  func.func @spmm(%arg0: i32, %arg1: i32, %arg2: memref<10000x128xf32, #tpu.memory_space<hbm>>, %arg3: memref<2688x2x120xi32, #tpu.memory_space<hbm>>, %arg4: memref<10240x128xf32, #tpu.memory_space<hbm>>, %arg5: memref<2x10240x128xf32, #tpu.memory_space<hbm>>, %arg6: memref<2x120xi32, #tpu.memory_space<vmem>>, %arg7: memref<2x120xi32, #tpu.memory_space<vmem>>, %arg8: memref<2x120xi32, #tpu.memory_space<vmem>>, %arg9: memref<120x128xf32, #tpu.memory_space<vmem>>, %arg10: memref<120x128xf32, #tpu.memory_space<vmem>>, %arg11: memref<120x128xf32, #tpu.memory_space<vmem>>, %arg12: memref<10240x128xf32, #tpu.memory_space<vmem_shared>>, %arg13: memref<!tpu.dma_semaphore, #tpu.memory_space<semaphore_mem>>, %arg14: memref<!tpu.dma_semaphore, #tpu.memory_space<semaphore_mem>>, %arg15: memref<!tpu.dma_semaphore, #tpu.memory_space<semaphore_mem>>, %arg16: memref<!tpu.dma_semaphore, #tpu.memory_space<semaphore_mem>>, %arg17: memref<!tpu.dma_semaphore, #tpu.memory_space<semaphore_mem>>, %arg18: memref<!tpu.dma_semaphore, #tpu.memory_space<semaphore_mem>>) attributes {dimension_semantics = [#tpu.dimension_semantics<core_parallel>, #tpu.dimension_semantics<subcore_parallel>], iteration_bounds = array<i64: 2, 16>, scalar_prefetch = 0 : i64, scratch_operands = 13 : i64, tpu.core_type = #tpu.core_type<sc_vector_subcore>, window_params = [{transform_indices = #map}, {transform_indices = #map1}, {transform_indices = #map}, {transform_indices = #map1}]} {
    %mul3A = arith.constant 640 : i32
    %mul3A_0 = arith.muli %arg1, %mul3A : i32
    "tpu.region"() ({
      %run_scoped3A = tpu.sem_alloc : memref<!tpu.dma_semaphore, #tpu.memory_space<semaphore_mem>>
      %dma_start3A_122 = arith.constant 0 : i32
      %dma_start3A_123 = tpu.memref_slice %arg12[%mul3A_0, %dma_start3A_122] : memref<10240x128xf32, #tpu.memory_space<vmem_shared>> -> memref<640x128xf32, #tpu.memory_space<vmem_shared>>
      %dma_start3A_124 = arith.constant 0 : i32
      %dma_start3A_125 = tpu.memref_slice %arg4[%mul3A_0, %dma_start3A_124] : memref<10240x128xf32, #tpu.memory_space<hbm>> -> memref<640x128xf32, #tpu.memory_space<hbm>>
      tpu.enqueue_dma source(%dma_start3A_125 : memref<640x128xf32, #tpu.memory_space<hbm>>) target(%dma_start3A_123 : memref<640x128xf32, #tpu.memory_space<vmem_shared>>) target_semaphore(%run_scoped3A : memref<!tpu.dma_semaphore, #tpu.memory_space<semaphore_mem>>)
      %dma_wait3A_126 = arith.constant 0 : i32
      %dma_wait3A_127 = tpu.memref_slice %arg12[%mul3A_0, %dma_wait3A_126] : memref<10240x128xf32, #tpu.memory_space<vmem_shared>> -> memref<640x128xf32, #tpu.memory_space<vmem_shared>>
      %dma_wait3A_128 = arith.constant 0 : i32
      %dma_wait3A_129 = tpu.memref_slice %arg4[%mul3A_0, %dma_wait3A_128] : memref<10240x128xf32, #tpu.memory_space<hbm>> -> memref<640x128xf32, #tpu.memory_space<hbm>>
      tpu.wait_dma2 semaphore(%run_scoped3A : memref<!tpu.dma_semaphore, #tpu.memory_space<semaphore_mem>>) src(%dma_wait3A_129 : memref<640x128xf32, #tpu.memory_space<hbm>>) dst(%dma_wait3A_127 : memref<640x128xf32, #tpu.memory_space<vmem_shared>>)
      tpu.yield
    }) : () -> ()
    %barrier3A = arith.constant 0 : index
    tpu.barrier barrier_id(%barrier3A)
    %eq3A = arith.constant 0 : i32
    %eq3A_1 = arith.cmpi eq, %arg0, %eq3A : i32
    %mul3A_2 = arith.constant 132 : i32
    %mul3A_3 = arith.muli %arg1, %mul3A_2 : i32
    %mul3A_4 = arith.constant 36 : i32
    %mul3A_5 = arith.muli %arg1, %mul3A_4 : i32
    %add3A = arith.constant 2112 : i32
    %add3A_6 = arith.addi %add3A, %mul3A_5 : i32
    %select_n3A = arith.select %eq3A_1, %mul3A_3, %add3A_6 : i32
    %min3A = arith.constant 2685 : i32
    %min3A_7 = arith.minsi %select_n3A, %min3A : i32
    %eq3A_8 = arith.constant 0 : i32
    %eq3A_9 = arith.cmpi eq, %arg0, %eq3A_8 : i32
    %jit3A = arith.constant 44 : i32
    %jit3A_10 = arith.constant 12 : i32
    %select_n3A_11 = arith.select %eq3A_9, %jit3A, %jit3A_10 : i32
    %mul3A_12 = arith.constant 3 : i32
    %mul3A_13 = arith.muli %mul3A_12, %select_n3A_11 : i32
    %add3A_14 = arith.addi %min3A_7, %mul3A_13 : i32
    %sub3A = arith.constant 1 : i32
    %sub3A_15 = arith.subi %add3A_14, %sub3A : i32
    %add3A_16 = arith.constant 2 : i32
    %add3A_17 = arith.addi %min3A_7, %add3A_16 : i32
    %max3A = arith.maxsi %sub3A_15, %add3A_17 : i32
    %add3A_18 = arith.constant 0 : i32
    %add3A_19 = arith.addi %min3A_7, %add3A_18 : i32
    %dma_start3A = arith.constant 0 : i32
    %dma_start3A_20 = arith.constant 0 : i32
    %dma_start3A_21 = tpu.memref_slice %arg3[%add3A_19, %dma_start3A, %dma_start3A_20] : memref<2688x2x120xi32, #tpu.memory_space<hbm>> -> memref<1x2x120xi32, #tpu.memory_space<hbm>>
    %dma_start3A_22 = tpu.memref_squeeze %dma_start3A_21 : memref<1x2x120xi32, #tpu.memory_space<hbm>> -> memref<2x120xi32, #tpu.memory_space<hbm>>
    %dma_start3A_23 = arith.constant 0 : i32
    %dma_start3A_24 = arith.constant 0 : i32
    %dma_start3A_25 = tpu.memref_slice %arg3[%add3A_19, %dma_start3A_23, %dma_start3A_24] : memref<2688x2x120xi32, #tpu.memory_space<hbm>> -> memref<1x2x120xi32, #tpu.memory_space<hbm>>
    %dma_start3A_26 = tpu.memref_squeeze %dma_start3A_25 : memref<1x2x120xi32, #tpu.memory_space<hbm>> -> memref<2x120xi32, #tpu.memory_space<hbm>>
    tpu.enqueue_dma source(%dma_start3A_26 : memref<2x120xi32, #tpu.memory_space<hbm>>) target(%arg6 : memref<2x120xi32, #tpu.memory_space<vmem>>) target_semaphore(%arg16 : memref<!tpu.dma_semaphore, #tpu.memory_space<semaphore_mem>>)
    %add3A_27 = arith.constant 1 : i32
    %add3A_28 = arith.addi %min3A_7, %add3A_27 : i32
    %dma_start3A_29 = arith.constant 0 : i32
    %dma_start3A_30 = arith.constant 0 : i32
    %dma_start3A_31 = tpu.memref_slice %arg3[%add3A_28, %dma_start3A_29, %dma_start3A_30] : memref<2688x2x120xi32, #tpu.memory_space<hbm>> -> memref<1x2x120xi32, #tpu.memory_space<hbm>>
    %dma_start3A_32 = tpu.memref_squeeze %dma_start3A_31 : memref<1x2x120xi32, #tpu.memory_space<hbm>> -> memref<2x120xi32, #tpu.memory_space<hbm>>
    %dma_start3A_33 = arith.constant 0 : i32
    %dma_start3A_34 = arith.constant 0 : i32
    %dma_start3A_35 = tpu.memref_slice %arg3[%add3A_28, %dma_start3A_33, %dma_start3A_34] : memref<2688x2x120xi32, #tpu.memory_space<hbm>> -> memref<1x2x120xi32, #tpu.memory_space<hbm>>
    %dma_start3A_36 = tpu.memref_squeeze %dma_start3A_35 : memref<1x2x120xi32, #tpu.memory_space<hbm>> -> memref<2x120xi32, #tpu.memory_space<hbm>>
    tpu.enqueue_dma source(%dma_start3A_36 : memref<2x120xi32, #tpu.memory_space<hbm>>) target(%arg7 : memref<2x120xi32, #tpu.memory_space<vmem>>) target_semaphore(%arg17 : memref<!tpu.dma_semaphore, #tpu.memory_space<semaphore_mem>>)
    %add3A_37 = arith.constant 2 : i32
    %add3A_38 = arith.addi %min3A_7, %add3A_37 : i32
    %dma_start3A_39 = arith.constant 0 : i32
    %dma_start3A_40 = arith.constant 0 : i32
    %dma_start3A_41 = tpu.memref_slice %arg3[%add3A_38, %dma_start3A_39, %dma_start3A_40] : memref<2688x2x120xi32, #tpu.memory_space<hbm>> -> memref<1x2x120xi32, #tpu.memory_space<hbm>>
    %dma_start3A_42 = tpu.memref_squeeze %dma_start3A_41 : memref<1x2x120xi32, #tpu.memory_space<hbm>> -> memref<2x120xi32, #tpu.memory_space<hbm>>
    %dma_start3A_43 = arith.constant 0 : i32
    %dma_start3A_44 = arith.constant 0 : i32
    %dma_start3A_45 = tpu.memref_slice %arg3[%add3A_38, %dma_start3A_43, %dma_start3A_44] : memref<2688x2x120xi32, #tpu.memory_space<hbm>> -> memref<1x2x120xi32, #tpu.memory_space<hbm>>
    %dma_start3A_46 = tpu.memref_squeeze %dma_start3A_45 : memref<1x2x120xi32, #tpu.memory_space<hbm>> -> memref<2x120xi32, #tpu.memory_space<hbm>>
    tpu.enqueue_dma source(%dma_start3A_46 : memref<2x120xi32, #tpu.memory_space<hbm>>) target(%arg8 : memref<2x120xi32, #tpu.memory_space<vmem>>) target_semaphore(%arg18 : memref<!tpu.dma_semaphore, #tpu.memory_space<semaphore_mem>>)
    %dma_wait3A = arith.constant 0 : i32
    %dma_wait3A_47 = arith.constant 0 : i32
    %dma_wait3A_48 = tpu.memref_slice %arg3[%min3A_7, %dma_wait3A, %dma_wait3A_47] : memref<2688x2x120xi32, #tpu.memory_space<hbm>> -> memref<1x2x120xi32, #tpu.memory_space<hbm>>
    %dma_wait3A_49 = tpu.memref_squeeze %dma_wait3A_48 : memref<1x2x120xi32, #tpu.memory_space<hbm>> -> memref<2x120xi32, #tpu.memory_space<hbm>>
    %dma_wait3A_50 = arith.constant 0 : i32
    %dma_wait3A_51 = arith.constant 0 : i32
    %dma_wait3A_52 = tpu.memref_slice %arg3[%min3A_7, %dma_wait3A_50, %dma_wait3A_51] : memref<2688x2x120xi32, #tpu.memory_space<hbm>> -> memref<1x2x120xi32, #tpu.memory_space<hbm>>
    %dma_wait3A_53 = tpu.memref_squeeze %dma_wait3A_52 : memref<1x2x120xi32, #tpu.memory_space<hbm>> -> memref<2x120xi32, #tpu.memory_space<hbm>>
    tpu.wait_dma2 semaphore(%arg16 : memref<!tpu.dma_semaphore, #tpu.memory_space<semaphore_mem>>) src(%dma_wait3A_53 : memref<2x120xi32, #tpu.memory_space<hbm>>) dst(%arg6 : memref<2x120xi32, #tpu.memory_space<vmem>>)
    %dma_start3A_54 = arith.constant 0 : i32
    %dma_start3A_55 = arith.constant 0 : i32
    %dma_start3A_56 = tpu.memref_slice %arg6[%dma_start3A_54, %dma_start3A_55] : memref<2x120xi32, #tpu.memory_space<vmem>> -> memref<1x120xi32, #tpu.memory_space<vmem>>
    %dma_start3A_57 = tpu.memref_squeeze %dma_start3A_56 : memref<1x120xi32, #tpu.memory_space<vmem>> -> memref<120xi32, #tpu.memory_space<vmem>>
    %dma_start3A_58 = arith.constant 0 : i32
    %dma_start3A_59 = arith.constant 0 : i32
    %dma_start3A_60 = tpu.memref_slice %arg2[%dma_start3A_58, %dma_start3A_59] : memref<10000x128xf32, #tpu.memory_space<hbm>> -> memref<10000x128xf32, #tpu.memory_space<hbm>>
    tpu.enqueue_indirect_dma source(%dma_start3A_60 : memref<10000x128xf32, #tpu.memory_space<hbm>>) target(%arg9 : memref<120x128xf32, #tpu.memory_space<vmem>>) offsets(%dma_start3A_57 : memref<120xi32, #tpu.memory_space<vmem>>) semaphore(%arg13 : memref<!tpu.dma_semaphore, #tpu.memory_space<semaphore_mem>>)
    %dma_wait3A_61 = arith.constant 0 : i32
    %dma_wait3A_62 = arith.constant 0 : i32
    %dma_wait3A_63 = tpu.memref_slice %arg3[%min3A_7, %dma_wait3A_61, %dma_wait3A_62] : memref<2688x2x120xi32, #tpu.memory_space<hbm>> -> memref<1x2x120xi32, #tpu.memory_space<hbm>>
    %dma_wait3A_64 = tpu.memref_squeeze %dma_wait3A_63 : memref<1x2x120xi32, #tpu.memory_space<hbm>> -> memref<2x120xi32, #tpu.memory_space<hbm>>
    %dma_wait3A_65 = arith.constant 0 : i32
    %dma_wait3A_66 = arith.constant 0 : i32
    %dma_wait3A_67 = tpu.memref_slice %arg3[%min3A_7, %dma_wait3A_65, %dma_wait3A_66] : memref<2688x2x120xi32, #tpu.memory_space<hbm>> -> memref<1x2x120xi32, #tpu.memory_space<hbm>>
    %dma_wait3A_68 = tpu.memref_squeeze %dma_wait3A_67 : memref<1x2x120xi32, #tpu.memory_space<hbm>> -> memref<2x120xi32, #tpu.memory_space<hbm>>
    tpu.wait_dma2 semaphore(%arg17 : memref<!tpu.dma_semaphore, #tpu.memory_space<semaphore_mem>>) src(%dma_wait3A_68 : memref<2x120xi32, #tpu.memory_space<hbm>>) dst(%arg7 : memref<2x120xi32, #tpu.memory_space<vmem>>)
    %dma_start3A_69 = arith.constant 0 : i32
    %dma_start3A_70 = arith.constant 0 : i32
    %dma_start3A_71 = tpu.memref_slice %arg7[%dma_start3A_69, %dma_start3A_70] : memref<2x120xi32, #tpu.memory_space<vmem>> -> memref<1x120xi32, #tpu.memory_space<vmem>>
    %dma_start3A_72 = tpu.memref_squeeze %dma_start3A_71 : memref<1x120xi32, #tpu.memory_space<vmem>> -> memref<120xi32, #tpu.memory_space<vmem>>
    %dma_start3A_73 = arith.constant 0 : i32
    %dma_start3A_74 = arith.constant 0 : i32
    %dma_start3A_75 = tpu.memref_slice %arg2[%dma_start3A_73, %dma_start3A_74] : memref<10000x128xf32, #tpu.memory_space<hbm>> -> memref<10000x128xf32, #tpu.memory_space<hbm>>
    tpu.enqueue_indirect_dma source(%dma_start3A_75 : memref<10000x128xf32, #tpu.memory_space<hbm>>) target(%arg10 : memref<120x128xf32, #tpu.memory_space<vmem>>) offsets(%dma_start3A_72 : memref<120xi32, #tpu.memory_space<vmem>>) semaphore(%arg14 : memref<!tpu.dma_semaphore, #tpu.memory_space<semaphore_mem>>)
    %dma_wait3A_76 = arith.constant 0 : i32
    %dma_wait3A_77 = arith.constant 0 : i32
    %dma_wait3A_78 = tpu.memref_slice %arg3[%min3A_7, %dma_wait3A_76, %dma_wait3A_77] : memref<2688x2x120xi32, #tpu.memory_space<hbm>> -> memref<1x2x120xi32, #tpu.memory_space<hbm>>
    %dma_wait3A_79 = tpu.memref_squeeze %dma_wait3A_78 : memref<1x2x120xi32, #tpu.memory_space<hbm>> -> memref<2x120xi32, #tpu.memory_space<hbm>>
    %dma_wait3A_80 = arith.constant 0 : i32
    %dma_wait3A_81 = arith.constant 0 : i32
    %dma_wait3A_82 = tpu.memref_slice %arg3[%min3A_7, %dma_wait3A_80, %dma_wait3A_81] : memref<2688x2x120xi32, #tpu.memory_space<hbm>> -> memref<1x2x120xi32, #tpu.memory_space<hbm>>
    %dma_wait3A_83 = tpu.memref_squeeze %dma_wait3A_82 : memref<1x2x120xi32, #tpu.memory_space<hbm>> -> memref<2x120xi32, #tpu.memory_space<hbm>>
    tpu.wait_dma2 semaphore(%arg18 : memref<!tpu.dma_semaphore, #tpu.memory_space<semaphore_mem>>) src(%dma_wait3A_83 : memref<2x120xi32, #tpu.memory_space<hbm>>) dst(%arg8 : memref<2x120xi32, #tpu.memory_space<vmem>>)
    %dma_start3A_84 = arith.constant 0 : i32
    %dma_start3A_85 = arith.constant 0 : i32
    %dma_start3A_86 = tpu.memref_slice %arg8[%dma_start3A_84, %dma_start3A_85] : memref<2x120xi32, #tpu.memory_space<vmem>> -> memref<1x120xi32, #tpu.memory_space<vmem>>
    %dma_start3A_87 = tpu.memref_squeeze %dma_start3A_86 : memref<1x120xi32, #tpu.memory_space<vmem>> -> memref<120xi32, #tpu.memory_space<vmem>>
    %dma_start3A_88 = arith.constant 0 : i32
    %dma_start3A_89 = arith.constant 0 : i32
    %dma_start3A_90 = tpu.memref_slice %arg2[%dma_start3A_88, %dma_start3A_89] : memref<10000x128xf32, #tpu.memory_space<hbm>> -> memref<10000x128xf32, #tpu.memory_space<hbm>>
    tpu.enqueue_indirect_dma source(%dma_start3A_90 : memref<10000x128xf32, #tpu.memory_space<hbm>>) target(%arg11 : memref<120x128xf32, #tpu.memory_space<vmem>>) offsets(%dma_start3A_87 : memref<120xi32, #tpu.memory_space<vmem>>) semaphore(%arg15 : memref<!tpu.dma_semaphore, #tpu.memory_space<semaphore_mem>>)
    %while3A = arith.constant 0 : i32
    %while3A_91 = arith.constant 0 : i32
    %while3A_92 = arith.subi %select_n3A_11, %while3A_91 : i32
    %while3A_93 = arith.addi %while3A_91, %while3A_92 : i32
    %while3A_94 = arith.constant 1 : i32
    %while3A_95 = arith.divsi %while3A_92, %while3A_94 : i32
    %while3A_96 = arith.muli %while3A_95, %while3A_94 : i32
    %while3A_97 = arith.addi %while3A_91, %while3A_96 : i32
    %while3A_98 = arith.constant 1 : i32
    scf.for %while3A_122 = %while3A_91 to %while3A_97 step %while3A_98  : i32 {
      %mul3A_123 = arith.constant 3 : i32
      %mul3A_124 = arith.muli %mul3A_123, %while3A_122 : i32
      %add3A_125 = arith.addi %min3A_7, %mul3A_124 : i32
      %dma_wait3A_126 = arith.constant 0 : i32
      %dma_wait3A_127 = arith.constant 0 : i32
      %dma_wait3A_128 = tpu.memref_slice %arg6[%dma_wait3A_126, %dma_wait3A_127] : memref<2x120xi32, #tpu.memory_space<vmem>> -> memref<1x120xi32, #tpu.memory_space<vmem>>
      %dma_wait3A_129 = tpu.memref_squeeze %dma_wait3A_128 : memref<1x120xi32, #tpu.memory_space<vmem>> -> memref<120xi32, #tpu.memory_space<vmem>>
      %dma_wait3A_130 = arith.constant 0 : i32
      %dma_wait3A_131 = arith.constant 0 : i32
      %dma_wait3A_132 = tpu.memref_slice %arg2[%dma_wait3A_130, %dma_wait3A_131] : memref<10000x128xf32, #tpu.memory_space<hbm>> -> memref<10000x128xf32, #tpu.memory_space<hbm>>
      tpu.wait_indirect_dma semaphore(%arg13 : memref<!tpu.dma_semaphore, #tpu.memory_space<semaphore_mem>>) src(%dma_wait3A_132 : memref<10000x128xf32, #tpu.memory_space<hbm>>) dst(%arg9 : memref<120x128xf32, #tpu.memory_space<vmem>>)
      %run_scoped3A = arith.constant 1 : i32
      "tpu.region"() ({
        %run_scoped3A_233 = tpu.sem_alloc : memref<!tpu.dma_semaphore, #tpu.memory_space<semaphore_mem>>
        %dma_start3A_234 = arith.constant 0 : i32
        %dma_start3A_235 = tpu.memref_slice %arg6[%run_scoped3A, %dma_start3A_234] : memref<2x120xi32, #tpu.memory_space<vmem>> -> memref<1x120xi32, #tpu.memory_space<vmem>>
        %dma_start3A_236 = tpu.memref_squeeze %dma_start3A_235 : memref<1x120xi32, #tpu.memory_space<vmem>> -> memref<120xi32, #tpu.memory_space<vmem>>
        %dma_start3A_237 = arith.constant 0 : i32
        %dma_start3A_238 = arith.constant 0 : i32
        %dma_start3A_239 = tpu.memref_slice %arg12[%dma_start3A_237, %dma_start3A_238] : memref<10240x128xf32, #tpu.memory_space<vmem_shared>> -> memref<10240x128xf32, #tpu.memory_space<vmem_shared>>
        tpu.enqueue_indirect_dma source(%arg9 : memref<120x128xf32, #tpu.memory_space<vmem>>) target(%dma_start3A_239 : memref<10240x128xf32, #tpu.memory_space<vmem_shared>>) offsets(%dma_start3A_236 : memref<120xi32, #tpu.memory_space<vmem>>) semaphore(%run_scoped3A_233 : memref<!tpu.dma_semaphore, #tpu.memory_space<semaphore_mem>>) {add = true}
        %dma_wait3A_240 = arith.constant 0 : i32
        %dma_wait3A_241 = tpu.memref_slice %arg6[%run_scoped3A, %dma_wait3A_240] : memref<2x120xi32, #tpu.memory_space<vmem>> -> memref<1x120xi32, #tpu.memory_space<vmem>>
        %dma_wait3A_242 = tpu.memref_squeeze %dma_wait3A_241 : memref<1x120xi32, #tpu.memory_space<vmem>> -> memref<120xi32, #tpu.memory_space<vmem>>
        %dma_wait3A_243 = arith.constant 0 : i32
        %dma_wait3A_244 = arith.constant 0 : i32
        %dma_wait3A_245 = tpu.memref_slice %arg12[%dma_wait3A_243, %dma_wait3A_244] : memref<10240x128xf32, #tpu.memory_space<vmem_shared>> -> memref<10240x128xf32, #tpu.memory_space<vmem_shared>>
        tpu.wait_indirect_dma semaphore(%run_scoped3A_233 : memref<!tpu.dma_semaphore, #tpu.memory_space<semaphore_mem>>) src(%arg9 : memref<120x128xf32, #tpu.memory_space<vmem>>) dst(%dma_wait3A_245 : memref<10240x128xf32, #tpu.memory_space<vmem_shared>>)
        tpu.yield
      }) : () -> ()
      %add3A_133 = arith.constant 0 : i32
      %add3A_134 = arith.addi %add3A_125, %add3A_133 : i32
      %add3A_135 = arith.constant 3 : i32
      %add3A_136 = arith.addi %add3A_134, %add3A_135 : i32
      %min3A_137 = arith.minsi %add3A_136, %max3A : i32
      %dma_start3A_138 = arith.constant 0 : i32
      %dma_start3A_139 = arith.constant 0 : i32
      %dma_start3A_140 = tpu.memref_slice %arg3[%min3A_137, %dma_start3A_138, %dma_start3A_139] : memref<2688x2x120xi32, #tpu.memory_space<hbm>> -> memref<1x2x120xi32, #tpu.memory_space<hbm>>
      %dma_start3A_141 = tpu.memref_squeeze %dma_start3A_140 : memref<1x2x120xi32, #tpu.memory_space<hbm>> -> memref<2x120xi32, #tpu.memory_space<hbm>>
      %dma_start3A_142 = arith.constant 0 : i32
      %dma_start3A_143 = arith.constant 0 : i32
      %dma_start3A_144 = tpu.memref_slice %arg3[%min3A_137, %dma_start3A_142, %dma_start3A_143] : memref<2688x2x120xi32, #tpu.memory_space<hbm>> -> memref<1x2x120xi32, #tpu.memory_space<hbm>>
      %dma_start3A_145 = tpu.memref_squeeze %dma_start3A_144 : memref<1x2x120xi32, #tpu.memory_space<hbm>> -> memref<2x120xi32, #tpu.memory_space<hbm>>
      tpu.enqueue_dma source(%dma_start3A_145 : memref<2x120xi32, #tpu.memory_space<hbm>>) target(%arg6 : memref<2x120xi32, #tpu.memory_space<vmem>>) target_semaphore(%arg16 : memref<!tpu.dma_semaphore, #tpu.memory_space<semaphore_mem>>)
      %dma_wait3A_146 = arith.constant 0 : i32
      %dma_wait3A_147 = arith.constant 0 : i32
      %dma_wait3A_148 = tpu.memref_slice %arg3[%min3A_7, %dma_wait3A_146, %dma_wait3A_147] : memref<2688x2x120xi32, #tpu.memory_space<hbm>> -> memref<1x2x120xi32, #tpu.memory_space<hbm>>
      %dma_wait3A_149 = tpu.memref_squeeze %dma_wait3A_148 : memref<1x2x120xi32, #tpu.memory_space<hbm>> -> memref<2x120xi32, #tpu.memory_space<hbm>>
      %dma_wait3A_150 = arith.constant 0 : i32
      %dma_wait3A_151 = arith.constant 0 : i32
      %dma_wait3A_152 = tpu.memref_slice %arg3[%min3A_7, %dma_wait3A_150, %dma_wait3A_151] : memref<2688x2x120xi32, #tpu.memory_space<hbm>> -> memref<1x2x120xi32, #tpu.memory_space<hbm>>
      %dma_wait3A_153 = tpu.memref_squeeze %dma_wait3A_152 : memref<1x2x120xi32, #tpu.memory_space<hbm>> -> memref<2x120xi32, #tpu.memory_space<hbm>>
      tpu.wait_dma2 semaphore(%arg16 : memref<!tpu.dma_semaphore, #tpu.memory_space<semaphore_mem>>) src(%dma_wait3A_153 : memref<2x120xi32, #tpu.memory_space<hbm>>) dst(%arg6 : memref<2x120xi32, #tpu.memory_space<vmem>>)
      %dma_start3A_154 = arith.constant 0 : i32
      %dma_start3A_155 = arith.constant 0 : i32
      %dma_start3A_156 = tpu.memref_slice %arg6[%dma_start3A_154, %dma_start3A_155] : memref<2x120xi32, #tpu.memory_space<vmem>> -> memref<1x120xi32, #tpu.memory_space<vmem>>
      %dma_start3A_157 = tpu.memref_squeeze %dma_start3A_156 : memref<1x120xi32, #tpu.memory_space<vmem>> -> memref<120xi32, #tpu.memory_space<vmem>>
      %dma_start3A_158 = arith.constant 0 : i32
      %dma_start3A_159 = arith.constant 0 : i32
      %dma_start3A_160 = tpu.memref_slice %arg2[%dma_start3A_158, %dma_start3A_159] : memref<10000x128xf32, #tpu.memory_space<hbm>> -> memref<10000x128xf32, #tpu.memory_space<hbm>>
      tpu.enqueue_indirect_dma source(%dma_start3A_160 : memref<10000x128xf32, #tpu.memory_space<hbm>>) target(%arg9 : memref<120x128xf32, #tpu.memory_space<vmem>>) offsets(%dma_start3A_157 : memref<120xi32, #tpu.memory_space<vmem>>) semaphore(%arg13 : memref<!tpu.dma_semaphore, #tpu.memory_space<semaphore_mem>>)
      %dma_wait3A_161 = arith.constant 0 : i32
      %dma_wait3A_162 = arith.constant 0 : i32
      %dma_wait3A_163 = tpu.memref_slice %arg7[%dma_wait3A_161, %dma_wait3A_162] : memref<2x120xi32, #tpu.memory_space<vmem>> -> memref<1x120xi32, #tpu.memory_space<vmem>>
      %dma_wait3A_164 = tpu.memref_squeeze %dma_wait3A_163 : memref<1x120xi32, #tpu.memory_space<vmem>> -> memref<120xi32, #tpu.memory_space<vmem>>
      %dma_wait3A_165 = arith.constant 0 : i32
      %dma_wait3A_166 = arith.constant 0 : i32
      %dma_wait3A_167 = tpu.memref_slice %arg2[%dma_wait3A_165, %dma_wait3A_166] : memref<10000x128xf32, #tpu.memory_space<hbm>> -> memref<10000x128xf32, #tpu.memory_space<hbm>>
      tpu.wait_indirect_dma semaphore(%arg14 : memref<!tpu.dma_semaphore, #tpu.memory_space<semaphore_mem>>) src(%dma_wait3A_167 : memref<10000x128xf32, #tpu.memory_space<hbm>>) dst(%arg10 : memref<120x128xf32, #tpu.memory_space<vmem>>)
      %run_scoped3A_168 = arith.constant 1 : i32
      "tpu.region"() ({
        %run_scoped3A_233 = tpu.sem_alloc : memref<!tpu.dma_semaphore, #tpu.memory_space<semaphore_mem>>
        %dma_start3A_234 = arith.constant 0 : i32
        %dma_start3A_235 = tpu.memref_slice %arg7[%run_scoped3A_168, %dma_start3A_234] : memref<2x120xi32, #tpu.memory_space<vmem>> -> memref<1x120xi32, #tpu.memory_space<vmem>>
        %dma_start3A_236 = tpu.memref_squeeze %dma_start3A_235 : memref<1x120xi32, #tpu.memory_space<vmem>> -> memref<120xi32, #tpu.memory_space<vmem>>
        %dma_start3A_237 = arith.constant 0 : i32
        %dma_start3A_238 = arith.constant 0 : i32
        %dma_start3A_239 = tpu.memref_slice %arg12[%dma_start3A_237, %dma_start3A_238] : memref<10240x128xf32, #tpu.memory_space<vmem_shared>> -> memref<10240x128xf32, #tpu.memory_space<vmem_shared>>
        tpu.enqueue_indirect_dma source(%arg10 : memref<120x128xf32, #tpu.memory_space<vmem>>) target(%dma_start3A_239 : memref<10240x128xf32, #tpu.memory_space<vmem_shared>>) offsets(%dma_start3A_236 : memref<120xi32, #tpu.memory_space<vmem>>) semaphore(%run_scoped3A_233 : memref<!tpu.dma_semaphore, #tpu.memory_space<semaphore_mem>>) {add = true}
        %dma_wait3A_240 = arith.constant 0 : i32
        %dma_wait3A_241 = tpu.memref_slice %arg7[%run_scoped3A_168, %dma_wait3A_240] : memref<2x120xi32, #tpu.memory_space<vmem>> -> memref<1x120xi32, #tpu.memory_space<vmem>>
        %dma_wait3A_242 = tpu.memref_squeeze %dma_wait3A_241 : memref<1x120xi32, #tpu.memory_space<vmem>> -> memref<120xi32, #tpu.memory_space<vmem>>
        %dma_wait3A_243 = arith.constant 0 : i32
        %dma_wait3A_244 = arith.constant 0 : i32
        %dma_wait3A_245 = tpu.memref_slice %arg12[%dma_wait3A_243, %dma_wait3A_244] : memref<10240x128xf32, #tpu.memory_space<vmem_shared>> -> memref<10240x128xf32, #tpu.memory_space<vmem_shared>>
        tpu.wait_indirect_dma semaphore(%run_scoped3A_233 : memref<!tpu.dma_semaphore, #tpu.memory_space<semaphore_mem>>) src(%arg10 : memref<120x128xf32, #tpu.memory_space<vmem>>) dst(%dma_wait3A_245 : memref<10240x128xf32, #tpu.memory_space<vmem_shared>>)
        tpu.yield
      }) : () -> ()
      %add3A_169 = arith.constant 1 : i32
      %add3A_170 = arith.addi %add3A_125, %add3A_169 : i32
      %add3A_171 = arith.constant 3 : i32
      %add3A_172 = arith.addi %add3A_170, %add3A_171 : i32
      %min3A_173 = arith.minsi %add3A_172, %max3A : i32
      %dma_start3A_174 = arith.constant 0 : i32
      %dma_start3A_175 = arith.constant 0 : i32
      %dma_start3A_176 = tpu.memref_slice %arg3[%min3A_173, %dma_start3A_174, %dma_start3A_175] : memref<2688x2x120xi32, #tpu.memory_space<hbm>> -> memref<1x2x120xi32, #tpu.memory_space<hbm>>
      %dma_start3A_177 = tpu.memref_squeeze %dma_start3A_176 : memref<1x2x120xi32, #tpu.memory_space<hbm>> -> memref<2x120xi32, #tpu.memory_space<hbm>>
      %dma_start3A_178 = arith.constant 0 : i32
      %dma_start3A_179 = arith.constant 0 : i32
      %dma_start3A_180 = tpu.memref_slice %arg3[%min3A_173, %dma_start3A_178, %dma_start3A_179] : memref<2688x2x120xi32, #tpu.memory_space<hbm>> -> memref<1x2x120xi32, #tpu.memory_space<hbm>>
      %dma_start3A_181 = tpu.memref_squeeze %dma_start3A_180 : memref<1x2x120xi32, #tpu.memory_space<hbm>> -> memref<2x120xi32, #tpu.memory_space<hbm>>
      tpu.enqueue_dma source(%dma_start3A_181 : memref<2x120xi32, #tpu.memory_space<hbm>>) target(%arg7 : memref<2x120xi32, #tpu.memory_space<vmem>>) target_semaphore(%arg17 : memref<!tpu.dma_semaphore, #tpu.memory_space<semaphore_mem>>)
      %dma_wait3A_182 = arith.constant 0 : i32
      %dma_wait3A_183 = arith.constant 0 : i32
      %dma_wait3A_184 = tpu.memref_slice %arg3[%min3A_7, %dma_wait3A_182, %dma_wait3A_183] : memref<2688x2x120xi32, #tpu.memory_space<hbm>> -> memref<1x2x120xi32, #tpu.memory_space<hbm>>
      %dma_wait3A_185 = tpu.memref_squeeze %dma_wait3A_184 : memref<1x2x120xi32, #tpu.memory_space<hbm>> -> memref<2x120xi32, #tpu.memory_space<hbm>>
      %dma_wait3A_186 = arith.constant 0 : i32
      %dma_wait3A_187 = arith.constant 0 : i32
      %dma_wait3A_188 = tpu.memref_slice %arg3[%min3A_7, %dma_wait3A_186, %dma_wait3A_187] : memref<2688x2x120xi32, #tpu.memory_space<hbm>> -> memref<1x2x120xi32, #tpu.memory_space<hbm>>
      %dma_wait3A_189 = tpu.memref_squeeze %dma_wait3A_188 : memref<1x2x120xi32, #tpu.memory_space<hbm>> -> memref<2x120xi32, #tpu.memory_space<hbm>>
      tpu.wait_dma2 semaphore(%arg17 : memref<!tpu.dma_semaphore, #tpu.memory_space<semaphore_mem>>) src(%dma_wait3A_189 : memref<2x120xi32, #tpu.memory_space<hbm>>) dst(%arg7 : memref<2x120xi32, #tpu.memory_space<vmem>>)
      %dma_start3A_190 = arith.constant 0 : i32
      %dma_start3A_191 = arith.constant 0 : i32
      %dma_start3A_192 = tpu.memref_slice %arg7[%dma_start3A_190, %dma_start3A_191] : memref<2x120xi32, #tpu.memory_space<vmem>> -> memref<1x120xi32, #tpu.memory_space<vmem>>
      %dma_start3A_193 = tpu.memref_squeeze %dma_start3A_192 : memref<1x120xi32, #tpu.memory_space<vmem>> -> memref<120xi32, #tpu.memory_space<vmem>>
      %dma_start3A_194 = arith.constant 0 : i32
      %dma_start3A_195 = arith.constant 0 : i32
      %dma_start3A_196 = tpu.memref_slice %arg2[%dma_start3A_194, %dma_start3A_195] : memref<10000x128xf32, #tpu.memory_space<hbm>> -> memref<10000x128xf32, #tpu.memory_space<hbm>>
      tpu.enqueue_indirect_dma source(%dma_start3A_196 : memref<10000x128xf32, #tpu.memory_space<hbm>>) target(%arg10 : memref<120x128xf32, #tpu.memory_space<vmem>>) offsets(%dma_start3A_193 : memref<120xi32, #tpu.memory_space<vmem>>) semaphore(%arg14 : memref<!tpu.dma_semaphore, #tpu.memory_space<semaphore_mem>>)
      %dma_wait3A_197 = arith.constant 0 : i32
      %dma_wait3A_198 = arith.constant 0 : i32
      %dma_wait3A_199 = tpu.memref_slice %arg8[%dma_wait3A_197, %dma_wait3A_198] : memref<2x120xi32, #tpu.memory_space<vmem>> -> memref<1x120xi32, #tpu.memory_space<vmem>>
      %dma_wait3A_200 = tpu.memref_squeeze %dma_wait3A_199 : memref<1x120xi32, #tpu.memory_space<vmem>> -> memref<120xi32, #tpu.memory_space<vmem>>
      %dma_wait3A_201 = arith.constant 0 : i32
      %dma_wait3A_202 = arith.constant 0 : i32
      %dma_wait3A_203 = tpu.memref_slice %arg2[%dma_wait3A_201, %dma_wait3A_202] : memref<10000x128xf32, #tpu.memory_space<hbm>> -> memref<10000x128xf32, #tpu.memory_space<hbm>>
      tpu.wait_indirect_dma semaphore(%arg15 : memref<!tpu.dma_semaphore, #tpu.memory_space<semaphore_mem>>) src(%dma_wait3A_203 : memref<10000x128xf32, #tpu.memory_space<hbm>>) dst(%arg11 : memref<120x128xf32, #tpu.memory_space<vmem>>)
      %run_scoped3A_204 = arith.constant 1 : i32
      "tpu.region"() ({
        %run_scoped3A_233 = tpu.sem_alloc : memref<!tpu.dma_semaphore, #tpu.memory_space<semaphore_mem>>
        %dma_start3A_234 = arith.constant 0 : i32
        %dma_start3A_235 = tpu.memref_slice %arg8[%run_scoped3A_204, %dma_start3A_234] : memref<2x120xi32, #tpu.memory_space<vmem>> -> memref<1x120xi32, #tpu.memory_space<vmem>>
        %dma_start3A_236 = tpu.memref_squeeze %dma_start3A_235 : memref<1x120xi32, #tpu.memory_space<vmem>> -> memref<120xi32, #tpu.memory_space<vmem>>
        %dma_start3A_237 = arith.constant 0 : i32
        %dma_start3A_238 = arith.constant 0 : i32
        %dma_start3A_239 = tpu.memref_slice %arg12[%dma_start3A_237, %dma_start3A_238] : memref<10240x128xf32, #tpu.memory_space<vmem_shared>> -> memref<10240x128xf32, #tpu.memory_space<vmem_shared>>
        tpu.enqueue_indirect_dma source(%arg11 : memref<120x128xf32, #tpu.memory_space<vmem>>) target(%dma_start3A_239 : memref<10240x128xf32, #tpu.memory_space<vmem_shared>>) offsets(%dma_start3A_236 : memref<120xi32, #tpu.memory_space<vmem>>) semaphore(%run_scoped3A_233 : memref<!tpu.dma_semaphore, #tpu.memory_space<semaphore_mem>>) {add = true}
        %dma_wait3A_240 = arith.constant 0 : i32
        %dma_wait3A_241 = tpu.memref_slice %arg8[%run_scoped3A_204, %dma_wait3A_240] : memref<2x120xi32, #tpu.memory_space<vmem>> -> memref<1x120xi32, #tpu.memory_space<vmem>>
        %dma_wait3A_242 = tpu.memref_squeeze %dma_wait3A_241 : memref<1x120xi32, #tpu.memory_space<vmem>> -> memref<120xi32, #tpu.memory_space<vmem>>
        %dma_wait3A_243 = arith.constant 0 : i32
        %dma_wait3A_244 = arith.constant 0 : i32
        %dma_wait3A_245 = tpu.memref_slice %arg12[%dma_wait3A_243, %dma_wait3A_244] : memref<10240x128xf32, #tpu.memory_space<vmem_shared>> -> memref<10240x128xf32, #tpu.memory_space<vmem_shared>>
        tpu.wait_indirect_dma semaphore(%run_scoped3A_233 : memref<!tpu.dma_semaphore, #tpu.memory_space<semaphore_mem>>) src(%arg11 : memref<120x128xf32, #tpu.memory_space<vmem>>) dst(%dma_wait3A_245 : memref<10240x128xf32, #tpu.memory_space<vmem_shared>>)
        tpu.yield
      }) : () -> ()
      %add3A_205 = arith.constant 2 : i32
      %add3A_206 = arith.addi %add3A_125, %add3A_205 : i32
      %add3A_207 = arith.constant 3 : i32
      %add3A_208 = arith.addi %add3A_206, %add3A_207 : i32
      %min3A_209 = arith.minsi %add3A_208, %max3A : i32
      %dma_start3A_210 = arith.constant 0 : i32
      %dma_start3A_211 = arith.constant 0 : i32
      %dma_start3A_212 = tpu.memref_slice %arg3[%min3A_209, %dma_start3A_210, %dma_start3A_211] : memref<2688x2x120xi32, #tpu.memory_space<hbm>> -> memref<1x2x120xi32, #tpu.memory_space<hbm>>
      %dma_start3A_213 = tpu.memref_squeeze %dma_start3A_212 : memref<1x2x120xi32, #tpu.memory_space<hbm>> -> memref<2x120xi32, #tpu.memory_space<hbm>>
      %dma_start3A_214 = arith.constant 0 : i32
      %dma_start3A_215 = arith.constant 0 : i32
      %dma_start3A_216 = tpu.memref_slice %arg3[%min3A_209, %dma_start3A_214, %dma_start3A_215] : memref<2688x2x120xi32, #tpu.memory_space<hbm>> -> memref<1x2x120xi32, #tpu.memory_space<hbm>>
      %dma_start3A_217 = tpu.memref_squeeze %dma_start3A_216 : memref<1x2x120xi32, #tpu.memory_space<hbm>> -> memref<2x120xi32, #tpu.memory_space<hbm>>
      tpu.enqueue_dma source(%dma_start3A_217 : memref<2x120xi32, #tpu.memory_space<hbm>>) target(%arg8 : memref<2x120xi32, #tpu.memory_space<vmem>>) target_semaphore(%arg18 : memref<!tpu.dma_semaphore, #tpu.memory_space<semaphore_mem>>)
      %dma_wait3A_218 = arith.constant 0 : i32
      %dma_wait3A_219 = arith.constant 0 : i32
      %dma_wait3A_220 = tpu.memref_slice %arg3[%min3A_7, %dma_wait3A_218, %dma_wait3A_219] : memref<2688x2x120xi32, #tpu.memory_space<hbm>> -> memref<1x2x120xi32, #tpu.memory_space<hbm>>
      %dma_wait3A_221 = tpu.memref_squeeze %dma_wait3A_220 : memref<1x2x120xi32, #tpu.memory_space<hbm>> -> memref<2x120xi32, #tpu.memory_space<hbm>>
      %dma_wait3A_222 = arith.constant 0 : i32
      %dma_wait3A_223 = arith.constant 0 : i32
      %dma_wait3A_224 = tpu.memref_slice %arg3[%min3A_7, %dma_wait3A_222, %dma_wait3A_223] : memref<2688x2x120xi32, #tpu.memory_space<hbm>> -> memref<1x2x120xi32, #tpu.memory_space<hbm>>
      %dma_wait3A_225 = tpu.memref_squeeze %dma_wait3A_224 : memref<1x2x120xi32, #tpu.memory_space<hbm>> -> memref<2x120xi32, #tpu.memory_space<hbm>>
      tpu.wait_dma2 semaphore(%arg18 : memref<!tpu.dma_semaphore, #tpu.memory_space<semaphore_mem>>) src(%dma_wait3A_225 : memref<2x120xi32, #tpu.memory_space<hbm>>) dst(%arg8 : memref<2x120xi32, #tpu.memory_space<vmem>>)
      %dma_start3A_226 = arith.constant 0 : i32
      %dma_start3A_227 = arith.constant 0 : i32
      %dma_start3A_228 = tpu.memref_slice %arg8[%dma_start3A_226, %dma_start3A_227] : memref<2x120xi32, #tpu.memory_space<vmem>> -> memref<1x120xi32, #tpu.memory_space<vmem>>
      %dma_start3A_229 = tpu.memref_squeeze %dma_start3A_228 : memref<1x120xi32, #tpu.memory_space<vmem>> -> memref<120xi32, #tpu.memory_space<vmem>>
      %dma_start3A_230 = arith.constant 0 : i32
      %dma_start3A_231 = arith.constant 0 : i32
      %dma_start3A_232 = tpu.memref_slice %arg2[%dma_start3A_230, %dma_start3A_231] : memref<10000x128xf32, #tpu.memory_space<hbm>> -> memref<10000x128xf32, #tpu.memory_space<hbm>>
      tpu.enqueue_indirect_dma source(%dma_start3A_232 : memref<10000x128xf32, #tpu.memory_space<hbm>>) target(%arg11 : memref<120x128xf32, #tpu.memory_space<vmem>>) offsets(%dma_start3A_229 : memref<120xi32, #tpu.memory_space<vmem>>) semaphore(%arg15 : memref<!tpu.dma_semaphore, #tpu.memory_space<semaphore_mem>>)
    }
    %while3A_99 = arith.constant 1 : i32
    scf.for %while3A_122 = %while3A_97 to %while3A_93 step %while3A_99  : i32 {
      %mul3A_123 = arith.constant 3 : i32
      %mul3A_124 = arith.muli %mul3A_123, %while3A_122 : i32
      %add3A_125 = arith.addi %min3A_7, %mul3A_124 : i32
      %dma_wait3A_126 = arith.constant 0 : i32
      %dma_wait3A_127 = arith.constant 0 : i32
      %dma_wait3A_128 = tpu.memref_slice %arg6[%dma_wait3A_126, %dma_wait3A_127] : memref<2x120xi32, #tpu.memory_space<vmem>> -> memref<1x120xi32, #tpu.memory_space<vmem>>
      %dma_wait3A_129 = tpu.memref_squeeze %dma_wait3A_128 : memref<1x120xi32, #tpu.memory_space<vmem>> -> memref<120xi32, #tpu.memory_space<vmem>>
      %dma_wait3A_130 = arith.constant 0 : i32
      %dma_wait3A_131 = arith.constant 0 : i32
      %dma_wait3A_132 = tpu.memref_slice %arg2[%dma_wait3A_130, %dma_wait3A_131] : memref<10000x128xf32, #tpu.memory_space<hbm>> -> memref<10000x128xf32, #tpu.memory_space<hbm>>
      tpu.wait_indirect_dma semaphore(%arg13 : memref<!tpu.dma_semaphore, #tpu.memory_space<semaphore_mem>>) src(%dma_wait3A_132 : memref<10000x128xf32, #tpu.memory_space<hbm>>) dst(%arg9 : memref<120x128xf32, #tpu.memory_space<vmem>>)
      %run_scoped3A = arith.constant 1 : i32
      "tpu.region"() ({
        %run_scoped3A_233 = tpu.sem_alloc : memref<!tpu.dma_semaphore, #tpu.memory_space<semaphore_mem>>
        %dma_start3A_234 = arith.constant 0 : i32
        %dma_start3A_235 = tpu.memref_slice %arg6[%run_scoped3A, %dma_start3A_234] : memref<2x120xi32, #tpu.memory_space<vmem>> -> memref<1x120xi32, #tpu.memory_space<vmem>>
        %dma_start3A_236 = tpu.memref_squeeze %dma_start3A_235 : memref<1x120xi32, #tpu.memory_space<vmem>> -> memref<120xi32, #tpu.memory_space<vmem>>
        %dma_start3A_237 = arith.constant 0 : i32
        %dma_start3A_238 = arith.constant 0 : i32
        %dma_start3A_239 = tpu.memref_slice %arg12[%dma_start3A_237, %dma_start3A_238] : memref<10240x128xf32, #tpu.memory_space<vmem_shared>> -> memref<10240x128xf32, #tpu.memory_space<vmem_shared>>
        tpu.enqueue_indirect_dma source(%arg9 : memref<120x128xf32, #tpu.memory_space<vmem>>) target(%dma_start3A_239 : memref<10240x128xf32, #tpu.memory_space<vmem_shared>>) offsets(%dma_start3A_236 : memref<120xi32, #tpu.memory_space<vmem>>) semaphore(%run_scoped3A_233 : memref<!tpu.dma_semaphore, #tpu.memory_space<semaphore_mem>>) {add = true}
        %dma_wait3A_240 = arith.constant 0 : i32
        %dma_wait3A_241 = tpu.memref_slice %arg6[%run_scoped3A, %dma_wait3A_240] : memref<2x120xi32, #tpu.memory_space<vmem>> -> memref<1x120xi32, #tpu.memory_space<vmem>>
        %dma_wait3A_242 = tpu.memref_squeeze %dma_wait3A_241 : memref<1x120xi32, #tpu.memory_space<vmem>> -> memref<120xi32, #tpu.memory_space<vmem>>
        %dma_wait3A_243 = arith.constant 0 : i32
        %dma_wait3A_244 = arith.constant 0 : i32
        %dma_wait3A_245 = tpu.memref_slice %arg12[%dma_wait3A_243, %dma_wait3A_244] : memref<10240x128xf32, #tpu.memory_space<vmem_shared>> -> memref<10240x128xf32, #tpu.memory_space<vmem_shared>>
        tpu.wait_indirect_dma semaphore(%run_scoped3A_233 : memref<!tpu.dma_semaphore, #tpu.memory_space<semaphore_mem>>) src(%arg9 : memref<120x128xf32, #tpu.memory_space<vmem>>) dst(%dma_wait3A_245 : memref<10240x128xf32, #tpu.memory_space<vmem_shared>>)
        tpu.yield
      }) : () -> ()
      %add3A_133 = arith.constant 0 : i32
      %add3A_134 = arith.addi %add3A_125, %add3A_133 : i32
      %add3A_135 = arith.constant 3 : i32
      %add3A_136 = arith.addi %add3A_134, %add3A_135 : i32
      %min3A_137 = arith.minsi %add3A_136, %max3A : i32
      %dma_start3A_138 = arith.constant 0 : i32
      %dma_start3A_139 = arith.constant 0 : i32
      %dma_start3A_140 = tpu.memref_slice %arg3[%min3A_137, %dma_start3A_138, %dma_start3A_139] : memref<2688x2x120xi32, #tpu.memory_space<hbm>> -> memref<1x2x120xi32, #tpu.memory_space<hbm>>
      %dma_start3A_141 = tpu.memref_squeeze %dma_start3A_140 : memref<1x2x120xi32, #tpu.memory_space<hbm>> -> memref<2x120xi32, #tpu.memory_space<hbm>>
      %dma_start3A_142 = arith.constant 0 : i32
      %dma_start3A_143 = arith.constant 0 : i32
      %dma_start3A_144 = tpu.memref_slice %arg3[%min3A_137, %dma_start3A_142, %dma_start3A_143] : memref<2688x2x120xi32, #tpu.memory_space<hbm>> -> memref<1x2x120xi32, #tpu.memory_space<hbm>>
      %dma_start3A_145 = tpu.memref_squeeze %dma_start3A_144 : memref<1x2x120xi32, #tpu.memory_space<hbm>> -> memref<2x120xi32, #tpu.memory_space<hbm>>
      tpu.enqueue_dma source(%dma_start3A_145 : memref<2x120xi32, #tpu.memory_space<hbm>>) target(%arg6 : memref<2x120xi32, #tpu.memory_space<vmem>>) target_semaphore(%arg16 : memref<!tpu.dma_semaphore, #tpu.memory_space<semaphore_mem>>)
      %dma_wait3A_146 = arith.constant 0 : i32
      %dma_wait3A_147 = arith.constant 0 : i32
      %dma_wait3A_148 = tpu.memref_slice %arg3[%min3A_7, %dma_wait3A_146, %dma_wait3A_147] : memref<2688x2x120xi32, #tpu.memory_space<hbm>> -> memref<1x2x120xi32, #tpu.memory_space<hbm>>
      %dma_wait3A_149 = tpu.memref_squeeze %dma_wait3A_148 : memref<1x2x120xi32, #tpu.memory_space<hbm>> -> memref<2x120xi32, #tpu.memory_space<hbm>>
      %dma_wait3A_150 = arith.constant 0 : i32
      %dma_wait3A_151 = arith.constant 0 : i32
      %dma_wait3A_152 = tpu.memref_slice %arg3[%min3A_7, %dma_wait3A_150, %dma_wait3A_151] : memref<2688x2x120xi32, #tpu.memory_space<hbm>> -> memref<1x2x120xi32, #tpu.memory_space<hbm>>
      %dma_wait3A_153 = tpu.memref_squeeze %dma_wait3A_152 : memref<1x2x120xi32, #tpu.memory_space<hbm>> -> memref<2x120xi32, #tpu.memory_space<hbm>>
      tpu.wait_dma2 semaphore(%arg16 : memref<!tpu.dma_semaphore, #tpu.memory_space<semaphore_mem>>) src(%dma_wait3A_153 : memref<2x120xi32, #tpu.memory_space<hbm>>) dst(%arg6 : memref<2x120xi32, #tpu.memory_space<vmem>>)
      %dma_start3A_154 = arith.constant 0 : i32
      %dma_start3A_155 = arith.constant 0 : i32
      %dma_start3A_156 = tpu.memref_slice %arg6[%dma_start3A_154, %dma_start3A_155] : memref<2x120xi32, #tpu.memory_space<vmem>> -> memref<1x120xi32, #tpu.memory_space<vmem>>
      %dma_start3A_157 = tpu.memref_squeeze %dma_start3A_156 : memref<1x120xi32, #tpu.memory_space<vmem>> -> memref<120xi32, #tpu.memory_space<vmem>>
      %dma_start3A_158 = arith.constant 0 : i32
      %dma_start3A_159 = arith.constant 0 : i32
      %dma_start3A_160 = tpu.memref_slice %arg2[%dma_start3A_158, %dma_start3A_159] : memref<10000x128xf32, #tpu.memory_space<hbm>> -> memref<10000x128xf32, #tpu.memory_space<hbm>>
      tpu.enqueue_indirect_dma source(%dma_start3A_160 : memref<10000x128xf32, #tpu.memory_space<hbm>>) target(%arg9 : memref<120x128xf32, #tpu.memory_space<vmem>>) offsets(%dma_start3A_157 : memref<120xi32, #tpu.memory_space<vmem>>) semaphore(%arg13 : memref<!tpu.dma_semaphore, #tpu.memory_space<semaphore_mem>>)
      %dma_wait3A_161 = arith.constant 0 : i32
      %dma_wait3A_162 = arith.constant 0 : i32
      %dma_wait3A_163 = tpu.memref_slice %arg7[%dma_wait3A_161, %dma_wait3A_162] : memref<2x120xi32, #tpu.memory_space<vmem>> -> memref<1x120xi32, #tpu.memory_space<vmem>>
      %dma_wait3A_164 = tpu.memref_squeeze %dma_wait3A_163 : memref<1x120xi32, #tpu.memory_space<vmem>> -> memref<120xi32, #tpu.memory_space<vmem>>
      %dma_wait3A_165 = arith.constant 0 : i32
      %dma_wait3A_166 = arith.constant 0 : i32
      %dma_wait3A_167 = tpu.memref_slice %arg2[%dma_wait3A_165, %dma_wait3A_166] : memref<10000x128xf32, #tpu.memory_space<hbm>> -> memref<10000x128xf32, #tpu.memory_space<hbm>>
      tpu.wait_indirect_dma semaphore(%arg14 : memref<!tpu.dma_semaphore, #tpu.memory_space<semaphore_mem>>) src(%dma_wait3A_167 : memref<10000x128xf32, #tpu.memory_space<hbm>>) dst(%arg10 : memref<120x128xf32, #tpu.memory_space<vmem>>)
      %run_scoped3A_168 = arith.constant 1 : i32
      "tpu.region"() ({
        %run_scoped3A_233 = tpu.sem_alloc : memref<!tpu.dma_semaphore, #tpu.memory_space<semaphore_mem>>
        %dma_start3A_234 = arith.constant 0 : i32
        %dma_start3A_235 = tpu.memref_slice %arg7[%run_scoped3A_168, %dma_start3A_234] : memref<2x120xi32, #tpu.memory_space<vmem>> -> memref<1x120xi32, #tpu.memory_space<vmem>>
        %dma_start3A_236 = tpu.memref_squeeze %dma_start3A_235 : memref<1x120xi32, #tpu.memory_space<vmem>> -> memref<120xi32, #tpu.memory_space<vmem>>
        %dma_start3A_237 = arith.constant 0 : i32
        %dma_start3A_238 = arith.constant 0 : i32
        %dma_start3A_239 = tpu.memref_slice %arg12[%dma_start3A_237, %dma_start3A_238] : memref<10240x128xf32, #tpu.memory_space<vmem_shared>> -> memref<10240x128xf32, #tpu.memory_space<vmem_shared>>
        tpu.enqueue_indirect_dma source(%arg10 : memref<120x128xf32, #tpu.memory_space<vmem>>) target(%dma_start3A_239 : memref<10240x128xf32, #tpu.memory_space<vmem_shared>>) offsets(%dma_start3A_236 : memref<120xi32, #tpu.memory_space<vmem>>) semaphore(%run_scoped3A_233 : memref<!tpu.dma_semaphore, #tpu.memory_space<semaphore_mem>>) {add = true}
        %dma_wait3A_240 = arith.constant 0 : i32
        %dma_wait3A_241 = tpu.memref_slice %arg7[%run_scoped3A_168, %dma_wait3A_240] : memref<2x120xi32, #tpu.memory_space<vmem>> -> memref<1x120xi32, #tpu.memory_space<vmem>>
        %dma_wait3A_242 = tpu.memref_squeeze %dma_wait3A_241 : memref<1x120xi32, #tpu.memory_space<vmem>> -> memref<120xi32, #tpu.memory_space<vmem>>
        %dma_wait3A_243 = arith.constant 0 : i32
        %dma_wait3A_244 = arith.constant 0 : i32
        %dma_wait3A_245 = tpu.memref_slice %arg12[%dma_wait3A_243, %dma_wait3A_244] : memref<10240x128xf32, #tpu.memory_space<vmem_shared>> -> memref<10240x128xf32, #tpu.memory_space<vmem_shared>>
        tpu.wait_indirect_dma semaphore(%run_scoped3A_233 : memref<!tpu.dma_semaphore, #tpu.memory_space<semaphore_mem>>) src(%arg10 : memref<120x128xf32, #tpu.memory_space<vmem>>) dst(%dma_wait3A_245 : memref<10240x128xf32, #tpu.memory_space<vmem_shared>>)
        tpu.yield
      }) : () -> ()
      %add3A_169 = arith.constant 1 : i32
      %add3A_170 = arith.addi %add3A_125, %add3A_169 : i32
      %add3A_171 = arith.constant 3 : i32
      %add3A_172 = arith.addi %add3A_170, %add3A_171 : i32
      %min3A_173 = arith.minsi %add3A_172, %max3A : i32
      %dma_start3A_174 = arith.constant 0 : i32
      %dma_start3A_175 = arith.constant 0 : i32
      %dma_start3A_176 = tpu.memref_slice %arg3[%min3A_173, %dma_start3A_174, %dma_start3A_175] : memref<2688x2x120xi32, #tpu.memory_space<hbm>> -> memref<1x2x120xi32, #tpu.memory_space<hbm>>
      %dma_start3A_177 = tpu.memref_squeeze %dma_start3A_176 : memref<1x2x120xi32, #tpu.memory_space<hbm>> -> memref<2x120xi32, #tpu.memory_space<hbm>>
      %dma_start3A_178 = arith.constant 0 : i32
      %dma_start3A_179 = arith.constant 0 : i32
      %dma_start3A_180 = tpu.memref_slice %arg3[%min3A_173, %dma_start3A_178, %dma_start3A_179] : memref<2688x2x120xi32, #tpu.memory_space<hbm>> -> memref<1x2x120xi32, #tpu.memory_space<hbm>>
      %dma_start3A_181 = tpu.memref_squeeze %dma_start3A_180 : memref<1x2x120xi32, #tpu.memory_space<hbm>> -> memref<2x120xi32, #tpu.memory_space<hbm>>
      tpu.enqueue_dma source(%dma_start3A_181 : memref<2x120xi32, #tpu.memory_space<hbm>>) target(%arg7 : memref<2x120xi32, #tpu.memory_space<vmem>>) target_semaphore(%arg17 : memref<!tpu.dma_semaphore, #tpu.memory_space<semaphore_mem>>)
      %dma_wait3A_182 = arith.constant 0 : i32
      %dma_wait3A_183 = arith.constant 0 : i32
      %dma_wait3A_184 = tpu.memref_slice %arg3[%min3A_7, %dma_wait3A_182, %dma_wait3A_183] : memref<2688x2x120xi32, #tpu.memory_space<hbm>> -> memref<1x2x120xi32, #tpu.memory_space<hbm>>
      %dma_wait3A_185 = tpu.memref_squeeze %dma_wait3A_184 : memref<1x2x120xi32, #tpu.memory_space<hbm>> -> memref<2x120xi32, #tpu.memory_space<hbm>>
      %dma_wait3A_186 = arith.constant 0 : i32
      %dma_wait3A_187 = arith.constant 0 : i32
      %dma_wait3A_188 = tpu.memref_slice %arg3[%min3A_7, %dma_wait3A_186, %dma_wait3A_187] : memref<2688x2x120xi32, #tpu.memory_space<hbm>> -> memref<1x2x120xi32, #tpu.memory_space<hbm>>
      %dma_wait3A_189 = tpu.memref_squeeze %dma_wait3A_188 : memref<1x2x120xi32, #tpu.memory_space<hbm>> -> memref<2x120xi32, #tpu.memory_space<hbm>>
      tpu.wait_dma2 semaphore(%arg17 : memref<!tpu.dma_semaphore, #tpu.memory_space<semaphore_mem>>) src(%dma_wait3A_189 : memref<2x120xi32, #tpu.memory_space<hbm>>) dst(%arg7 : memref<2x120xi32, #tpu.memory_space<vmem>>)
      %dma_start3A_190 = arith.constant 0 : i32
      %dma_start3A_191 = arith.constant 0 : i32
      %dma_start3A_192 = tpu.memref_slice %arg7[%dma_start3A_190, %dma_start3A_191] : memref<2x120xi32, #tpu.memory_space<vmem>> -> memref<1x120xi32, #tpu.memory_space<vmem>>
      %dma_start3A_193 = tpu.memref_squeeze %dma_start3A_192 : memref<1x120xi32, #tpu.memory_space<vmem>> -> memref<120xi32, #tpu.memory_space<vmem>>
      %dma_start3A_194 = arith.constant 0 : i32
      %dma_start3A_195 = arith.constant 0 : i32
      %dma_start3A_196 = tpu.memref_slice %arg2[%dma_start3A_194, %dma_start3A_195] : memref<10000x128xf32, #tpu.memory_space<hbm>> -> memref<10000x128xf32, #tpu.memory_space<hbm>>
      tpu.enqueue_indirect_dma source(%dma_start3A_196 : memref<10000x128xf32, #tpu.memory_space<hbm>>) target(%arg10 : memref<120x128xf32, #tpu.memory_space<vmem>>) offsets(%dma_start3A_193 : memref<120xi32, #tpu.memory_space<vmem>>) semaphore(%arg14 : memref<!tpu.dma_semaphore, #tpu.memory_space<semaphore_mem>>)
      %dma_wait3A_197 = arith.constant 0 : i32
      %dma_wait3A_198 = arith.constant 0 : i32
      %dma_wait3A_199 = tpu.memref_slice %arg8[%dma_wait3A_197, %dma_wait3A_198] : memref<2x120xi32, #tpu.memory_space<vmem>> -> memref<1x120xi32, #tpu.memory_space<vmem>>
      %dma_wait3A_200 = tpu.memref_squeeze %dma_wait3A_199 : memref<1x120xi32, #tpu.memory_space<vmem>> -> memref<120xi32, #tpu.memory_space<vmem>>
      %dma_wait3A_201 = arith.constant 0 : i32
      %dma_wait3A_202 = arith.constant 0 : i32
      %dma_wait3A_203 = tpu.memref_slice %arg2[%dma_wait3A_201, %dma_wait3A_202] : memref<10000x128xf32, #tpu.memory_space<hbm>> -> memref<10000x128xf32, #tpu.memory_space<hbm>>
      tpu.wait_indirect_dma semaphore(%arg15 : memref<!tpu.dma_semaphore, #tpu.memory_space<semaphore_mem>>) src(%dma_wait3A_203 : memref<10000x128xf32, #tpu.memory_space<hbm>>) dst(%arg11 : memref<120x128xf32, #tpu.memory_space<vmem>>)
      %run_scoped3A_204 = arith.constant 1 : i32
      "tpu.region"() ({
        %run_scoped3A_233 = tpu.sem_alloc : memref<!tpu.dma_semaphore, #tpu.memory_space<semaphore_mem>>
        %dma_start3A_234 = arith.constant 0 : i32
        %dma_start3A_235 = tpu.memref_slice %arg8[%run_scoped3A_204, %dma_start3A_234] : memref<2x120xi32, #tpu.memory_space<vmem>> -> memref<1x120xi32, #tpu.memory_space<vmem>>
        %dma_start3A_236 = tpu.memref_squeeze %dma_start3A_235 : memref<1x120xi32, #tpu.memory_space<vmem>> -> memref<120xi32, #tpu.memory_space<vmem>>
        %dma_start3A_237 = arith.constant 0 : i32
        %dma_start3A_238 = arith.constant 0 : i32
        %dma_start3A_239 = tpu.memref_slice %arg12[%dma_start3A_237, %dma_start3A_238] : memref<10240x128xf32, #tpu.memory_space<vmem_shared>> -> memref<10240x128xf32, #tpu.memory_space<vmem_shared>>
        tpu.enqueue_indirect_dma source(%arg11 : memref<120x128xf32, #tpu.memory_space<vmem>>) target(%dma_start3A_239 : memref<10240x128xf32, #tpu.memory_space<vmem_shared>>) offsets(%dma_start3A_236 : memref<120xi32, #tpu.memory_space<vmem>>) semaphore(%run_scoped3A_233 : memref<!tpu.dma_semaphore, #tpu.memory_space<semaphore_mem>>) {add = true}
        %dma_wait3A_240 = arith.constant 0 : i32
        %dma_wait3A_241 = tpu.memref_slice %arg8[%run_scoped3A_204, %dma_wait3A_240] : memref<2x120xi32, #tpu.memory_space<vmem>> -> memref<1x120xi32, #tpu.memory_space<vmem>>
        %dma_wait3A_242 = tpu.memref_squeeze %dma_wait3A_241 : memref<1x120xi32, #tpu.memory_space<vmem>> -> memref<120xi32, #tpu.memory_space<vmem>>
        %dma_wait3A_243 = arith.constant 0 : i32
        %dma_wait3A_244 = arith.constant 0 : i32
        %dma_wait3A_245 = tpu.memref_slice %arg12[%dma_wait3A_243, %dma_wait3A_244] : memref<10240x128xf32, #tpu.memory_space<vmem_shared>> -> memref<10240x128xf32, #tpu.memory_space<vmem_shared>>
        tpu.wait_indirect_dma semaphore(%run_scoped3A_233 : memref<!tpu.dma_semaphore, #tpu.memory_space<semaphore_mem>>) src(%arg11 : memref<120x128xf32, #tpu.memory_space<vmem>>) dst(%dma_wait3A_245 : memref<10240x128xf32, #tpu.memory_space<vmem_shared>>)
        tpu.yield
      }) : () -> ()
      %add3A_205 = arith.constant 2 : i32
      %add3A_206 = arith.addi %add3A_125, %add3A_205 : i32
      %add3A_207 = arith.constant 3 : i32
      %add3A_208 = arith.addi %add3A_206, %add3A_207 : i32
      %min3A_209 = arith.minsi %add3A_208, %max3A : i32
      %dma_start3A_210 = arith.constant 0 : i32
      %dma_start3A_211 = arith.constant 0 : i32
      %dma_start3A_212 = tpu.memref_slice %arg3[%min3A_209, %dma_start3A_210, %dma_start3A_211] : memref<2688x2x120xi32, #tpu.memory_space<hbm>> -> memref<1x2x120xi32, #tpu.memory_space<hbm>>
      %dma_start3A_213 = tpu.memref_squeeze %dma_start3A_212 : memref<1x2x120xi32, #tpu.memory_space<hbm>> -> memref<2x120xi32, #tpu.memory_space<hbm>>
      %dma_start3A_214 = arith.constant 0 : i32
      %dma_start3A_215 = arith.constant 0 : i32
      %dma_start3A_216 = tpu.memref_slice %arg3[%min3A_209, %dma_start3A_214, %dma_start3A_215] : memref<2688x2x120xi32, #tpu.memory_space<hbm>> -> memref<1x2x120xi32, #tpu.memory_space<hbm>>
      %dma_start3A_217 = tpu.memref_squeeze %dma_start3A_216 : memref<1x2x120xi32, #tpu.memory_space<hbm>> -> memref<2x120xi32, #tpu.memory_space<hbm>>
      tpu.enqueue_dma source(%dma_start3A_217 : memref<2x120xi32, #tpu.memory_space<hbm>>) target(%arg8 : memref<2x120xi32, #tpu.memory_space<vmem>>) target_semaphore(%arg18 : memref<!tpu.dma_semaphore, #tpu.memory_space<semaphore_mem>>)
      %dma_wait3A_218 = arith.constant 0 : i32
      %dma_wait3A_219 = arith.constant 0 : i32
      %dma_wait3A_220 = tpu.memref_slice %arg3[%min3A_7, %dma_wait3A_218, %dma_wait3A_219] : memref<2688x2x120xi32, #tpu.memory_space<hbm>> -> memref<1x2x120xi32, #tpu.memory_space<hbm>>
      %dma_wait3A_221 = tpu.memref_squeeze %dma_wait3A_220 : memref<1x2x120xi32, #tpu.memory_space<hbm>> -> memref<2x120xi32, #tpu.memory_space<hbm>>
      %dma_wait3A_222 = arith.constant 0 : i32
      %dma_wait3A_223 = arith.constant 0 : i32
      %dma_wait3A_224 = tpu.memref_slice %arg3[%min3A_7, %dma_wait3A_222, %dma_wait3A_223] : memref<2688x2x120xi32, #tpu.memory_space<hbm>> -> memref<1x2x120xi32, #tpu.memory_space<hbm>>
      %dma_wait3A_225 = tpu.memref_squeeze %dma_wait3A_224 : memref<1x2x120xi32, #tpu.memory_space<hbm>> -> memref<2x120xi32, #tpu.memory_space<hbm>>
      tpu.wait_dma2 semaphore(%arg18 : memref<!tpu.dma_semaphore, #tpu.memory_space<semaphore_mem>>) src(%dma_wait3A_225 : memref<2x120xi32, #tpu.memory_space<hbm>>) dst(%arg8 : memref<2x120xi32, #tpu.memory_space<vmem>>)
      %dma_start3A_226 = arith.constant 0 : i32
      %dma_start3A_227 = arith.constant 0 : i32
      %dma_start3A_228 = tpu.memref_slice %arg8[%dma_start3A_226, %dma_start3A_227] : memref<2x120xi32, #tpu.memory_space<vmem>> -> memref<1x120xi32, #tpu.memory_space<vmem>>
      %dma_start3A_229 = tpu.memref_squeeze %dma_start3A_228 : memref<1x120xi32, #tpu.memory_space<vmem>> -> memref<120xi32, #tpu.memory_space<vmem>>
      %dma_start3A_230 = arith.constant 0 : i32
      %dma_start3A_231 = arith.constant 0 : i32
      %dma_start3A_232 = tpu.memref_slice %arg2[%dma_start3A_230, %dma_start3A_231] : memref<10000x128xf32, #tpu.memory_space<hbm>> -> memref<10000x128xf32, #tpu.memory_space<hbm>>
      tpu.enqueue_indirect_dma source(%dma_start3A_232 : memref<10000x128xf32, #tpu.memory_space<hbm>>) target(%arg11 : memref<120x128xf32, #tpu.memory_space<vmem>>) offsets(%dma_start3A_229 : memref<120xi32, #tpu.memory_space<vmem>>) semaphore(%arg15 : memref<!tpu.dma_semaphore, #tpu.memory_space<semaphore_mem>>)
    }
    %dma_wait3A_100 = arith.constant 0 : i32
    %dma_wait3A_101 = arith.constant 0 : i32
    %dma_wait3A_102 = tpu.memref_slice %arg6[%dma_wait3A_100, %dma_wait3A_101] : memref<2x120xi32, #tpu.memory_space<vmem>> -> memref<1x120xi32, #tpu.memory_space<vmem>>
    %dma_wait3A_103 = tpu.memref_squeeze %dma_wait3A_102 : memref<1x120xi32, #tpu.memory_space<vmem>> -> memref<120xi32, #tpu.memory_space<vmem>>
    %dma_wait3A_104 = arith.constant 0 : i32
    %dma_wait3A_105 = arith.constant 0 : i32
    %dma_wait3A_106 = tpu.memref_slice %arg2[%dma_wait3A_104, %dma_wait3A_105] : memref<10000x128xf32, #tpu.memory_space<hbm>> -> memref<10000x128xf32, #tpu.memory_space<hbm>>
    tpu.wait_indirect_dma semaphore(%arg13 : memref<!tpu.dma_semaphore, #tpu.memory_space<semaphore_mem>>) src(%dma_wait3A_106 : memref<10000x128xf32, #tpu.memory_space<hbm>>) dst(%arg9 : memref<120x128xf32, #tpu.memory_space<vmem>>)
    %dma_wait3A_107 = arith.constant 0 : i32
    %dma_wait3A_108 = arith.constant 0 : i32
    %dma_wait3A_109 = tpu.memref_slice %arg7[%dma_wait3A_107, %dma_wait3A_108] : memref<2x120xi32, #tpu.memory_space<vmem>> -> memref<1x120xi32, #tpu.memory_space<vmem>>
    %dma_wait3A_110 = tpu.memref_squeeze %dma_wait3A_109 : memref<1x120xi32, #tpu.memory_space<vmem>> -> memref<120xi32, #tpu.memory_space<vmem>>
    %dma_wait3A_111 = arith.constant 0 : i32
    %dma_wait3A_112 = arith.constant 0 : i32
    %dma_wait3A_113 = tpu.memref_slice %arg2[%dma_wait3A_111, %dma_wait3A_112] : memref<10000x128xf32, #tpu.memory_space<hbm>> -> memref<10000x128xf32, #tpu.memory_space<hbm>>
    tpu.wait_indirect_dma semaphore(%arg14 : memref<!tpu.dma_semaphore, #tpu.memory_space<semaphore_mem>>) src(%dma_wait3A_113 : memref<10000x128xf32, #tpu.memory_space<hbm>>) dst(%arg10 : memref<120x128xf32, #tpu.memory_space<vmem>>)
    %dma_wait3A_114 = arith.constant 0 : i32
    %dma_wait3A_115 = arith.constant 0 : i32
    %dma_wait3A_116 = tpu.memref_slice %arg8[%dma_wait3A_114, %dma_wait3A_115] : memref<2x120xi32, #tpu.memory_space<vmem>> -> memref<1x120xi32, #tpu.memory_space<vmem>>
    %dma_wait3A_117 = tpu.memref_squeeze %dma_wait3A_116 : memref<1x120xi32, #tpu.memory_space<vmem>> -> memref<120xi32, #tpu.memory_space<vmem>>
    %dma_wait3A_118 = arith.constant 0 : i32
    %dma_wait3A_119 = arith.constant 0 : i32
    %dma_wait3A_120 = tpu.memref_slice %arg2[%dma_wait3A_118, %dma_wait3A_119] : memref<10000x128xf32, #tpu.memory_space<hbm>> -> memref<10000x128xf32, #tpu.memory_space<hbm>>
    tpu.wait_indirect_dma semaphore(%arg15 : memref<!tpu.dma_semaphore, #tpu.memory_space<semaphore_mem>>) src(%dma_wait3A_120 : memref<10000x128xf32, #tpu.memory_space<hbm>>) dst(%arg11 : memref<120x128xf32, #tpu.memory_space<vmem>>)
    %barrier3A_121 = arith.constant 0 : index
    tpu.barrier barrier_id(%barrier3A_121)
    "tpu.region"() ({
      %run_scoped3A = tpu.sem_alloc : memref<!tpu.dma_semaphore, #tpu.memory_space<semaphore_mem>>
      %dma_start3A_122 = arith.constant 0 : i32
      %dma_start3A_123 = tpu.memref_slice %arg5[%arg0, %mul3A_0, %dma_start3A_122] : memref<2x10240x128xf32, #tpu.memory_space<hbm>> -> memref<1x640x128xf32, #tpu.memory_space<hbm>>
      %dma_start3A_124 = tpu.memref_squeeze %dma_start3A_123 : memref<1x640x128xf32, #tpu.memory_space<hbm>> -> memref<640x128xf32, #tpu.memory_space<hbm>>
      %dma_start3A_125 = arith.constant 0 : i32
      %dma_start3A_126 = tpu.memref_slice %arg12[%mul3A_0, %dma_start3A_125] : memref<10240x128xf32, #tpu.memory_space<vmem_shared>> -> memref<640x128xf32, #tpu.memory_space<vmem_shared>>
      tpu.enqueue_dma source(%dma_start3A_126 : memref<640x128xf32, #tpu.memory_space<vmem_shared>>) target(%dma_start3A_124 : memref<640x128xf32, #tpu.memory_space<hbm>>) target_semaphore(%run_scoped3A : memref<!tpu.dma_semaphore, #tpu.memory_space<semaphore_mem>>)
      %dma_wait3A_127 = arith.constant 0 : i32
      %dma_wait3A_128 = tpu.memref_slice %arg5[%arg0, %mul3A_0, %dma_wait3A_127] : memref<2x10240x128xf32, #tpu.memory_space<hbm>> -> memref<1x640x128xf32, #tpu.memory_space<hbm>>
      %dma_wait3A_129 = tpu.memref_squeeze %dma_wait3A_128 : memref<1x640x128xf32, #tpu.memory_space<hbm>> -> memref<640x128xf32, #tpu.memory_space<hbm>>
      %dma_wait3A_130 = arith.constant 0 : i32
      %dma_wait3A_131 = tpu.memref_slice %arg12[%mul3A_0, %dma_wait3A_130] : memref<10240x128xf32, #tpu.memory_space<vmem_shared>> -> memref<640x128xf32, #tpu.memory_space<vmem_shared>>
      tpu.wait_dma2 semaphore(%run_scoped3A : memref<!tpu.dma_semaphore, #tpu.memory_space<semaphore_mem>>) src(%dma_wait3A_131 : memref<640x128xf32, #tpu.memory_space<vmem_shared>>) dst(%dma_wait3A_129 : memref<640x128xf32, #tpu.memory_space<hbm>>)
      tpu.yield
    }) : () -> ()
    return
  }
}

module attributes {stable_mosaic.version = 14 : i64} {
  func.func @body(%arg0: i32, %arg1: memref<1000x128xf32, #tpu.memory_space<vmem>>, %arg2: memref<1000x128xf32, #tpu.memory_space<vmem>>, %arg3: memref<1000x128xf32, #tpu.memory_space<vmem>>, %arg4: memref<128x128xf32, #tpu.memory_space<vmem>>, %arg5: memref<1000x128xf32, #tpu.memory_space<vmem>>, %arg6: memref<1000x1xf32, #tpu.memory_space<vmem>>) attributes {dimension_semantics = [#tpu.dimension_semantics<arbitrary>], iteration_bounds = array<i64: 10>, scalar_prefetch = 0 : i64, scratch_operands = 0 : i64, tpu.core_type = #tpu.core_type<tc>, window_params = [{transform_indices = @transform_0, window_bounds = array<i64: 1000, 128>}, {transform_indices = @transform_1, window_bounds = array<i64: 1000, 128>}, {transform_indices = @transform_2, window_bounds = array<i64: 1000, 128>}, {pipeline_mode = #tpu.pipeline_mode<synchronous>, transform_indices = @transform_3, window_bounds = array<i64: 128, 128>}, {transform_indices = @transform_4, window_bounds = array<i64: 1000, 128>}, {transform_indices = @transform_5, window_bounds = array<i64: 1000, 1>}]} {
    %get3A = arith.constant 0 : index
    %get3A_0 = arith.constant 0 : index
    %get3A_1 = vector.load %arg1[%get3A, %get3A_0] : memref<1000x128xf32, #tpu.memory_space<vmem>>, vector<1000x1xf32>
    %get3A_2 = arith.constant 0 : index
    %get3A_3 = arith.constant 0 : index
    %get3A_4 = vector.load %arg2[%get3A_2, %get3A_3] : memref<1000x128xf32, #tpu.memory_space<vmem>>, vector<1000x1xf32>
    %add3A = arith.addf %get3A_1, %get3A_4 : vector<1000x1xf32>
    %add3A_5 = arith.constant 1.000000e+00 : f32
    %add3A_6 = vector.broadcast %add3A_5 : f32 to vector<1000x1xf32>
    %add3A_7 = arith.addf %add3A, %add3A_6 : vector<1000x1xf32>
    %max3A = arith.constant 1.000000e+00 : f32
    %max3A_8 = vector.broadcast %max3A : f32 to vector<1000x1xf32>
    %max3A_9 = arith.maximumf %add3A_7, %max3A_8 : vector<1000x1xf32>
    %rsqrt3A = math.rsqrt %max3A_9 : vector<1000x1xf32>
    %get3A_10 = arith.constant 0 : index
    %get3A_11 = arith.constant 0 : index
    %get3A_12 = vector.load %arg3[%get3A_10, %get3A_11] : memref<1000x128xf32, #tpu.memory_space<vmem>>, vector<1000x128xf32>
    %get3A_13 = arith.constant 0 : index
    %get3A_14 = arith.constant 0 : index
    %get3A_15 = vector.load %arg4[%get3A_13, %get3A_14] : memref<128x128xf32, #tpu.memory_space<vmem>>, vector<128x128xf32>
    %dot_general3A = arith.constant dense<0.000000e+00> : vector<1000x128xf32>
    %dot_general3A_16 = tpu.matmul %get3A_12, %get3A_15, %dot_general3A {dimension_numbers = #tpu.dot_dimension_numbers<[1], [0], [0], [1], [0, 0, 1, 1], [], []>, transpose_lhs_hint = false} : vector<1000x128xf32>, vector<128x128xf32>, vector<1000x128xf32> -> vector<1000x128xf32>
    %mul3A = vector.broadcast %rsqrt3A : vector<1000x1xf32> to vector<1000x128xf32>
    %mul3A_17 = arith.mulf %mul3A, %dot_general3A_16 : vector<1000x128xf32>
    %swap3A = arith.constant 0 : index
    %swap3A_18 = arith.constant 0 : index
    %swap3A_19 = vector.load %arg5[%swap3A, %swap3A_18] : memref<1000x128xf32, #tpu.memory_space<vmem>>, vector<1000x128xf32>
    tpu.vector_store %arg5[%swap3A, %swap3A_18], %mul3A_17 {strides = array<i32>} : memref<1000x128xf32, #tpu.memory_space<vmem>>, vector<1000x128xf32>,
    %swap3A_20 = arith.constant 0 : index
    %swap3A_21 = arith.constant 0 : index
    %swap3A_22 = vector.load %arg6[%swap3A_20, %swap3A_21] : memref<1000x1xf32, #tpu.memory_space<vmem>>, vector<1000x1xf32>
    tpu.vector_store %arg6[%swap3A_20, %swap3A_21], %rsqrt3A {strides = array<i32>} : memref<1000x1xf32, #tpu.memory_space<vmem>>, vector<1000x1xf32>,
    return
  }
  func.func @transform_0(%arg0: i32) -> (i32, i32) {
    %c0_i32 = arith.constant 0 : i32
    %c0_i32_0 = arith.constant 0 : i32
    return %arg0, %c0_i32 : i32, i32
  }
  func.func @transform_1(%arg0: i32) -> (i32, i32) {
    %c0_i32 = arith.constant 0 : i32
    %c0_i32_0 = arith.constant 0 : i32
    return %arg0, %c0_i32 : i32, i32
  }
  func.func @transform_2(%arg0: i32) -> (i32, i32) {
    %c0_i32 = arith.constant 0 : i32
    %c0_i32_0 = arith.constant 0 : i32
    return %arg0, %c0_i32 : i32, i32
  }
  func.func @transform_3(%arg0: i32) -> (i32, i32) {
    %c0_i32 = arith.constant 0 : i32
    %c0_i32_0 = arith.constant 0 : i32
    %c0_i32_1 = arith.constant 0 : i32
    return %c0_i32, %c0_i32_0 : i32, i32
  }
  func.func @transform_4(%arg0: i32) -> (i32, i32) {
    %c0_i32 = arith.constant 0 : i32
    %c0_i32_0 = arith.constant 0 : i32
    return %arg0, %c0_i32 : i32, i32
  }
  func.func @transform_5(%arg0: i32) -> (i32, i32) {
    %c0_i32 = arith.constant 0 : i32
    %c0_i32_0 = arith.constant 0 : i32
    return %arg0, %c0_i32 : i32, i32
  }
}

module attributes {stable_mosaic.version = 14 : i64} {
  func.func @body(%arg0: i32, %arg1: memref<1000x128xf32, #tpu.memory_space<vmem>>, %arg2: memref<1000x128xf32, #tpu.memory_space<vmem>>, %arg3: memref<1000x128xf32, #tpu.memory_space<vmem>>, %arg4: memref<1000x1xf32, #tpu.memory_space<vmem>>, %arg5: memref<128x128xf32, #tpu.memory_space<vmem>>, %arg6: memref<1000x128xf32, #tpu.memory_space<vmem>>) attributes {dimension_semantics = [#tpu.dimension_semantics<arbitrary>], iteration_bounds = array<i64: 10>, scalar_prefetch = 0 : i64, scratch_operands = 0 : i64, tpu.core_type = #tpu.core_type<tc>, window_params = [{transform_indices = @transform_0, window_bounds = array<i64: 1000, 128>}, {transform_indices = @transform_1, window_bounds = array<i64: 1000, 128>}, {transform_indices = @transform_2, window_bounds = array<i64: 1000, 128>}, {transform_indices = @transform_3, window_bounds = array<i64: 1000, 1>}, {pipeline_mode = #tpu.pipeline_mode<synchronous>, transform_indices = @transform_4, window_bounds = array<i64: 128, 128>}, {transform_indices = @transform_5, window_bounds = array<i64: 1000, 128>}]} {
    %get3A = arith.constant 0 : index
    %get3A_0 = arith.constant 0 : index
    %get3A_1 = vector.load %arg4[%get3A, %get3A_0] : memref<1000x1xf32, #tpu.memory_space<vmem>>, vector<1000x1xf32>
    %get3A_2 = arith.constant 0 : index
    %get3A_3 = arith.constant 0 : index
    %get3A_4 = vector.load %arg1[%get3A_2, %get3A_3] : memref<1000x128xf32, #tpu.memory_space<vmem>>, vector<1000x128xf32>
    %get3A_5 = arith.constant 0 : index
    %get3A_6 = arith.constant 0 : index
    %get3A_7 = vector.load %arg2[%get3A_5, %get3A_6] : memref<1000x128xf32, #tpu.memory_space<vmem>>, vector<1000x128xf32>
    %add3A = arith.addf %get3A_4, %get3A_7 : vector<1000x128xf32>
    %get3A_8 = arith.constant 0 : index
    %get3A_9 = arith.constant 0 : index
    %get3A_10 = vector.load %arg3[%get3A_8, %get3A_9] : memref<1000x128xf32, #tpu.memory_space<vmem>>, vector<1000x128xf32>
    %add3A_11 = arith.addf %add3A, %get3A_10 : vector<1000x128xf32>
    %mul3A = vector.broadcast %get3A_1 : vector<1000x1xf32> to vector<1000x128xf32>
    %mul3A_12 = arith.mulf %mul3A, %add3A_11 : vector<1000x128xf32>
    %max3A = arith.constant 0.000000e+00 : f32
    %max3A_13 = vector.broadcast %max3A : f32 to vector<1000x128xf32>
    %max3A_14 = arith.maximumf %mul3A_12, %max3A_13 : vector<1000x128xf32>
    %get3A_15 = arith.constant 0 : index
    %get3A_16 = arith.constant 0 : index
    %get3A_17 = vector.load %arg4[%get3A_15, %get3A_16] : memref<1000x1xf32, #tpu.memory_space<vmem>>, vector<1000x1xf32>
    %get3A_18 = arith.constant 0 : index
    %get3A_19 = arith.constant 0 : index
    %get3A_20 = vector.load %arg5[%get3A_18, %get3A_19] : memref<128x128xf32, #tpu.memory_space<vmem>>, vector<128x128xf32>
    %dot_general3A = arith.constant dense<0.000000e+00> : vector<1000x128xf32>
    %dot_general3A_21 = tpu.matmul %max3A_14, %get3A_20, %dot_general3A {dimension_numbers = #tpu.dot_dimension_numbers<[1], [0], [0], [1], [0, 0, 1, 1], [], []>, transpose_lhs_hint = false} : vector<1000x128xf32>, vector<128x128xf32>, vector<1000x128xf32> -> vector<1000x128xf32>
    %mul3A_22 = vector.broadcast %get3A_17 : vector<1000x1xf32> to vector<1000x128xf32>
    %mul3A_23 = arith.mulf %mul3A_22, %dot_general3A_21 : vector<1000x128xf32>
    %swap3A = arith.constant 0 : index
    %swap3A_24 = arith.constant 0 : index
    %swap3A_25 = vector.load %arg6[%swap3A, %swap3A_24] : memref<1000x128xf32, #tpu.memory_space<vmem>>, vector<1000x128xf32>
    tpu.vector_store %arg6[%swap3A, %swap3A_24], %mul3A_23 {strides = array<i32>} : memref<1000x128xf32, #tpu.memory_space<vmem>>, vector<1000x128xf32>,
    return
  }
  func.func @transform_0(%arg0: i32) -> (i32, i32) {
    %c0_i32 = arith.constant 0 : i32
    %c0_i32_0 = arith.constant 0 : i32
    return %arg0, %c0_i32 : i32, i32
  }
  func.func @transform_1(%arg0: i32) -> (i32, i32) {
    %c0_i32 = arith.constant 0 : i32
    %c0_i32_0 = arith.constant 0 : i32
    return %arg0, %c0_i32 : i32, i32
  }
  func.func @transform_2(%arg0: i32) -> (i32, i32) {
    %c0_i32 = arith.constant 0 : i32
    %c0_i32_0 = arith.constant 0 : i32
    return %arg0, %c0_i32 : i32, i32
  }
  func.func @transform_3(%arg0: i32) -> (i32, i32) {
    %c0_i32 = arith.constant 0 : i32
    %c0_i32_0 = arith.constant 0 : i32
    return %arg0, %c0_i32 : i32, i32
  }
  func.func @transform_4(%arg0: i32) -> (i32, i32) {
    %c0_i32 = arith.constant 0 : i32
    %c0_i32_0 = arith.constant 0 : i32
    %c0_i32_1 = arith.constant 0 : i32
    return %c0_i32, %c0_i32_0 : i32, i32
  }
  func.func @transform_5(%arg0: i32) -> (i32, i32) {
    %c0_i32 = arith.constant 0 : i32
    %c0_i32_0 = arith.constant 0 : i32
    return %arg0, %c0_i32 : i32, i32
  }
}

module attributes {stable_mosaic.version = 14 : i64} {
  func.func @body(%arg0: i32, %arg1: memref<1000x128xf32, #tpu.memory_space<vmem>>, %arg2: memref<1000x128xf32, #tpu.memory_space<vmem>>, %arg3: memref<1000x128xf32, #tpu.memory_space<vmem>>, %arg4: memref<1000x1xf32, #tpu.memory_space<vmem>>, %arg5: memref<1000x64xf32, #tpu.memory_space<vmem>>) attributes {dimension_semantics = [#tpu.dimension_semantics<arbitrary>], iteration_bounds = array<i64: 10>, scalar_prefetch = 0 : i64, scratch_operands = 0 : i64, tpu.core_type = #tpu.core_type<tc>, window_params = [{transform_indices = @transform_0, window_bounds = array<i64: 1000, 128>}, {transform_indices = @transform_1, window_bounds = array<i64: 1000, 128>}, {transform_indices = @transform_2, window_bounds = array<i64: 1000, 128>}, {transform_indices = @transform_3, window_bounds = array<i64: 1000, 1>}, {transform_indices = @transform_4, window_bounds = array<i64: 1000, 64>}]} {
    %get3A = arith.constant 0 : index
    %get3A_0 = arith.constant 0 : index
    %get3A_1 = vector.load %arg4[%get3A, %get3A_0] : memref<1000x1xf32, #tpu.memory_space<vmem>>, vector<1000x1xf32>
    %get3A_2 = arith.constant 0 : index
    %get3A_3 = arith.constant 0 : index
    %get3A_4 = vector.load %arg1[%get3A_2, %get3A_3] : memref<1000x128xf32, #tpu.memory_space<vmem>>, vector<1000x64xf32>
    %get3A_5 = arith.constant 0 : index
    %get3A_6 = arith.constant 0 : index
    %get3A_7 = vector.load %arg2[%get3A_5, %get3A_6] : memref<1000x128xf32, #tpu.memory_space<vmem>>, vector<1000x64xf32>
    %add3A = arith.addf %get3A_4, %get3A_7 : vector<1000x64xf32>
    %get3A_8 = arith.constant 0 : index
    %get3A_9 = arith.constant 0 : index
    %get3A_10 = vector.load %arg3[%get3A_8, %get3A_9] : memref<1000x128xf32, #tpu.memory_space<vmem>>, vector<1000x64xf32>
    %add3A_11 = arith.addf %add3A, %get3A_10 : vector<1000x64xf32>
    %mul3A = vector.broadcast %get3A_1 : vector<1000x1xf32> to vector<1000x64xf32>
    %mul3A_12 = arith.mulf %mul3A, %add3A_11 : vector<1000x64xf32>
    %swap3A = arith.constant 0 : index
    %swap3A_13 = arith.constant 0 : index
    %swap3A_14 = vector.load %arg5[%swap3A, %swap3A_13] : memref<1000x64xf32, #tpu.memory_space<vmem>>, vector<1000x64xf32>
    tpu.vector_store %arg5[%swap3A, %swap3A_13], %mul3A_12 {strides = array<i32>} : memref<1000x64xf32, #tpu.memory_space<vmem>>, vector<1000x64xf32>,
    return
  }
  func.func @transform_0(%arg0: i32) -> (i32, i32) {
    %c0_i32 = arith.constant 0 : i32
    %c0_i32_0 = arith.constant 0 : i32
    return %arg0, %c0_i32 : i32, i32
  }
  func.func @transform_1(%arg0: i32) -> (i32, i32) {
    %c0_i32 = arith.constant 0 : i32
    %c0_i32_0 = arith.constant 0 : i32
    return %arg0, %c0_i32 : i32, i32
  }
  func.func @transform_2(%arg0: i32) -> (i32, i32) {
    %c0_i32 = arith.constant 0 : i32
    %c0_i32_0 = arith.constant 0 : i32
    return %arg0, %c0_i32 : i32, i32
  }
  func.func @transform_3(%arg0: i32) -> (i32, i32) {
    %c0_i32 = arith.constant 0 : i32
    %c0_i32_0 = arith.constant 0 : i32
    return %arg0, %c0_i32 : i32, i32
  }
  func.func @transform_4(%arg0: i32) -> (i32, i32) {
    %c0_i32 = arith.constant 0 : i32
    %c0_i32_0 = arith.constant 0 : i32
    return %arg0, %c0_i32 : i32, i32
  }
}

</mosaic_0001>

<sc_bundles>
// kernel: kernel.10.cloned.1.call-start
scs
__scs_entry_jumppad:
0x0: {  	(pc) =	sbr.rel $0x88, $3  }
0x1: {  	(tag) =	ssettag $0x0;
	lr =	simm.s32 $0x1  }
0x2: {  	[smem:$0x3F9C] =	sst lr;
	_ =	strace $0xD0000000  }
0x3: {  	_ = 	snop  }
0x4: {  	_ = 	snop  }
0x5: {  	_ = 	snop  }
0x6: {  	_ = 	snop  }
0x7: {  	_ = 	snop  }
__scs_overlays_trampoline_lowered:
0x8: {  	[smem:$0x3FAB] =	sst s0  }
0x9: {  	[smem:$0x3FAC] =	sst s1  }
0xa: {  	[smem:$0x3FAD] =	sst s2  }
0xb: {  	[smem:$0x3FAE] =	sst s3  }
0xc: {  	[smem:$0x3FAF] =	sst s4  }
0xd: {  	[smem:$0x3FB0] =	sst s5  }
0xe: {  	[smem:$0x3FB1] =	sst s6  }
0xf: {  	[smem:$0x3FB2] =	sst s7  }
0x10: {  	[smem:$0x3FB3] =	sst s8  }
0x11: {  	[smem:$0x3FB4] =	sst s9;
	s0 =	simm.s32 @!p0 $0x0  }
0x12: {  	s1 =	sld [smem:$0x3F9A];
	s0 =	simm.s32 @p0 $0x1  }
0x13: {  	[smem:$0x3FB5] =	sst s0;
	s0 =	simm.s32 @!p1 $0x0  }
0x14: {  	s2 =	sld [smem:$0x3F99];
	s0 =	simm.s32 @p1 $0x1  }
0x15: {  	[smem:$0x3FB6] =	sst s0;
	s0 =	simm.s32 @!p2 $0x0  }
0x16: {  	s3 =	sld [smem:$0x3FDB];
	s0 =	simm.s32 @p2 $0x1  }
0x17: {  	s4 =	simm.s32 $0x1BF5;
	[smem:$0x3FB8] =	sst s0  }
0x18: {  	s0 =	sld [smem:$0x3F9B];
	_ =	swait.ge [sflag:s4], $0x0  }
0x19: {  	s7 =	sld [smem:$0x3F9C]  }
0x1a: {  	s8 =	sadd.s32 $0xFFFFE003, lr  }
0x1b: {  	s9 =	sadd.s32 $0xFFFFFEF7, lr;
	s5 =	simm.s32 $0xFFFFFFFF;
	p2 =	slt.u32 s8, $0xFFFFF086  }
0x1c: {  	p1 =	slt.u32 s9, $0xF7A;
	s5 =	simm.s32 @!p2 $0x0  }
0x1d: {  	s5 =	simm.s32 @p1 $0x1;
	p0 =	seq.s32 s7, s2  }
0x1e: {  	s7 =	smul.u32 @!p0 $0xF7A, s2;
	p2 =	seq.s32 @!p0 s5, $0x0  }
0x1f: {  	s9 =	smul.u32 $0xF7A, s1;
	s8 =	simm.s32 @!p0 $0x1BF5;
	p2 =	por !p2, p0  }
0x20: {  	[sflag:s8] =	ssyncset.s32 @!p0 $0xFFFFF086;
	s6 =	sadd.s32 @!p0 s3, s7;
	s7 =	simm.s32 @!p0 $0x108  }
0x21: {  	s3 =	sadd.s32 s3, s9;
	s6 =	sadd.s32 @!p0 $0x88, s6;
	s7 =	simm.s32 @p2 $0x1082  }
0x22: {  	[simem:s7], [sflag:s8] =	dma.local @!p0 [hbm:s6], $0xF7A  }
0x23: {  	s9 =	sor.u32 $0xD0000000, s2;
	s6 =	simm.s32 $0x108;
	_ =	swait.ge @!p0 [sflag:s8], $0x0  }
0x24: {  	s3 =	sadd.s32 $0x88, s3;
	s6 =	simm.s32 @!p1 $0x1082;
	[sflag:s4] =	ssyncset.s32 $0xFFFFF086  }
0x25: {  	[simem:s6], [sflag:s4] =	dma.local [hbm:s3], $0xF7A  }
0x26: {  	[smem:$0x3F9C] =	sst s1;
	(tag) =	ssettag s2;
	_ =	strace s9  }
0x27: {  	s1 =	sld [smem:$0x3FAC]  }
0x28: {  	s2 =	sld [smem:$0x3FAD]  }
0x29: {  	s4 =	sld [smem:$0x3FAF]  }
0x2a: {  	p0 =	seq.s32 s5, $0x0;
	s5 =	sld [smem:$0x3FB0]  }
0x2b: {  	s6 =	sld [smem:$0x3FB1]  }
0x2c: {  	s7 =	sld [smem:$0x3FB2]  }
0x2d: {  	s3 =	simm.s32 $0x108;
	s8 =	sld [smem:$0x3FB3]  }
0x2e: {  	s3 =	simm.s32 @!p0 $0x1082;
	s9 =	sld [smem:$0x3FB4]  }
0x2f: {  	lr =	sadd.s32 s0, s3;
	s0 =	sld [smem:$0x3FAB]  }
0x30: {  	s3 =	sld [smem:$0x3FAE]  }
0x31: {  	[smem:$0x3FB7] =	sst s10  }
0x32: {  	s10 =	sld [smem:$0x3FB5];
	_ =	sdelay $0x3  }
0x33: {  	p0 =	seq.s32 s10, $0x1;
	s10 =	sld [smem:$0x3FB7];
	_ =	sdelay $0x3  }
0x34: {  	[smem:$0x3FB7] =	sst s10  }
0x35: {  	s10 =	sld [smem:$0x3FB6];
	_ =	sdelay $0x3  }
0x36: {  	p1 =	seq.s32 s10, $0x1;
	s10 =	sld [smem:$0x3FB7];
	_ =	sdelay $0x3  }
0x37: {  	[smem:$0x3FB7] =	sst s10  }
0x38: {  	s10 =	sld [smem:$0x3FB8]  }
0x39: {  	_ = 	snop;
	(pc) =	sbr.ind lr, $3  }
0x3a: {  	_ = 	snop  }
0x3b: {  	_ = 	snop  }
0x3c: {  	p2 =	seq.s32 s10, $0x1;
	s10 =	sld [smem:$0x3FB7]  }
0x3d: {  	_ =	shalt  }
0x3e: {  	_ =	shalt  }
0x3f: {  	_ =	shalt  }
0x40: {  	_ =	shalt  }
0x41: {  	_ =	shalt  }
0x42: {  	_ =	shalt  }
0x43: {  	_ =	shalt  }
0x44: {  	_ =	shalt  }
0x45: {  	_ =	shalt  }
0x46: {  	_ =	shalt  }
0x47: {  	_ =	shalt  }
0x48: {  	_ =	shalt  }
0x49: {  	_ =	shalt  }
0x4a: {  	_ =	shalt  }
0x4b: {  	_ =	shalt  }
0x4c: {  	_ =	shalt  }
0x4d: {  	_ =	shalt  }
0x4e: {  	_ =	shalt  }
0x4f: {  	_ =	shalt  }
0x50: {  	_ =	shalt  }
0x51: {  	_ =	shalt  }
0x52: {  	_ =	shalt  }
0x53: {  	_ =	shalt  }
0x54: {  	_ =	shalt  }
0x55: {  	_ =	shalt  }
0x56: {  	_ =	shalt  }
0x57: {  	_ =	shalt  }
0x58: {  	_ =	shalt  }
0x59: {  	_ =	shalt  }
0x5a: {  	_ =	shalt  }
0x5b: {  	_ =	shalt  }
0x5c: {  	_ =	shalt  }
0x5d: {  	_ =	shalt  }
0x5e: {  	_ =	shalt  }
0x5f: {  	_ =	shalt  }
0x60: {  	_ =	shalt  }
0x61: {  	_ =	shalt  }
0x62: {  	_ =	shalt  }
0x63: {  	_ =	shalt  }
0x64: {  	_ =	shalt  }
0x65: {  	_ =	shalt  }
0x66: {  	_ =	shalt  }
0x67: {  	_ =	shalt  }
0x68: {  	_ =	shalt  }
0x69: {  	_ =	shalt  }
0x6a: {  	_ =	shalt  }
0x6b: {  	_ =	shalt  }
0x6c: {  	_ =	shalt  }
0x6d: {  	_ =	shalt  }
0x6e: {  	_ =	shalt  }
0x6f: {  	_ =	shalt  }
0x70: {  	_ =	shalt  }
0x71: {  	_ =	shalt  }
0x72: {  	_ =	shalt  }
0x73: {  	_ =	shalt  }
0x74: {  	_ =	shalt  }
0x75: {  	_ =	shalt  }
0x76: {  	_ =	shalt  }
0x77: {  	_ =	shalt  }
0x78: {  	_ =	shalt  }
0x79: {  	_ =	shalt  }
0x7a: {  	_ =	shalt  }
0x7b: {  	_ =	shalt  }
0x7c: {  	_ =	shalt  }
0x7d: {  	_ =	shalt  }
0x7e: {  	_ =	shalt  }
0x7f: {  	_ =	shalt  }
0x80: {  	_ =	shalt  }
0x81: {  	_ =	shalt  }
0x82: {  	_ =	shalt  }
0x83: {  	_ =	shalt  }
0x84: {  	_ =	shalt  }
0x85: {  	_ =	shalt  }
0x86: {  	_ =	shalt  }
0x87: {  	_ =	shalt  }
.Lfunc_end0:
.L_simem_size_0:
called_computation_lowered:
.L_overlay_start_0:
0x88: {  	s2 =	sld [smem:$0x3FD9]  }
0x89: {  	s3 =	sld [smem:$0x3FFE];
	_ =	sdelay $0x1  }
0x8a: {  	s1 =	srdreg.scid  }
0x8b: {  	s0 =	sand.u32 $0x1, s1  }
0x8c: {  	s17 =	sshll.u32 s0, $0xA;
	s2 =	sadd.s32 s3, s2  }
0x8d: {  	s2 =	sadd.s32 s2, s17  }
0x8e: {  	[smem:$0x3FC3] =	sst s2  }
0x8f: {  	_ = 	snop  }
0x90: {  	s2 =	sld [smem:$0x3FD0];
	(tm) =	ssettm $0x1  }
0x91: {  	s18 =	sld [smem:$0x3FFB];
	_ =	sdelay $0x3  }
0x92: {  	_ =	strace s18  }
0x93: {  	s3 =	sld [smem:$0x3FFC];
	_ =	sdelay $0x3  }
0x94: {  	_ =	strace s3  }
0x95: {  	s3 =	sld [smem:$0x3FFD];
	_ =	sdelay $0x3  }
0x96: {  	_ =	strace s3  }
0x97: {  	_ =	strace $0x8FFFFFFF  }
0x98: {  	s19 =	sld [smem:$0x3FDB];
	_ =	sdelay $0x1  }
0x99: {  	s4 =	simm.s32 $_scs_section_size  }
0x9a: {  	s5 =	simm.s32 $_size__tile_overlayer_lowered;
	s6 =	simm.s32 $_tile_overlayer_lowered  }
0x9b: {  	s22 =	simm.s32 $0x1BFF;
	s21 =	sshll.u32 s6, $0x1;
	s3 =	sadd.s32 s4, s19  }
0x9c: {  	s7 =	simm.s32 $0x0;
	s20 =	sshll.u32 s5, $0x1;
	s5 =	sadd.s32 s21, s3  }
0x9d: {  	[timem:s7], [sflag:s22] =	dma.local [hbm:s5], s20  }
0x9e: {  	_ =	swait.ge [sflag:s22], s20  }
0x9f: {  	s4 =	ssub.s32 $0x0, s20;
	[sflag:s22] =	ssyncset.done $0x0  }
0xa0: {  	[sflag:s22] =	ssyncadd.s32 s4;
	_ =	sdelay $0x1  }
0xa1: {  	s23 =	simm.s32 $0x1B8B  }
0xa2: {  	_ =	swait.ge [sflag:s23], $0x1  }
0xa3: {  	[sflag:s23] =	ssyncset.done $0x0  }
0xa4: {  	s25 =	simm.s32 $0x1B8E;
	s24 =	sld [smem:$0x3FFE];
	[sflag:s23] =	ssyncadd.s32 $0xFFFFFFFF  }
0xa5: {  	s26 =	simm.s32 $execute0_lowered;
	[smem:$0x3FD2] =	sst s25  }
0xa6: {  	s5 =	sshll.u32 s26, $0x1;
	_ =	strace $0x80000046;
	[dreg:$0x1] =	wrdreg $0xFFFFFFFF  }
0xa7: {  	s28 =	simm.s32 $_size_execute0_lowered;
	s3 =	sadd.s32 s3, s5;
	[dreg:$0x0] =	wrdreg $0x0  }
0xa8: {  	s5 =	sshll.u32 s28, $0x1;
	[dreg:$0x2] =	wrdreg s3  }
0xa9: {  	[dreg:$0x3] =	wrdreg s5  }
0xaa: {  	[dreg:$0x4] =	wrdreg $0xC0  }
0xab: {  	_ =	task [dreg:s7], $0x5FFFF  }
0xac: {  	[dreg:$0x1] =	wrdreg $0xFFFFFFFF  }
0xad: {  	[dreg:$0x0] =	wrdreg $0x60  }
0xae: {  	[dreg:$0x2] =	wrdreg s2  }
0xaf: {  	[dreg:$0x3] =	wrdreg s24  }
0xb0: {  	[dreg:$0x4] =	wrdreg $0x3D000  }
0xb1: {  	[dreg:$0x5] =	wrdreg $0x9  }
0xb2: {  	_ =	task.clear_ibuf [dreg:s7], $0x6FFFF;
	_ =	strace $0x90000046  }
0xb3: {  	s29 =	simm.s32 $0x9;
	_ =	strace $0x80000048  }
0xb4: {  	_ =	swait.ge [sflag:s29], $0x1  }
0xb5: {  	[sflag:s29] =	ssyncadd.s32 $0xFFFFFFFF  }
0xb6: {  	_ =	strace $0x90000048  }
0xb7: {  	_ =	sfence  }
0xb8: {  	s30 =	sld [smem:$0x0];
	_ =	sdelay $0x2  }
0xb9: {  	s31 =	sshll.u32 s1, $0xD;
	s1 =	sshrl.u32 s1, $0x2  }
0xba: {  	s3 =	sand.u32 $0x4000, s31;
	s1 =	sadd.s32 s1, s30  }
0xbb: {  	s0 =	sor.u32 s3, s0;
	s1 =	sshll.u32 s1, $0x11  }
0xbc: {  	s0 =	sor.u32 s1, s0  }
0xbd: {  	s0 =	sadd.s32 $0x8F2B, s0  }
0xbe: {  	[sflag:s0] =	ssyncadd.remote.s32 $0x1  }
0xbf: {  	_ =	sfence.sel $0xFFFF  }
0xc0: {  	[dreg:$0x0] =	wrdreg $0xFFFFFFFF;
	(pc) =	sbr.abs _section_cstart, $3  }
0xc1: {  	[dreg:$0x1] =	wrdreg $0xFFFFFFFF  }
0xc2: {  	_ =	task.clear_ibuf [dreg:s7], $0x2FFFF;
	_ =	strace $0x9FFFFFFF  }
0xc3: {  	(tm) =	ssettm $0x7FFFFFFF  }
tec
execute0_lowered:
.L_overlay_start_1:
0x0: {  	(tag) =	ssettag $0x1  }
0x1: {  	s1 =	rddreg [dreg:$0x0]  }
0x2: {  	s6 =	rddreg [dreg:$0x1]  }
0x3: {  	s3 =	rddreg [dreg:$0x2]  }
0x4: {  	s0 =	rddreg [dreg:$0x3];
	s4 =	simm.s32 $0x0  }
0x5: {  	s2 =	stileid.u32;
	s5 =	srdreg.scid;
	s17 =	simm.s32 $0x80  }
0x6: {  	s18 =	simm.s32 $0x1;
	s19 =	simm.s32 $0x78;
	s20 =	simm.s32 $0x2  }
0x7: {  	s21 =	simm.s32 $0x0;
	[smem:$0x7FF] =	sst s4;
	s7 =	smul.u32 $0x14000, s2  }
0x8: {  	s8 =	sand.u32 $0x1, s5;
	s23 =	sshll.u32 s2, $0x1;
	s24 =	smul.u32 $0x50000, s2  }
0x9: {  	s5 =	sadd.s32 $0x2BA00, s6;
	s13 =	smul.u32 $0x4EC0, s2;
	s15 =	sshll.u32 s2, $0x6  }
0xa: {  	_ =	strace $0x80000047;
	s9 =	smul.u32 $0x140000, s8;
	s10 =	sor.u32 s8, s23  }
0xb: {  	s12 =	ssub.s32 $0x2, s8;
	s26 =	smul.u32 $0x2760, s8;
	s15 =	sor.u32 $0x1C03, s15  }
0xc: {  	s11 =	sshrl.u32 s7, $0x3;
	s10 =	smul.u32 $0x2760, s10;
	s25 =	sshrl.u32 s12, $0x1  }
0xd: {  	s28 =	sshrl.u32 s24, $0x2;
	s11 =	sadd.s32 s11, s6;
	s7 =	sadd.s32 s7, s9  }
0xe: {  	s12 =	ssub.s32 s12, s25;
	s16 =	sadd.s32 s28, s3;
	s13 =	sadd.s32 s26, s13  }
0xf: {  	s7 =	sshrl.u32 s7, $0x3;
	s29 =	sshrl.u32 s10, $0x3;
	s30 =	sadd.s32 $0x78, s13  }
0x10: {  	s16 =	sshrl.u32 s16, $0x3;
	s14 =	sadd.s32 s7, s6;
	s6 =	sadd.s32 $0x26E8, s10  }
0x11: {  	s7 =	sadd.s32 $0x3A00, s11;
	s8 =	sadd.s32 s1, s29;
	s10 =	smax.u32 s12, $0x1  }
0x12: {  	s31 =	sshrl.u32 s30, $0x3;
	s11 =	sadd.s32 $0xF0, s13;
	s13 =	simm.s32 $0x100  }
0x13: {  	s9 =	sadd.s32 $0x2C200, s14;
	s12 =	sadd.s32 s31, s1;
	s14 =	simm.s32 $0x3  }
.LBB2_1:
0x14: {  	[tilespmem:s13], [sflag:$0x3] =	stream.linear.gather [hbm4b:s5+s4], $0x3C00, $0x38;
	[tilespmem:$0x17D00] =	vst v63  }
0x15: {  	_ =	swait.ge [sflag:s14], $0x3C00  }
0x16: {  	[sflag:s14] =	ssyncset.done $0x0  }
0x17: {  	[sflag:s14] =	ssyncadd.s32 $0xFFFFC400  }
0x18: {  	[spmem:s16], [sflag:s15] =	dma.local [hbm:s7], $0x2800  }
0x19: {  	_ =	swait.ge [sflag:s14], $0x2800  }
0x1a: {  	[sflag:s14] =	ssyncset.done $0x0  }
0x1b: {  	[sflag:s14] =	ssyncadd.s32 $0xFFFFD800  }
0x1c: {  	[bflag:$0x0] =	sbarrier.arrive $0xFFFF  }
0x1d: {  	[tilespmem:s4], [sflag:$0x1] =	stream.linear.gather [hbm4b:s8+s4], $0x78, $0x38;
	[tilespmem:$0x17D00] =	vst v63  }
0x1e: {  	s22 =	sadd.s32 $0x0, s12  }
0x1f: {  	[tilespmem:s17], [sflag:$0x2] =	stream.linear.gather [hbm4b:s22+s4], $0x78, $0x38;
	[tilespmem:$0x17D00] =	vst v63  }
0x20: {  	_ =	swait.ge [sflag:s18], $0x78  }
0x21: {  	[sflag:s18] =	ssyncset.done $0x0  }
0x22: {  	p0 =	slt.s32 s11, s6;
	s22 =	smov.u32 s6;
	[sflag:s18] =	ssyncadd.s32 $0xFFFFFF88  }
0x23: {  	[spmem:s3] =	stream.indirect.scatter.add.f32 [tilespmem:s13], [sflag:$0x3], $0x80, s4, s19, $0xb8;
	[tilespmem:$0x17D00] =	vst v63  }
0x24: {  	s22 =	smov.u32 @p0 s11;
	_ =	swait.ge [sflag:s14], $0x3C00  }
0x25: {  	s22 =	sshrl.u32 s22, $0x3;
	[sflag:s14] =	ssyncset.done $0x0  }
0x26: {  	s22 =	sadd.s32 s1, s22;
	[sflag:s14] =	ssyncadd.s32 $0xFFFFC400  }
0x27: {  	[tilespmem:s4], [sflag:$0x1] =	stream.linear.gather [hbm4b:s22+s4], $0x78, $0x38;
	[tilespmem:$0x17D00] =	vst v63  }
0x28: {  	_ =	swait.ge [sflag:s20], $0x78  }
0x29: {  	[sflag:s20] =	ssyncset.done $0x0  }
0x2a: {  	[sflag:s20] =	ssyncadd.s32 $0xFFFFFF88  }
0x2b: {  	[spmem:s3] =	stream.indirect.scatter.add.f32 [tilespmem:s13], [sflag:$0x3], $0x80, s17, s19, $0xb8;
	[tilespmem:$0x17D00] =	vst v63  }
0x2c: {  	s23 =	simm.s32 $0x1E;
	_ =	swait.ge [sflag:s14], $0x3C00  }
0x2d: {  	s24 =	simm.s32 $0x3C;
	s22 =	sadd.s32 $0xF0, s11;
	[sflag:s14] =	ssyncset.done $0x0  }
.LBB2_2:
0x2e: {  	s25 =	sadd.s32 s23, s12  }
0x2f: {  	[sflag:s14] =	ssyncadd.s32 $0xFFFFC400;
	s23 =	smov.u32 s24;
	s26 =	sadd.s32 $0x1E, s24  }
0x30: {  	[tilespmem:s17], [sflag:$0x2] =	stream.linear.gather [hbm4b:s25+s4], $0x78, $0x38;
	[tilespmem:$0x17D00] =	vst v63  }
0x31: {  	p0 =	sne.s32 s24, $0x4CE;
	_ =	swait.ge [sflag:s18], $0x78  }
0x32: {  	[sflag:s18] =	ssyncset.done $0x0  }
0x33: {  	p1 =	slt.s32 s22, s6;
	s24 =	smov.u32 s6;
	[sflag:s18] =	ssyncadd.s32 $0xFFFFFF88  }
0x34: {  	[spmem:s3] =	stream.indirect.scatter.add.f32 [tilespmem:s13], [sflag:$0x3], $0x80, s4, s19, $0xb8;
	[tilespmem:$0x17D00] =	vst v63  }
0x35: {  	s24 =	smov.u32 @p1 s22;
	_ =	swait.ge [sflag:s14], $0x3C00  }
0x36: {  	s24 =	sshrl.u32 s24, $0x3;
	[sflag:s14] =	ssyncset.done $0x0  }
0x37: {  	s24 =	sadd.s32 s1, s24;
	[sflag:s14] =	ssyncadd.s32 $0xFFFFC400  }
0x38: {  	[tilespmem:s4], [sflag:$0x1] =	stream.linear.gather [hbm4b:s24+s4], $0x78, $0x38;
	[tilespmem:$0x17D00] =	vst v63  }
0x39: {  	_ =	swait.ge [sflag:s20], $0x78  }
.Ltmp0:
0x3a: {  	[sflag:s20] =	ssyncset.done $0x0;
	(pc) =	sbr.rel @p0 .LBB2_2-.Ltmp0, $4  }
0x3b: {  	[sflag:s20] =	ssyncadd.s32 $0xFFFFFF88  }
0x3c: {  	[spmem:s3] =	stream.indirect.scatter.add.f32 [tilespmem:s13], [sflag:$0x3], $0x80, s17, s19, $0xb8;
	[tilespmem:$0x17D00] =	vst v63  }
0x3d: {  	_ =	swait.ge [sflag:s14], $0x3C00  }
0x3e: {  	s22 =	sadd.s32 $0xF0, s22;
	s24 =	smov.u32 s26;
	[sflag:s14] =	ssyncset.done $0x0  }
0x3f: {  	s23 =	sadd.s32 s23, s12;
	[sflag:s14] =	ssyncadd.s32 $0xFFFFC400  }
0x40: {  	[tilespmem:s17], [sflag:$0x2] =	stream.linear.gather [hbm4b:s23+s4], $0x78, $0x38;
	[tilespmem:$0x17D00] =	vst v63  }
0x41: {  	_ =	swait.ge [sflag:s18], $0x78  }
0x42: {  	[sflag:s18] =	ssyncset.done $0x0  }
0x43: {  	p0 =	slt.s32 s22, s6;
	s23 =	smov.u32 s6;
	[sflag:s18] =	ssyncadd.s32 $0xFFFFFF88  }
0x44: {  	[spmem:s3] =	stream.indirect.scatter.add.f32 [tilespmem:s13], [sflag:$0x3], $0x80, s4, s19, $0xb8;
	[tilespmem:$0x17D00] =	vst v63  }
0x45: {  	s23 =	smov.u32 @p0 s22;
	_ =	swait.ge [sflag:s14], $0x3C00  }
0x46: {  	s22 =	sshrl.u32 s23, $0x3;
	[sflag:s14] =	ssyncset.done $0x0  }
0x47: {  	s22 =	sadd.s32 s1, s22;
	[sflag:s14] =	ssyncadd.s32 $0xFFFFC400  }
0x48: {  	[tilespmem:s4], [sflag:$0x1] =	stream.linear.gather [hbm4b:s22+s4], $0x78, $0x38;
	[tilespmem:$0x17D00] =	vst v63  }
0x49: {  	_ =	swait.ge [sflag:s20], $0x78  }
0x4a: {  	[sflag:s20] =	ssyncset.done $0x0  }
0x4b: {  	[sflag:s20] =	ssyncadd.s32 $0xFFFFFF88  }
0x4c: {  	[spmem:s3] =	stream.indirect.scatter.add.f32 [tilespmem:s13], [sflag:$0x3], $0x80, s17, s19, $0xb8;
	[tilespmem:$0x17D00] =	vst v63  }
0x4d: {  	_ =	swait.ge [sflag:s14], $0x3C00  }
0x4e: {  	[sflag:s14] =	ssyncset.done $0x0  }
0x4f: {  	[sflag:s14] =	ssyncadd.s32 $0xFFFFC400  }
0x50: {  	_ =	swait.ge [sflag:s18], $0x78  }
0x51: {  	s21 =	sadd.s32 $0x1, s21;
	[sflag:s18] =	ssyncset.done $0x0  }
0x52: {  	p0 =	sne.s32 s21, s10;
	[sflag:s18] =	ssyncadd.s32 $0xFFFFFF88  }
.Ltmp1:
0x53: {  	[bflag:$0x0] =	sbarrier.arrive $0xFFFF;
	(pc) =	sbr.rel @p0 .LBB2_1-.Ltmp1, $4  }
0x54: {  	[hbm:s9], [sflag:s15] =	dma.local [spmem:s16], $0x2800  }
0x55: {  	_ =	swait.ge [sflag:s14], $0x2800  }
0x56: {  	[sflag:s14] =	ssyncset.done $0x0  }
0x57: {  	[sflag:s14] =	ssyncadd.s32 $0xFFFFD800  }
0x58: {  	_ =	sfence.sel $0x180000  }
0x59: {  	[bflag:$0x0] =	sbarrier.arrive $0xFFFF  }
0x5a: {  	p0 =	sne.s32 s2, $0x0;
	_ =	strace $0x90000047  }
0x5b: {  	s0 =	sadd.s32 @!p0 $0x100000, s0;
	[bflag:$0x2] =	sbarrier.arrive $0xFFFF  }
0x5c: {  	[sflag:s0] =	ssyncadd.tile.s32 @!p0 $0x1;
	_ =	shalt  }
.Lfunc_end2:
_tile_overlayer_lowered:
.L_overlay_start_2:
0x5d: {  	(tag) =	ssettag $0x2  }
0x5e: {  	s0 =	rddreg [dreg:$0x0];
	s2 =	stileid.u32  }
0x5f: {  	s1 =	rddreg [dreg:$0x1];
	p0 =	sne.s32 s2, $0x0  }
0x60: {  	s3 =	rddreg [dreg:$0x2];
	[bflag:$0x3] =	sbarrier.arrive $0xFFFF;
	s2 =	simm.s32 @!p0 $0x1C03  }
0x61: {  	[timem:s3], [sflag:s2] =	dma.local @!p0 [hbm:s0], s1  }
0x62: {  	s0 =	simm.s32 @!p0 $0x3  }
0x63: {  	_ =	swait.ge @!p0 [sflag:s0], s1  }
0x64: {  	s1 =	ssub.s32 @!p0 $0x0, s1;
	[sflag:s0] =	ssyncset.done @!p0 $0x0  }
0x65: {  	[sflag:s0] =	ssyncadd.s32 @!p0 s1  }
0x66: {  	[bflag:$0x3] =	sbarrier.arrive $0xFFFF  }
0x67: {  	_ =	shalt  }

// kernel: kernel.13.cloned.1.call-start
scs
__scs_entry_jumppad:
0x0: {  	(pc) =	sbr.rel $0x88, $3  }
0x1: {  	(tag) =	ssettag $0x0;
	lr =	simm.s32 $0x1  }
0x2: {  	[smem:$0x3F9C] =	sst lr;
	_ =	strace $0xD0000000  }
0x3: {  	_ = 	snop  }
0x4: {  	_ = 	snop  }
0x5: {  	_ = 	snop  }
0x6: {  	_ = 	snop  }
0x7: {  	_ = 	snop  }
__scs_overlays_trampoline_lowered:
0x8: {  	[smem:$0x3FAB] =	sst s0  }
0x9: {  	[smem:$0x3FAC] =	sst s1  }
0xa: {  	[smem:$0x3FAD] =	sst s2  }
0xb: {  	[smem:$0x3FAE] =	sst s3  }
0xc: {  	[smem:$0x3FAF] =	sst s4  }
0xd: {  	[smem:$0x3FB0] =	sst s5  }
0xe: {  	[smem:$0x3FB1] =	sst s6  }
0xf: {  	[smem:$0x3FB2] =	sst s7  }
0x10: {  	[smem:$0x3FB3] =	sst s8  }
0x11: {  	[smem:$0x3FB4] =	sst s9;
	s0 =	simm.s32 @!p0 $0x0  }
0x12: {  	s1 =	sld [smem:$0x3F9A];
	s0 =	simm.s32 @p0 $0x1  }
0x13: {  	[smem:$0x3FB5] =	sst s0;
	s0 =	simm.s32 @!p1 $0x0  }
0x14: {  	s2 =	sld [smem:$0x3F99];
	s0 =	simm.s32 @p1 $0x1  }
0x15: {  	[smem:$0x3FB6] =	sst s0;
	s0 =	simm.s32 @!p2 $0x0  }
0x16: {  	s3 =	sld [smem:$0x3FDB];
	s0 =	simm.s32 @p2 $0x1  }
0x17: {  	s4 =	simm.s32 $0x1BF5;
	[smem:$0x3FB8] =	sst s0  }
0x18: {  	s0 =	sld [smem:$0x3F9B];
	_ =	swait.ge [sflag:s4], $0x0  }
0x19: {  	s7 =	sld [smem:$0x3F9C]  }
0x1a: {  	s8 =	sadd.s32 $0xFFFFE003, lr  }
0x1b: {  	s9 =	sadd.s32 $0xFFFFFEF7, lr;
	s5 =	simm.s32 $0xFFFFFFFF;
	p2 =	slt.u32 s8, $0xFFFFF086  }
0x1c: {  	p1 =	slt.u32 s9, $0xF7A;
	s5 =	simm.s32 @!p2 $0x0  }
0x1d: {  	s5 =	simm.s32 @p1 $0x1;
	p0 =	seq.s32 s7, s2  }
0x1e: {  	s7 =	smul.u32 @!p0 $0xF7A, s2;
	p2 =	seq.s32 @!p0 s5, $0x0  }
0x1f: {  	s9 =	smul.u32 $0xF7A, s1;
	s8 =	simm.s32 @!p0 $0x1BF5;
	p2 =	por !p2, p0  }
0x20: {  	[sflag:s8] =	ssyncset.s32 @!p0 $0xFFFFF086;
	s6 =	sadd.s32 @!p0 s3, s7;
	s7 =	simm.s32 @!p0 $0x108  }
0x21: {  	s3 =	sadd.s32 s3, s9;
	s6 =	sadd.s32 @!p0 $0x88, s6;
	s7 =	simm.s32 @p2 $0x1082  }
0x22: {  	[simem:s7], [sflag:s8] =	dma.local @!p0 [hbm:s6], $0xF7A  }
0x23: {  	s9 =	sor.u32 $0xD0000000, s2;
	s6 =	simm.s32 $0x108;
	_ =	swait.ge @!p0 [sflag:s8], $0x0  }
0x24: {  	s3 =	sadd.s32 $0x88, s3;
	s6 =	simm.s32 @!p1 $0x1082;
	[sflag:s4] =	ssyncset.s32 $0xFFFFF086  }
0x25: {  	[simem:s6], [sflag:s4] =	dma.local [hbm:s3], $0xF7A  }
0x26: {  	[smem:$0x3F9C] =	sst s1;
	(tag) =	ssettag s2;
	_ =	strace s9  }
0x27: {  	s1 =	sld [smem:$0x3FAC]  }
0x28: {  	s2 =	sld [smem:$0x3FAD]  }
0x29: {  	s4 =	sld [smem:$0x3FAF]  }
0x2a: {  	p0 =	seq.s32 s5, $0x0;
	s5 =	sld [smem:$0x3FB0]  }
0x2b: {  	s6 =	sld [smem:$0x3FB1]  }
0x2c: {  	s7 =	sld [smem:$0x3FB2]  }
0x2d: {  	s3 =	simm.s32 $0x108;
	s8 =	sld [smem:$0x3FB3]  }
0x2e: {  	s3 =	simm.s32 @!p0 $0x1082;
	s9 =	sld [smem:$0x3FB4]  }
0x2f: {  	lr =	sadd.s32 s0, s3;
	s0 =	sld [smem:$0x3FAB]  }
0x30: {  	s3 =	sld [smem:$0x3FAE]  }
0x31: {  	[smem:$0x3FB7] =	sst s10  }
0x32: {  	s10 =	sld [smem:$0x3FB5];
	_ =	sdelay $0x3  }
0x33: {  	p0 =	seq.s32 s10, $0x1;
	s10 =	sld [smem:$0x3FB7];
	_ =	sdelay $0x3  }
0x34: {  	[smem:$0x3FB7] =	sst s10  }
0x35: {  	s10 =	sld [smem:$0x3FB6];
	_ =	sdelay $0x3  }
0x36: {  	p1 =	seq.s32 s10, $0x1;
	s10 =	sld [smem:$0x3FB7];
	_ =	sdelay $0x3  }
0x37: {  	[smem:$0x3FB7] =	sst s10  }
0x38: {  	s10 =	sld [smem:$0x3FB8]  }
0x39: {  	_ = 	snop;
	(pc) =	sbr.ind lr, $3  }
0x3a: {  	_ = 	snop  }
0x3b: {  	_ = 	snop  }
0x3c: {  	p2 =	seq.s32 s10, $0x1;
	s10 =	sld [smem:$0x3FB7]  }
0x3d: {  	_ =	shalt  }
0x3e: {  	_ =	shalt  }
0x3f: {  	_ =	shalt  }
0x40: {  	_ =	shalt  }
0x41: {  	_ =	shalt  }
0x42: {  	_ =	shalt  }
0x43: {  	_ =	shalt  }
0x44: {  	_ =	shalt  }
0x45: {  	_ =	shalt  }
0x46: {  	_ =	shalt  }
0x47: {  	_ =	shalt  }
0x48: {  	_ =	shalt  }
0x49: {  	_ =	shalt  }
0x4a: {  	_ =	shalt  }
0x4b: {  	_ =	shalt  }
0x4c: {  	_ =	shalt  }
0x4d: {  	_ =	shalt  }
0x4e: {  	_ =	shalt  }
0x4f: {  	_ =	shalt  }
0x50: {  	_ =	shalt  }
0x51: {  	_ =	shalt  }
0x52: {  	_ =	shalt  }
0x53: {  	_ =	shalt  }
0x54: {  	_ =	shalt  }
0x55: {  	_ =	shalt  }
0x56: {  	_ =	shalt  }
0x57: {  	_ =	shalt  }
0x58: {  	_ =	shalt  }
0x59: {  	_ =	shalt  }
0x5a: {  	_ =	shalt  }
0x5b: {  	_ =	shalt  }
0x5c: {  	_ =	shalt  }
0x5d: {  	_ =	shalt  }
0x5e: {  	_ =	shalt  }
0x5f: {  	_ =	shalt  }
0x60: {  	_ =	shalt  }
0x61: {  	_ =	shalt  }
0x62: {  	_ =	shalt  }
0x63: {  	_ =	shalt  }
0x64: {  	_ =	shalt  }
0x65: {  	_ =	shalt  }
0x66: {  	_ =	shalt  }
0x67: {  	_ =	shalt  }
0x68: {  	_ =	shalt  }
0x69: {  	_ =	shalt  }
0x6a: {  	_ =	shalt  }
0x6b: {  	_ =	shalt  }
0x6c: {  	_ =	shalt  }
0x6d: {  	_ =	shalt  }
0x6e: {  	_ =	shalt  }
0x6f: {  	_ =	shalt  }
0x70: {  	_ =	shalt  }
0x71: {  	_ =	shalt  }
0x72: {  	_ =	shalt  }
0x73: {  	_ =	shalt  }
0x74: {  	_ =	shalt  }
0x75: {  	_ =	shalt  }
0x76: {  	_ =	shalt  }
0x77: {  	_ =	shalt  }
0x78: {  	_ =	shalt  }
0x79: {  	_ =	shalt  }
0x7a: {  	_ =	shalt  }
0x7b: {  	_ =	shalt  }
0x7c: {  	_ =	shalt  }
0x7d: {  	_ =	shalt  }
0x7e: {  	_ =	shalt  }
0x7f: {  	_ =	shalt  }
0x80: {  	_ =	shalt  }
0x81: {  	_ =	shalt  }
0x82: {  	_ =	shalt  }
0x83: {  	_ =	shalt  }
0x84: {  	_ =	shalt  }
0x85: {  	_ =	shalt  }
0x86: {  	_ =	shalt  }
0x87: {  	_ =	shalt  }
.Lfunc_end0:
.L_simem_size_0:
called_computation.1_lowered:
.L_overlay_start_0:
0x88: {  	s2 =	sld [smem:$0x3FD9]  }
0x89: {  	s3 =	sld [smem:$0x3FFE];
	_ =	sdelay $0x1  }
0x8a: {  	s1 =	srdreg.scid  }
0x8b: {  	s0 =	sand.u32 $0x1, s1  }
0x8c: {  	s16 =	sshll.u32 s0, $0xA;
	s2 =	sadd.s32 s3, s2  }
0x8d: {  	s2 =	sadd.s32 s2, s16  }
0x8e: {  	[smem:$0x3FC3] =	sst s2  }
0x8f: {  	_ = 	snop  }
0x90: {  	(tm) =	ssettm $0x1  }
0x91: {  	s17 =	sld [smem:$0x3FFB];
	_ =	sdelay $0x3  }
0x92: {  	_ =	strace s17  }
0x93: {  	s2 =	sld [smem:$0x3FFC];
	_ =	sdelay $0x3  }
0x94: {  	_ =	strace s2  }
0x95: {  	s2 =	sld [smem:$0x3FFD];
	_ =	sdelay $0x3  }
0x96: {  	_ =	strace s2  }
0x97: {  	_ =	strace $0x8FFFFFFF  }
0x98: {  	s18 =	sld [smem:$0x3FDB];
	_ =	sdelay $0x1  }
0x99: {  	s19 =	simm.s32 $_scs_section_size  }
0x9a: {  	s4 =	simm.s32 $_size__tile_overlayer_lowered;
	s5 =	simm.s32 $_tile_overlayer_lowered  }
0x9b: {  	s22 =	simm.s32 $0x1BFF;
	s21 =	sshll.u32 s5, $0x1;
	s2 =	sadd.s32 s19, s18  }
0x9c: {  	s6 =	simm.s32 $0x0;
	s20 =	sshll.u32 s4, $0x1;
	s4 =	sadd.s32 s21, s2  }
0x9d: {  	[timem:s6], [sflag:s22] =	dma.local [hbm:s4], s20  }
0x9e: {  	_ =	swait.ge [sflag:s22], s20  }
0x9f: {  	s3 =	ssub.s32 $0x0, s20;
	[sflag:s22] =	ssyncset.done $0x0  }
0xa0: {  	[sflag:s22] =	ssyncadd.s32 s3;
	_ =	sdelay $0x1  }
0xa1: {  	s23 =	simm.s32 $0x1B8B  }
0xa2: {  	_ =	swait.ge [sflag:s23], $0x1  }
0xa3: {  	[sflag:s23] =	ssyncset.done $0x0  }
0xa4: {  	s25 =	simm.s32 $0x1B8E;
	s24 =	sld [smem:$0x3FFE];
	[sflag:s23] =	ssyncadd.s32 $0xFFFFFFFF  }
0xa5: {  	s26 =	simm.s32 $execute0_lowered;
	[smem:$0x3FD2] =	sst s25  }
0xa6: {  	s4 =	sshll.u32 s26, $0x1;
	_ =	strace $0x80000049;
	[dreg:$0x1] =	wrdreg $0xFFFFFFFF  }
0xa7: {  	s28 =	simm.s32 $_size_execute0_lowered;
	s2 =	sadd.s32 s2, s4;
	[dreg:$0x0] =	wrdreg $0x0  }
0xa8: {  	s4 =	sshll.u32 s28, $0x1;
	[dreg:$0x2] =	wrdreg s2  }
0xa9: {  	[dreg:$0x3] =	wrdreg s4  }
0xaa: {  	[dreg:$0x4] =	wrdreg $0xC0  }
0xab: {  	_ =	task [dreg:s6], $0x5FFFF  }
0xac: {  	[dreg:$0x1] =	wrdreg $0xFFFFFFFF  }
0xad: {  	[dreg:$0x0] =	wrdreg $0x60  }
0xae: {  	[dreg:$0x2] =	wrdreg s24  }
0xaf: {  	[dreg:$0x3] =	wrdreg $0xB7000  }
0xb0: {  	[dreg:$0x4] =	wrdreg $0x9  }
0xb1: {  	_ =	task.clear_ibuf [dreg:s6], $0x5FFFF;
	_ =	strace $0x90000049  }
0xb2: {  	s29 =	simm.s32 $0x9;
	_ =	strace $0x8000004B  }
0xb3: {  	_ =	swait.ge [sflag:s29], $0x1  }
0xb4: {  	[sflag:s29] =	ssyncadd.s32 $0xFFFFFFFF  }
0xb5: {  	_ =	strace $0x9000004B  }
0xb6: {  	_ =	sfence  }
0xb7: {  	s30 =	sld [smem:$0x0];
	_ =	sdelay $0x2  }
0xb8: {  	s31 =	sshll.u32 s1, $0xD;
	s1 =	sshrl.u32 s1, $0x2  }
0xb9: {  	s3 =	sand.u32 $0x4000, s31;
	s1 =	sadd.s32 s1, s30  }
0xba: {  	s0 =	sor.u32 s3, s0;
	s1 =	sshll.u32 s1, $0x11  }
0xbb: {  	s0 =	sor.u32 s1, s0  }
0xbc: {  	s0 =	sadd.s32 $0x8F2B, s0  }
0xbd: {  	[sflag:s0] =	ssyncadd.remote.s32 $0x1  }
0xbe: {  	_ =	sfence.sel $0xFFFF  }
0xbf: {  	[dreg:$0x0] =	wrdreg $0xFFFFFFFF;
	(pc) =	sbr.abs _section_cstart, $3  }
0xc0: {  	[dreg:$0x1] =	wrdreg $0xFFFFFFFF  }
0xc1: {  	_ =	task.clear_ibuf [dreg:s6], $0x2FFFF;
	_ =	strace $0x9FFFFFFF  }
0xc2: {  	(tm) =	ssettm $0x7FFFFFFF  }
0xc3: {  	_ =	shalt  }
tec
execute0_lowered:
.L_overlay_start_1:
0x0: {  	(tag) =	ssettag $0x1  }
0x1: {  	s0 =	rddreg [dreg:$0x0]  }
0x2: {  	s2 =	rddreg [dreg:$0x1];
	s3 =	simm.s32 $0x0;
	s11 =	stileid.u32  }
0x3: {  	s1 =	srdreg.scid;
	s24 =	simm.s32 $0x80;
	s25 =	simm.s32 $0x180  }
0x4: {  	s26 =	simm.s32 $0x280;
	s28 =	simm.s32 $0x1;
	s29 =	simm.s32 $0x2  }
0x5: {  	s30 =	simm.s32 $0x3;
	s31 =	simm.s32 $0x0;
	s6 =	smul.u32 $0x14000, s11  }
0x6: {  	[smem:$0x7FF] =	sst s3;
	s1 =	sand.u32 $0x1, s1;
	s9 =	smul.u32 $0x50000, s11  }
0x7: {  	s4 =	sadd.s32 $0x2BA00, s0;
	s5 =	sadd.s32 $0x7C200, s0;
	s16 =	smul.u32 $0x24, s11  }
0x8: {  	s17 =	sshll.u32 s11, $0x6;
	_ =	strace $0x8000004A;
	[dreg:$0x3] =	wrdreg s24  }
0x9: {  	s7 =	smul.u32 $0x140000, s1;
	s14 =	ssub.s32 $0x2, s1;
	[dreg:$0x4] =	wrdreg s25  }
0xa: {  	p0 =	seq.s32 s1, $0x0;
	s24 =	simm.s32 $0x3F00;
	[dreg:$0x5] =	wrdreg s26  }
0xb: {  	s25 =	simm.s32 $0x6;
	s26 =	simm.s32 $0x7B00;
	s8 =	sshrl.u32 s6, $0x3  }
0xc: {  	s10 =	sshrl.u32 s14, $0x1;
	s15 =	sshrl.u32 s9, $0x2;
	s9 =	smul.u32 $0x84, s11  }
0xd: {  	s1 =	sadd.s32 $0x840, s16;
	s6 =	sadd.s32 s6, s7;
	s8 =	sadd.s32 s8, s0  }
0xe: {  	s14 =	ssub.s32 s14, s10;
	s15 =	sadd.s32 s15, s2;
	s6 =	sshrl.u32 s6, $0x3  }
0xf: {  	s19 =	sadd.s32 $0x3A00, s8;
	s8 =	sor.u32 $0x1C07, s17;
	s1 =	smov.u32 @p0 s9  }
0x10: {  	s14 =	smax.u32 s14, $0x1;
	s16 =	sshrl.u32 s15, $0x3;
	s17 =	simm.s32 $0x7  }
0x11: {  	s0 =	sadd.s32 s6, s0;
	s6 =	simm.s32 $0x2C;
	s20 =	sor.u32 $0x2, s1  }
0x12: {  	[dreg:$0x6] =	wrdreg s19;
	s6 =	simm.s32 @!p0 $0xC;
	s13 =	sshll.u32 s20, $0x5  }
0x13: {  	s21 =	sshll.u32 s1, $0x5;
	s18 =	smul.u32 $0x3, s6;
	s23 =	sadd.s32 s5, s13  }
0x14: {  	s19 =	simm.s32 $0x200;
	s13 =	sadd.s32 $0x91200, s0;
	[dreg:$0x8] =	wrdreg s23  }
0x15: {  	s23 =	simm.s32 $0x5;
	s9 =	sadd.s32 s1, s18;
	s1 =	sadd.s32 $0x5, s1  }
0x16: {  	s18 =	simm.s32 $0x100;
	s12 =	sadd.s32 $0xFFFFFFFF, s9;
	s9 =	sadd.s32 s5, s21  }
0x17: {  	s21 =	simm.s32 $0x78;
	s12 =	smax.u32 s12, s20;
	s22 =	sadd.s32 $0x20, s9  }
0x18: {  	s20 =	simm.s32 $0x4;
	[dreg:$0x7] =	wrdreg s22;
	s22 =	simm.s32 $0x300  }
.LBB2_1:
0x19: {  	s0 =	rddreg [dreg:$0x6]  }
0x1a: {  	[spmem:s16], [sflag:s8] =	dma.local [hbm:s0], $0x2800  }
0x1b: {  	_ =	swait.ge [sflag:s17], $0x2800  }
0x1c: {  	[sflag:s17] =	ssyncset.done $0x0  }
0x1d: {  	[sflag:s17] =	ssyncadd.s32 $0xFFFFD800  }
0x1e: {  	[bflag:$0x0] =	sbarrier.arrive $0xFFFF  }
0x1f: {  	[tilespmem:s3], [sflag:$0x4] =	stream.linear.gather [hbm4b:s9+s3], $0x100, $0x38;
	[tilespmem:$0x1F700] =	vst v63  }
0x20: {  	s7 =	rddreg [dreg:$0x7]  }
0x21: {  	[tilespmem:s18], [sflag:$0x5] =	stream.linear.gather [hbm4b:s7+s3], $0x100, $0x38;
	[tilespmem:$0x1F700] =	vst v63  }
0x22: {  	s10 =	rddreg [dreg:$0x8]  }
0x23: {  	[tilespmem:s19], [sflag:$0x6] =	stream.linear.gather [hbm4b:s10+s3], $0x100, $0x38;
	[tilespmem:$0x1F700] =	vst v63  }
0x24: {  	_ =	swait.ge [sflag:s20], $0x100  }
0x25: {  	[sflag:s20] =	ssyncset.done $0x0  }
0x26: {  	[sflag:s20] =	ssyncadd.s32 $0xFFFFFF00  }
0x27: {  	[tilespmem:s22], [sflag:$0x1] =	stream.indirect.gather [hbm4b:s4+s21], $0x80, s3, s21, $0xb8;
	[tilespmem:$0x1F700] =	vst v63  }
0x28: {  	_ =	swait.ge [sflag:s23], $0x100  }
0x29: {  	[sflag:s23] =	ssyncset.done $0x0  }
0x2a: {  	[sflag:s23] =	ssyncadd.s32 $0xFFFFFF00  }
0x2b: {  	[tilespmem:s24], [sflag:$0x2] =	stream.indirect.gather [hbm4b:s4+s21], $0x80, s18, s21, $0xb8;
	[tilespmem:$0x1F700] =	vst v63  }
0x2c: {  	_ =	swait.ge [sflag:s25], $0x100  }
0x2d: {  	[sflag:s25] =	ssyncset.done $0x0  }
0x2e: {  	[sflag:s25] =	ssyncadd.s32 $0xFFFFFF00  }
0x2f: {  	[tilespmem:s26], [sflag:$0x3] =	stream.indirect.gather [hbm4b:s4+s21], $0x80, s19, s21, $0xb8;
	[tilespmem:$0x1F700] =	vst v63  }
0x30: {  	s15 =	sadd.s32 $0xFFFFFFFE, s1;
	_ =	swait.ge [sflag:s28], $0x3C00  }
0x31: {  	p0 =	slt.s32 s15, s12;
	s7 =	smov.u32 s12;
	[sflag:s28] =	ssyncset.done $0x0  }
0x32: {  	s7 =	smov.u32 @p0 s15;
	s11 =	rddreg [dreg:$0x3];
	[sflag:s28] =	ssyncadd.s32 $0xFFFFC400  }
0x33: {  	[spmem:s2] =	stream.indirect.scatter.add.f32 [tilespmem:s22], [sflag:$0x7], $0x80, s11, s21, $0xb8;
	[tilespmem:$0x1F700] =	vst v63  }
0x34: {  	s10 =	sshll.u32 s7, $0x5;
	_ =	swait.ge [sflag:s17], $0x3C00  }
0x35: {  	s0 =	sand.u32 $0x1FFFFFE0, s10;
	[sflag:s17] =	ssyncset.done $0x0  }
0x36: {  	s0 =	sadd.s32 s5, s0;
	[sflag:s17] =	ssyncadd.s32 $0xFFFFC400  }
0x37: {  	[tilespmem:s3], [sflag:$0x4] =	stream.linear.gather [hbm4b:s0+s3], $0x100, $0x38;
	[tilespmem:$0x1F700] =	vst v63  }
0x38: {  	_ =	swait.ge [sflag:s20], $0x100  }
0x39: {  	[sflag:s20] =	ssyncset.done $0x0  }
0x3a: {  	[sflag:s20] =	ssyncadd.s32 $0xFFFFFF00  }
0x3b: {  	[tilespmem:s22], [sflag:$0x1] =	stream.indirect.gather [hbm4b:s4+s21], $0x80, s3, s21, $0xb8;
	[tilespmem:$0x1F700] =	vst v63  }
0x3c: {  	s7 =	sadd.s32 $0xFFFFFFFF, s1;
	_ =	swait.ge [sflag:s29], $0x3C00  }
0x3d: {  	s15 =	smov.u32 s12;
	p0 =	slt.s32 s7, s12;
	[sflag:s29] =	ssyncset.done $0x0  }
0x3e: {  	s15 =	smov.u32 @p0 s7;
	s11 =	rddreg [dreg:$0x4];
	[sflag:s29] =	ssyncadd.s32 $0xFFFFC400  }
0x3f: {  	[spmem:s2] =	stream.indirect.scatter.add.f32 [tilespmem:s24], [sflag:$0x7], $0x80, s11, s21, $0xb8;
	[tilespmem:$0x1F700] =	vst v63  }
0x40: {  	s10 =	sshll.u32 s15, $0x5;
	_ =	swait.ge [sflag:s17], $0x3C00  }
0x41: {  	s0 =	sand.u32 $0x1FFFFFE0, s10;
	[sflag:s17] =	ssyncset.done $0x0  }
0x42: {  	s0 =	sadd.s32 s5, s0;
	[sflag:s17] =	ssyncadd.s32 $0xFFFFC400  }
0x43: {  	[tilespmem:s18], [sflag:$0x5] =	stream.linear.gather [hbm4b:s0+s3], $0x100, $0x38;
	[tilespmem:$0x1F700] =	vst v63  }
0x44: {  	_ =	swait.ge [sflag:s23], $0x100  }
0x45: {  	[sflag:s23] =	ssyncset.done $0x0  }
0x46: {  	[sflag:s23] =	ssyncadd.s32 $0xFFFFFF00  }
0x47: {  	[tilespmem:s24], [sflag:$0x2] =	stream.indirect.gather [hbm4b:s4+s21], $0x80, s18, s21, $0xb8;
	[tilespmem:$0x1F700] =	vst v63  }
0x48: {  	_ =	swait.ge [sflag:s30], $0x3C00  }
0x49: {  	p0 =	slt.s32 s1, s12;
	s7 =	smov.u32 s12;
	[sflag:s30] =	ssyncset.done $0x0  }
0x4a: {  	s7 =	smov.u32 @p0 s1;
	s11 =	rddreg [dreg:$0x5];
	[sflag:s30] =	ssyncadd.s32 $0xFFFFC400  }
0x4b: {  	[spmem:s2] =	stream.indirect.scatter.add.f32 [tilespmem:s26], [sflag:$0x7], $0x80, s11, s21, $0xb8;
	[tilespmem:$0x1F700] =	vst v63  }
0x4c: {  	p0 =	sne.s32 s6, $0x1;
	s15 =	sshll.u32 s7, $0x5;
	_ =	swait.ge [sflag:s17], $0x3C00  }
.Ltmp0:
0x4d: {  	s0 =	sand.u32 $0x1FFFFFE0, s15;
	[sflag:s17] =	ssyncset.done $0x0;
	(pc) =	sbr.rel @!p0 .LBB2_3-.Ltmp0, $4  }
0x4e: {  	s0 =	sadd.s32 s5, s0;
	[sflag:s17] =	ssyncadd.s32 $0xFFFFC400  }
0x4f: {  	[tilespmem:s19], [sflag:$0x6] =	stream.linear.gather [hbm4b:s0+s3], $0x100, $0x38;
	[tilespmem:$0x1F700] =	vst v63  }
0x50: {  	_ =	swait.ge [sflag:s25], $0x100  }
0x51: {  	s15 =	smov.u32 s1;
	s0 =	sadd.s32 $0xFFFFFFFF, s6;
	[sflag:s25] =	ssyncset.done $0x0  }
.LBB2_2:
0x52: {  	[sflag:s25] =	ssyncadd.s32 $0xFFFFFF00;
	s15 =	sadd.s32 $0x3, s15  }
0x53: {  	[tilespmem:s26], [sflag:$0x3] =	stream.indirect.gather [hbm4b:s4+s21], $0x80, s19, s21, $0xb8;
	[tilespmem:$0x1F700] =	vst v63  }
0x54: {  	s11 =	sadd.s32 $0xFFFFFFFE, s15;
	_ =	swait.ge [sflag:s28], $0x3C00  }
0x55: {  	s10 =	smov.u32 s12;
	p1 =	slt.s32 s11, s12;
	[sflag:s28] =	ssyncset.done $0x0  }
0x56: {  	s7 =	rddreg [dreg:$0x3];
	s10 =	smov.u32 @p1 s11;
	[sflag:s28] =	ssyncadd.s32 $0xFFFFC400  }
0x57: {  	[spmem:s2] =	stream.indirect.scatter.add.f32 [tilespmem:s22], [sflag:$0x7], $0x80, s7, s21, $0xb8;
	[tilespmem:$0x1F700] =	vst v63  }
0x58: {  	s11 =	sshll.u32 s10, $0x5;
	_ =	swait.ge [sflag:s17], $0x3C00  }
0x59: {  	s7 =	sand.u32 $0x1FFFFFE0, s11;
	[sflag:s17] =	ssyncset.done $0x0  }
0x5a: {  	s7 =	sadd.s32 s5, s7;
	[sflag:s17] =	ssyncadd.s32 $0xFFFFC400  }
0x5b: {  	[tilespmem:s3], [sflag:$0x4] =	stream.linear.gather [hbm4b:s7+s3], $0x100, $0x38;
	[tilespmem:$0x1F700] =	vst v63  }
0x5c: {  	_ =	swait.ge [sflag:s20], $0x100  }
0x5d: {  	[sflag:s20] =	ssyncset.done $0x0  }
0x5e: {  	[sflag:s20] =	ssyncadd.s32 $0xFFFFFF00  }
0x5f: {  	[tilespmem:s22], [sflag:$0x1] =	stream.indirect.gather [hbm4b:s4+s21], $0x80, s3, s21, $0xb8;
	[tilespmem:$0x1F700] =	vst v63  }
0x60: {  	s10 =	sadd.s32 $0xFFFFFFFF, s15;
	_ =	swait.ge [sflag:s29], $0x3C00  }
0x61: {  	p1 =	slt.s32 s10, s12;
	s11 =	smov.u32 s12;
	[sflag:s29] =	ssyncset.done $0x0  }
0x62: {  	s11 =	smov.u32 @p1 s10;
	s7 =	rddreg [dreg:$0x4];
	[sflag:s29] =	ssyncadd.s32 $0xFFFFC400  }
0x63: {  	[spmem:s2] =	stream.indirect.scatter.add.f32 [tilespmem:s24], [sflag:$0x7], $0x80, s7, s21, $0xb8;
	[tilespmem:$0x1F700] =	vst v63  }
0x64: {  	s10 =	sshll.u32 s11, $0x5;
	_ =	swait.ge [sflag:s17], $0x3C00  }
0x65: {  	s7 =	sand.u32 $0x1FFFFFE0, s10;
	[sflag:s17] =	ssyncset.done $0x0  }
0x66: {  	s7 =	sadd.s32 s5, s7;
	[sflag:s17] =	ssyncadd.s32 $0xFFFFC400  }
0x67: {  	[tilespmem:s18], [sflag:$0x5] =	stream.linear.gather [hbm4b:s7+s3], $0x100, $0x38;
	[tilespmem:$0x1F700] =	vst v63  }
0x68: {  	_ =	swait.ge [sflag:s23], $0x100  }
0x69: {  	[sflag:s23] =	ssyncset.done $0x0  }
0x6a: {  	[sflag:s23] =	ssyncadd.s32 $0xFFFFFF00  }
0x6b: {  	[tilespmem:s24], [sflag:$0x2] =	stream.indirect.gather [hbm4b:s4+s21], $0x80, s18, s21, $0xb8;
	[tilespmem:$0x1F700] =	vst v63  }
0x6c: {  	_ =	swait.ge [sflag:s30], $0x3C00  }
0x6d: {  	p1 =	slt.s32 s15, s12;
	s10 =	smov.u32 s12;
	[sflag:s30] =	ssyncset.done $0x0  }
0x6e: {  	s10 =	smov.u32 @p1 s15;
	s11 =	rddreg [dreg:$0x5];
	[sflag:s30] =	ssyncadd.s32 $0xFFFFC400  }
0x6f: {  	[spmem:s2] =	stream.indirect.scatter.add.f32 [tilespmem:s26], [sflag:$0x7], $0x80, s11, s21, $0xb8;
	[tilespmem:$0x1F700] =	vst v63  }
0x70: {  	p0 =	sne.s32 s0, $0x1;
	s11 =	sshll.u32 s10, $0x5;
	_ =	swait.ge [sflag:s17], $0x3C00  }
.Ltmp1:
0x71: {  	s7 =	sand.u32 $0x1FFFFFE0, s11;
	[sflag:s17] =	ssyncset.done $0x0;
	(pc) =	sbr.rel @p0 .LBB2_2-.Ltmp1, $4  }
0x72: {  	s7 =	sadd.s32 s5, s7;
	[sflag:s17] =	ssyncadd.s32 $0xFFFFC400  }
0x73: {  	[tilespmem:s19], [sflag:$0x6] =	stream.linear.gather [hbm4b:s7+s3], $0x100, $0x38;
	[tilespmem:$0x1F700] =	vst v63  }
0x74: {  	_ =	swait.ge [sflag:s25], $0x100  }
0x75: {  	s0 =	sadd.s32 $0xFFFFFFFF, s0;
	[sflag:s25] =	ssyncset.done $0x0  }
.LBB2_3:
0x76: {  	[sflag:s25] =	ssyncadd.s32 $0xFFFFFF00  }
0x77: {  	[tilespmem:s26], [sflag:$0x3] =	stream.indirect.gather [hbm4b:s4+s21], $0x80, s19, s21, $0xb8;
	[tilespmem:$0x1F700] =	vst v63  }
0x78: {  	_ =	swait.ge [sflag:s28], $0x3C00  }
0x79: {  	[sflag:s28] =	ssyncset.done $0x0  }
0x7a: {  	[sflag:s28] =	ssyncadd.s32 $0xFFFFC400  }
0x7b: {  	_ =	swait.ge [sflag:s29], $0x3C00  }
0x7c: {  	[sflag:s29] =	ssyncset.done $0x0  }
0x7d: {  	[sflag:s29] =	ssyncadd.s32 $0xFFFFC400  }
0x7e: {  	_ =	swait.ge [sflag:s30], $0x3C00  }
0x7f: {  	s31 =	sadd.s32 $0x1, s31;
	[sflag:s30] =	ssyncset.done $0x0  }
0x80: {  	p0 =	sne.s32 s31, s14;
	[sflag:s30] =	ssyncadd.s32 $0xFFFFC400  }
.Ltmp2:
0x81: {  	[bflag:$0x0] =	sbarrier.arrive $0xFFFF;
	(pc) =	sbr.rel @p0 .LBB2_1-.Ltmp2, $4  }
0x82: {  	[hbm:s13], [sflag:s8] =	dma.local [spmem:s16], $0x2800  }
0x83: {  	_ =	swait.ge [sflag:s17], $0x2800  }
0x84: {  	[sflag:s17] =	ssyncset.done $0x0  }
0x85: {  	[sflag:s17] =	ssyncadd.s32 $0xFFFFD800  }
0x86: {  	_ =	sfence.sel $0x180000  }
0x87: {  	[bflag:$0x0] =	sbarrier.arrive $0xFFFF  }
0x88: {  	_ =	strace $0x9000004A  }
0x89: {  	s0 =	stileid.u32;
	[bflag:$0x2] =	sbarrier.arrive $0xFFFF  }
0x8a: {  	p0 =	sne.s32 s0, $0x0;
	s0 =	rddreg [dreg:$0x2]  }
0x8b: {  	s0 =	sadd.s32 @!p0 $0x100000, s0  }
0x8c: {  	[sflag:s0] =	ssyncadd.tile.s32 @!p0 $0x1;
	_ =	shalt  }
.Lfunc_end2:
_tile_overlayer_lowered:
.L_overlay_start_2:
0x8d: {  	(tag) =	ssettag $0x2  }
0x8e: {  	s0 =	rddreg [dreg:$0x0];
	s2 =	stileid.u32  }
0x8f: {  	s1 =	rddreg [dreg:$0x1];
	p0 =	sne.s32 s2, $0x0  }
0x90: {  	s3 =	rddreg [dreg:$0x2];
	[bflag:$0x3] =	sbarrier.arrive $0xFFFF;
	s2 =	simm.s32 @!p0 $0x1C07  }
0x91: {  	[timem:s3], [sflag:s2] =	dma.local @!p0 [hbm:s0], s1  }
0x92: {  	s0 =	simm.s32 @!p0 $0x7  }
0x93: {  	_ =	swait.ge @!p0 [sflag:s0], s1  }
0x94: {  	s1 =	ssub.s32 @!p0 $0x0, s1;
	[sflag:s0] =	ssyncset.done @!p0 $0x0  }
0x95: {  	[sflag:s0] =	ssyncadd.s32 @!p0 s1  }
0x96: {  	[bflag:$0x3] =	sbarrier.arrive $0xFFFF  }
0x97: {  	_ =	shalt  }

// kernel: kernel.16.cloned.1.call-start
scs
__scs_entry_jumppad:
0x0: {  	(pc) =	sbr.rel $0x88, $3  }
0x1: {  	(tag) =	ssettag $0x0;
	lr =	simm.s32 $0x1  }
0x2: {  	[smem:$0x3F9C] =	sst lr;
	_ =	strace $0xD0000000  }
0x3: {  	_ = 	snop  }
0x4: {  	_ = 	snop  }
0x5: {  	_ = 	snop  }
0x6: {  	_ = 	snop  }
0x7: {  	_ = 	snop  }
__scs_overlays_trampoline_lowered:
0x8: {  	[smem:$0x3FAB] =	sst s0  }
0x9: {  	[smem:$0x3FAC] =	sst s1  }
0xa: {  	[smem:$0x3FAD] =	sst s2  }
0xb: {  	[smem:$0x3FAE] =	sst s3  }
0xc: {  	[smem:$0x3FAF] =	sst s4  }
0xd: {  	[smem:$0x3FB0] =	sst s5  }
0xe: {  	[smem:$0x3FB1] =	sst s6  }
0xf: {  	[smem:$0x3FB2] =	sst s7  }
0x10: {  	[smem:$0x3FB3] =	sst s8  }
0x11: {  	[smem:$0x3FB4] =	sst s9;
	s0 =	simm.s32 @!p0 $0x0  }
0x12: {  	s1 =	sld [smem:$0x3F9A];
	s0 =	simm.s32 @p0 $0x1  }
0x13: {  	[smem:$0x3FB5] =	sst s0;
	s0 =	simm.s32 @!p1 $0x0  }
0x14: {  	s2 =	sld [smem:$0x3F99];
	s0 =	simm.s32 @p1 $0x1  }
0x15: {  	[smem:$0x3FB6] =	sst s0;
	s0 =	simm.s32 @!p2 $0x0  }
0x16: {  	s3 =	sld [smem:$0x3FDB];
	s0 =	simm.s32 @p2 $0x1  }
0x17: {  	s4 =	simm.s32 $0x1BF5;
	[smem:$0x3FB8] =	sst s0  }
0x18: {  	s0 =	sld [smem:$0x3F9B];
	_ =	swait.ge [sflag:s4], $0x0  }
0x19: {  	s7 =	sld [smem:$0x3F9C]  }
0x1a: {  	s8 =	sadd.s32 $0xFFFFE003, lr  }
0x1b: {  	s9 =	sadd.s32 $0xFFFFFEF7, lr;
	s5 =	simm.s32 $0xFFFFFFFF;
	p2 =	slt.u32 s8, $0xFFFFF086  }
0x1c: {  	p1 =	slt.u32 s9, $0xF7A;
	s5 =	simm.s32 @!p2 $0x0  }
0x1d: {  	s5 =	simm.s32 @p1 $0x1;
	p0 =	seq.s32 s7, s2  }
0x1e: {  	s7 =	smul.u32 @!p0 $0xF7A, s2;
	p2 =	seq.s32 @!p0 s5, $0x0  }
0x1f: {  	s9 =	smul.u32 $0xF7A, s1;
	s8 =	simm.s32 @!p0 $0x1BF5;
	p2 =	por !p2, p0  }
0x20: {  	[sflag:s8] =	ssyncset.s32 @!p0 $0xFFFFF086;
	s6 =	sadd.s32 @!p0 s3, s7;
	s7 =	simm.s32 @!p0 $0x108  }
0x21: {  	s3 =	sadd.s32 s3, s9;
	s6 =	sadd.s32 @!p0 $0x88, s6;
	s7 =	simm.s32 @p2 $0x1082  }
0x22: {  	[simem:s7], [sflag:s8] =	dma.local @!p0 [hbm:s6], $0xF7A  }
0x23: {  	s9 =	sor.u32 $0xD0000000, s2;
	s6 =	simm.s32 $0x108;
	_ =	swait.ge @!p0 [sflag:s8], $0x0  }
0x24: {  	s3 =	sadd.s32 $0x88, s3;
	s6 =	simm.s32 @!p1 $0x1082;
	[sflag:s4] =	ssyncset.s32 $0xFFFFF086  }
0x25: {  	[simem:s6], [sflag:s4] =	dma.local [hbm:s3], $0xF7A  }
0x26: {  	[smem:$0x3F9C] =	sst s1;
	(tag) =	ssettag s2;
	_ =	strace s9  }
0x27: {  	s1 =	sld [smem:$0x3FAC]  }
0x28: {  	s2 =	sld [smem:$0x3FAD]  }
0x29: {  	s4 =	sld [smem:$0x3FAF]  }
0x2a: {  	p0 =	seq.s32 s5, $0x0;
	s5 =	sld [smem:$0x3FB0]  }
0x2b: {  	s6 =	sld [smem:$0x3FB1]  }
0x2c: {  	s7 =	sld [smem:$0x3FB2]  }
0x2d: {  	s3 =	simm.s32 $0x108;
	s8 =	sld [smem:$0x3FB3]  }
0x2e: {  	s3 =	simm.s32 @!p0 $0x1082;
	s9 =	sld [smem:$0x3FB4]  }
0x2f: {  	lr =	sadd.s32 s0, s3;
	s0 =	sld [smem:$0x3FAB]  }
0x30: {  	s3 =	sld [smem:$0x3FAE]  }
0x31: {  	[smem:$0x3FB7] =	sst s10  }
0x32: {  	s10 =	sld [smem:$0x3FB5];
	_ =	sdelay $0x3  }
0x33: {  	p0 =	seq.s32 s10, $0x1;
	s10 =	sld [smem:$0x3FB7];
	_ =	sdelay $0x3  }
0x34: {  	[smem:$0x3FB7] =	sst s10  }
0x35: {  	s10 =	sld [smem:$0x3FB6];
	_ =	sdelay $0x3  }
0x36: {  	p1 =	seq.s32 s10, $0x1;
	s10 =	sld [smem:$0x3FB7];
	_ =	sdelay $0x3  }
0x37: {  	[smem:$0x3FB7] =	sst s10  }
0x38: {  	s10 =	sld [smem:$0x3FB8]  }
0x39: {  	_ = 	snop;
	(pc) =	sbr.ind lr, $3  }
0x3a: {  	_ = 	snop  }
0x3b: {  	_ = 	snop  }
0x3c: {  	p2 =	seq.s32 s10, $0x1;
	s10 =	sld [smem:$0x3FB7]  }
0x3d: {  	_ =	shalt  }
0x3e: {  	_ =	shalt  }
0x3f: {  	_ =	shalt  }
0x40: {  	_ =	shalt  }
0x41: {  	_ =	shalt  }
0x42: {  	_ =	shalt  }
0x43: {  	_ =	shalt  }
0x44: {  	_ =	shalt  }
0x45: {  	_ =	shalt  }
0x46: {  	_ =	shalt  }
0x47: {  	_ =	shalt  }
0x48: {  	_ =	shalt  }
0x49: {  	_ =	shalt  }
0x4a: {  	_ =	shalt  }
0x4b: {  	_ =	shalt  }
0x4c: {  	_ =	shalt  }
0x4d: {  	_ =	shalt  }
0x4e: {  	_ =	shalt  }
0x4f: {  	_ =	shalt  }
0x50: {  	_ =	shalt  }
0x51: {  	_ =	shalt  }
0x52: {  	_ =	shalt  }
0x53: {  	_ =	shalt  }
0x54: {  	_ =	shalt  }
0x55: {  	_ =	shalt  }
0x56: {  	_ =	shalt  }
0x57: {  	_ =	shalt  }
0x58: {  	_ =	shalt  }
0x59: {  	_ =	shalt  }
0x5a: {  	_ =	shalt  }
0x5b: {  	_ =	shalt  }
0x5c: {  	_ =	shalt  }
0x5d: {  	_ =	shalt  }
0x5e: {  	_ =	shalt  }
0x5f: {  	_ =	shalt  }
0x60: {  	_ =	shalt  }
0x61: {  	_ =	shalt  }
0x62: {  	_ =	shalt  }
0x63: {  	_ =	shalt  }
0x64: {  	_ =	shalt  }
0x65: {  	_ =	shalt  }
0x66: {  	_ =	shalt  }
0x67: {  	_ =	shalt  }
0x68: {  	_ =	shalt  }
0x69: {  	_ =	shalt  }
0x6a: {  	_ =	shalt  }
0x6b: {  	_ =	shalt  }
0x6c: {  	_ =	shalt  }
0x6d: {  	_ =	shalt  }
0x6e: {  	_ =	shalt  }
0x6f: {  	_ =	shalt  }
0x70: {  	_ =	shalt  }
0x71: {  	_ =	shalt  }
0x72: {  	_ =	shalt  }
0x73: {  	_ =	shalt  }
0x74: {  	_ =	shalt  }
0x75: {  	_ =	shalt  }
0x76: {  	_ =	shalt  }
0x77: {  	_ =	shalt  }
0x78: {  	_ =	shalt  }
0x79: {  	_ =	shalt  }
0x7a: {  	_ =	shalt  }
0x7b: {  	_ =	shalt  }
0x7c: {  	_ =	shalt  }
0x7d: {  	_ =	shalt  }
0x7e: {  	_ =	shalt  }
0x7f: {  	_ =	shalt  }
0x80: {  	_ =	shalt  }
0x81: {  	_ =	shalt  }
0x82: {  	_ =	shalt  }
0x83: {  	_ =	shalt  }
0x84: {  	_ =	shalt  }
0x85: {  	_ =	shalt  }
0x86: {  	_ =	shalt  }
0x87: {  	_ =	shalt  }
.Lfunc_end0:
.L_simem_size_0:
called_computation.2_lowered:
.L_overlay_start_0:
0x88: {  	s2 =	sld [smem:$0x3FD9]  }
0x89: {  	s3 =	sld [smem:$0x3FFE];
	_ =	sdelay $0x1  }
0x8a: {  	s1 =	srdreg.scid  }
0x8b: {  	s0 =	sand.u32 $0x1, s1  }
0x8c: {  	s16 =	sshll.u32 s0, $0xA;
	s2 =	sadd.s32 s3, s2  }
0x8d: {  	s2 =	sadd.s32 s2, s16  }
0x8e: {  	[smem:$0x3FC3] =	sst s2  }
0x8f: {  	_ = 	snop  }
0x90: {  	(tm) =	ssettm $0x1  }
0x91: {  	s17 =	sld [smem:$0x3FFB];
	_ =	sdelay $0x3  }
0x92: {  	_ =	strace s17  }
0x93: {  	s2 =	sld [smem:$0x3FFC];
	_ =	sdelay $0x3  }
0x94: {  	_ =	strace s2  }
0x95: {  	s2 =	sld [smem:$0x3FFD];
	_ =	sdelay $0x3  }
0x96: {  	_ =	strace s2  }
0x97: {  	_ =	strace $0x8FFFFFFF  }
0x98: {  	s18 =	sld [smem:$0x3FDB];
	_ =	sdelay $0x1  }
0x99: {  	s19 =	simm.s32 $_scs_section_size  }
0x9a: {  	s4 =	simm.s32 $_size__tile_overlayer_lowered;
	s5 =	simm.s32 $_tile_overlayer_lowered  }
0x9b: {  	s22 =	simm.s32 $0x1BFF;
	s21 =	sshll.u32 s5, $0x1;
	s2 =	sadd.s32 s19, s18  }
0x9c: {  	s6 =	simm.s32 $0x0;
	s20 =	sshll.u32 s4, $0x1;
	s4 =	sadd.s32 s21, s2  }
0x9d: {  	[timem:s6], [sflag:s22] =	dma.local [hbm:s4], s20  }
0x9e: {  	_ =	swait.ge [sflag:s22], s20  }
0x9f: {  	s3 =	ssub.s32 $0x0, s20;
	[sflag:s22] =	ssyncset.done $0x0  }
0xa0: {  	[sflag:s22] =	ssyncadd.s32 s3;
	_ =	sdelay $0x1  }
0xa1: {  	s23 =	simm.s32 $0x1B8B  }
0xa2: {  	_ =	swait.ge [sflag:s23], $0x1  }
0xa3: {  	[sflag:s23] =	ssyncset.done $0x0  }
0xa4: {  	s25 =	simm.s32 $0x1B8E;
	s24 =	sld [smem:$0x3FFE];
	[sflag:s23] =	ssyncadd.s32 $0xFFFFFFFF  }
0xa5: {  	s26 =	simm.s32 $execute0_lowered;
	[smem:$0x3FD2] =	sst s25  }
0xa6: {  	s4 =	sshll.u32 s26, $0x1;
	_ =	strace $0x8000004C;
	[dreg:$0x1] =	wrdreg $0xFFFFFFFF  }
0xa7: {  	s28 =	simm.s32 $_size_execute0_lowered;
	s2 =	sadd.s32 s2, s4;
	[dreg:$0x0] =	wrdreg $0x0  }
0xa8: {  	s4 =	sshll.u32 s28, $0x1;
	[dreg:$0x2] =	wrdreg s2  }
0xa9: {  	[dreg:$0x3] =	wrdreg s4  }
0xaa: {  	[dreg:$0x4] =	wrdreg $0xC0  }
0xab: {  	_ =	task [dreg:s6], $0x5FFFF  }
0xac: {  	[dreg:$0x1] =	wrdreg $0xFFFFFFFF  }
0xad: {  	[dreg:$0x0] =	wrdreg $0x60  }
0xae: {  	[dreg:$0x2] =	wrdreg s24  }
0xaf: {  	[dreg:$0x3] =	wrdreg $0xB7000  }
0xb0: {  	[dreg:$0x4] =	wrdreg $0x9  }
0xb1: {  	_ =	task.clear_ibuf [dreg:s6], $0x5FFFF;
	_ =	strace $0x9000004C  }
0xb2: {  	s29 =	simm.s32 $0x9;
	_ =	strace $0x8000004E  }
0xb3: {  	_ =	swait.ge [sflag:s29], $0x1  }
0xb4: {  	[sflag:s29] =	ssyncadd.s32 $0xFFFFFFFF  }
0xb5: {  	_ =	strace $0x9000004E  }
0xb6: {  	_ =	sfence  }
0xb7: {  	s30 =	sld [smem:$0x0];
	_ =	sdelay $0x2  }
0xb8: {  	s31 =	sshll.u32 s1, $0xD;
	s1 =	sshrl.u32 s1, $0x2  }
0xb9: {  	s3 =	sand.u32 $0x4000, s31;
	s1 =	sadd.s32 s1, s30  }
0xba: {  	s0 =	sor.u32 s3, s0;
	s1 =	sshll.u32 s1, $0x11  }
0xbb: {  	s0 =	sor.u32 s1, s0  }
0xbc: {  	s0 =	sadd.s32 $0x8F2B, s0  }
0xbd: {  	[sflag:s0] =	ssyncadd.remote.s32 $0x1  }
0xbe: {  	_ =	sfence.sel $0xFFFF  }
0xbf: {  	[dreg:$0x0] =	wrdreg $0xFFFFFFFF;
	(pc) =	sbr.abs _section_cstart, $3  }
0xc0: {  	[dreg:$0x1] =	wrdreg $0xFFFFFFFF  }
0xc1: {  	_ =	task.clear_ibuf [dreg:s6], $0x2FFFF;
	_ =	strace $0x9FFFFFFF  }
0xc2: {  	(tm) =	ssettm $0x7FFFFFFF  }
0xc3: {  	_ =	shalt  }
tec
execute0_lowered:
.L_overlay_start_1:
0x0: {  	(tag) =	ssettag $0x1  }
0x1: {  	s0 =	rddreg [dreg:$0x0]  }
0x2: {  	s2 =	rddreg [dreg:$0x1];
	s3 =	simm.s32 $0x0;
	s11 =	stileid.u32  }
0x3: {  	s1 =	srdreg.scid;
	s24 =	simm.s32 $0x80;
	s25 =	simm.s32 $0x180  }
0x4: {  	s26 =	simm.s32 $0x280;
	s28 =	simm.s32 $0x1;
	s29 =	simm.s32 $0x2  }
0x5: {  	s30 =	simm.s32 $0x3;
	s31 =	simm.s32 $0x0;
	s6 =	smul.u32 $0x14000, s11  }
0x6: {  	[smem:$0x7FF] =	sst s3;
	s1 =	sand.u32 $0x1, s1;
	s9 =	smul.u32 $0x50000, s11  }
0x7: {  	s4 =	sadd.s32 $0x2BA00, s0;
	s5 =	sadd.s32 $0x7C200, s0;
	s16 =	smul.u32 $0x24, s11  }
0x8: {  	s17 =	sshll.u32 s11, $0x6;
	_ =	strace $0x8000004D;
	[dreg:$0x3] =	wrdreg s24  }
0x9: {  	s7 =	smul.u32 $0x140000, s1;
	s14 =	ssub.s32 $0x2, s1;
	[dreg:$0x4] =	wrdreg s25  }
0xa: {  	p0 =	seq.s32 s1, $0x0;
	s24 =	simm.s32 $0x3F00;
	[dreg:$0x5] =	wrdreg s26  }
0xb: {  	s25 =	simm.s32 $0x6;
	s26 =	simm.s32 $0x7B00;
	s8 =	sshrl.u32 s6, $0x3  }
0xc: {  	s10 =	sshrl.u32 s14, $0x1;
	s15 =	sshrl.u32 s9, $0x2;
	s9 =	smul.u32 $0x84, s11  }
0xd: {  	s1 =	sadd.s32 $0x840, s16;
	s6 =	sadd.s32 s6, s7;
	s8 =	sadd.s32 s8, s0  }
0xe: {  	s14 =	ssub.s32 s14, s10;
	s15 =	sadd.s32 s15, s2;
	s6 =	sshrl.u32 s6, $0x3  }
0xf: {  	s19 =	sadd.s32 $0x3A00, s8;
	s8 =	sor.u32 $0x1C07, s17;
	s1 =	smov.u32 @p0 s9  }
0x10: {  	s14 =	smax.u32 s14, $0x1;
	s16 =	sshrl.u32 s15, $0x3;
	s17 =	simm.s32 $0x7  }
0x11: {  	s0 =	sadd.s32 s6, s0;
	s6 =	simm.s32 $0x2C;
	s20 =	sor.u32 $0x2, s1  }
0x12: {  	[dreg:$0x6] =	wrdreg s19;
	s6 =	simm.s32 @!p0 $0xC;
	s13 =	sshll.u32 s20, $0x5  }
0x13: {  	s21 =	sshll.u32 s1, $0x5;
	s18 =	smul.u32 $0x3, s6;
	s23 =	sadd.s32 s5, s13  }
0x14: {  	s19 =	simm.s32 $0x200;
	s13 =	sadd.s32 $0x91200, s0;
	[dreg:$0x8] =	wrdreg s23  }
0x15: {  	s23 =	simm.s32 $0x5;
	s9 =	sadd.s32 s1, s18;
	s1 =	sadd.s32 $0x5, s1  }
0x16: {  	s18 =	simm.s32 $0x100;
	s12 =	sadd.s32 $0xFFFFFFFF, s9;
	s9 =	sadd.s32 s5, s21  }
0x17: {  	s21 =	simm.s32 $0x78;
	s12 =	smax.u32 s12, s20;
	s22 =	sadd.s32 $0x20, s9  }
0x18: {  	s20 =	simm.s32 $0x4;
	[dreg:$0x7] =	wrdreg s22;
	s22 =	simm.s32 $0x300  }
.LBB2_1:
0x19: {  	s0 =	rddreg [dreg:$0x6]  }
0x1a: {  	[spmem:s16], [sflag:s8] =	dma.local [hbm:s0], $0x2800  }
0x1b: {  	_ =	swait.ge [sflag:s17], $0x2800  }
0x1c: {  	[sflag:s17] =	ssyncset.done $0x0  }
0x1d: {  	[sflag:s17] =	ssyncadd.s32 $0xFFFFD800  }
0x1e: {  	[bflag:$0x0] =	sbarrier.arrive $0xFFFF  }
0x1f: {  	[tilespmem:s3], [sflag:$0x4] =	stream.linear.gather [hbm4b:s9+s3], $0x100, $0x38;
	[tilespmem:$0x1F700] =	vst v63  }
0x20: {  	s7 =	rddreg [dreg:$0x7]  }
0x21: {  	[tilespmem:s18], [sflag:$0x5] =	stream.linear.gather [hbm4b:s7+s3], $0x100, $0x38;
	[tilespmem:$0x1F700] =	vst v63  }
0x22: {  	s10 =	rddreg [dreg:$0x8]  }
0x23: {  	[tilespmem:s19], [sflag:$0x6] =	stream.linear.gather [hbm4b:s10+s3], $0x100, $0x38;
	[tilespmem:$0x1F700] =	vst v63  }
0x24: {  	_ =	swait.ge [sflag:s20], $0x100  }
0x25: {  	[sflag:s20] =	ssyncset.done $0x0  }
0x26: {  	[sflag:s20] =	ssyncadd.s32 $0xFFFFFF00  }
0x27: {  	[tilespmem:s22], [sflag:$0x1] =	stream.indirect.gather [hbm4b:s4+s21], $0x80, s3, s21, $0xb8;
	[tilespmem:$0x1F700] =	vst v63  }
0x28: {  	_ =	swait.ge [sflag:s23], $0x100  }
0x29: {  	[sflag:s23] =	ssyncset.done $0x0  }
0x2a: {  	[sflag:s23] =	ssyncadd.s32 $0xFFFFFF00  }
0x2b: {  	[tilespmem:s24], [sflag:$0x2] =	stream.indirect.gather [hbm4b:s4+s21], $0x80, s18, s21, $0xb8;
	[tilespmem:$0x1F700] =	vst v63  }
0x2c: {  	_ =	swait.ge [sflag:s25], $0x100  }
0x2d: {  	[sflag:s25] =	ssyncset.done $0x0  }
0x2e: {  	[sflag:s25] =	ssyncadd.s32 $0xFFFFFF00  }
0x2f: {  	[tilespmem:s26], [sflag:$0x3] =	stream.indirect.gather [hbm4b:s4+s21], $0x80, s19, s21, $0xb8;
	[tilespmem:$0x1F700] =	vst v63  }
0x30: {  	s15 =	sadd.s32 $0xFFFFFFFE, s1;
	_ =	swait.ge [sflag:s28], $0x3C00  }
0x31: {  	p0 =	slt.s32 s15, s12;
	s7 =	smov.u32 s12;
	[sflag:s28] =	ssyncset.done $0x0  }
0x32: {  	s7 =	smov.u32 @p0 s15;
	s11 =	rddreg [dreg:$0x3];
	[sflag:s28] =	ssyncadd.s32 $0xFFFFC400  }
0x33: {  	[spmem:s2] =	stream.indirect.scatter.add.f32 [tilespmem:s22], [sflag:$0x7], $0x80, s11, s21, $0xb8;
	[tilespmem:$0x1F700] =	vst v63  }
0x34: {  	s10 =	sshll.u32 s7, $0x5;
	_ =	swait.ge [sflag:s17], $0x3C00  }
0x35: {  	s0 =	sand.u32 $0x1FFFFFE0, s10;
	[sflag:s17] =	ssyncset.done $0x0  }
0x36: {  	s0 =	sadd.s32 s5, s0;
	[sflag:s17] =	ssyncadd.s32 $0xFFFFC400  }
0x37: {  	[tilespmem:s3], [sflag:$0x4] =	stream.linear.gather [hbm4b:s0+s3], $0x100, $0x38;
	[tilespmem:$0x1F700] =	vst v63  }
0x38: {  	_ =	swait.ge [sflag:s20], $0x100  }
0x39: {  	[sflag:s20] =	ssyncset.done $0x0  }
0x3a: {  	[sflag:s20] =	ssyncadd.s32 $0xFFFFFF00  }
0x3b: {  	[tilespmem:s22], [sflag:$0x1] =	stream.indirect.gather [hbm4b:s4+s21], $0x80, s3, s21, $0xb8;
	[tilespmem:$0x1F700] =	vst v63  }
0x3c: {  	s7 =	sadd.s32 $0xFFFFFFFF, s1;
	_ =	swait.ge [sflag:s29], $0x3C00  }
0x3d: {  	s15 =	smov.u32 s12;
	p0 =	slt.s32 s7, s12;
	[sflag:s29] =	ssyncset.done $0x0  }
0x3e: {  	s15 =	smov.u32 @p0 s7;
	s11 =	rddreg [dreg:$0x4];
	[sflag:s29] =	ssyncadd.s32 $0xFFFFC400  }
0x3f: {  	[spmem:s2] =	stream.indirect.scatter.add.f32 [tilespmem:s24], [sflag:$0x7], $0x80, s11, s21, $0xb8;
	[tilespmem:$0x1F700] =	vst v63  }
0x40: {  	s10 =	sshll.u32 s15, $0x5;
	_ =	swait.ge [sflag:s17], $0x3C00  }
0x41: {  	s0 =	sand.u32 $0x1FFFFFE0, s10;
	[sflag:s17] =	ssyncset.done $0x0  }
0x42: {  	s0 =	sadd.s32 s5, s0;
	[sflag:s17] =	ssyncadd.s32 $0xFFFFC400  }
0x43: {  	[tilespmem:s18], [sflag:$0x5] =	stream.linear.gather [hbm4b:s0+s3], $0x100, $0x38;
	[tilespmem:$0x1F700] =	vst v63  }
0x44: {  	_ =	swait.ge [sflag:s23], $0x100  }
0x45: {  	[sflag:s23] =	ssyncset.done $0x0  }
0x46: {  	[sflag:s23] =	ssyncadd.s32 $0xFFFFFF00  }
0x47: {  	[tilespmem:s24], [sflag:$0x2] =	stream.indirect.gather [hbm4b:s4+s21], $0x80, s18, s21, $0xb8;
	[tilespmem:$0x1F700] =	vst v63  }
0x48: {  	_ =	swait.ge [sflag:s30], $0x3C00  }
0x49: {  	p0 =	slt.s32 s1, s12;
	s7 =	smov.u32 s12;
	[sflag:s30] =	ssyncset.done $0x0  }
0x4a: {  	s7 =	smov.u32 @p0 s1;
	s11 =	rddreg [dreg:$0x5];
	[sflag:s30] =	ssyncadd.s32 $0xFFFFC400  }
0x4b: {  	[spmem:s2] =	stream.indirect.scatter.add.f32 [tilespmem:s26], [sflag:$0x7], $0x80, s11, s21, $0xb8;
	[tilespmem:$0x1F700] =	vst v63  }
0x4c: {  	p0 =	sne.s32 s6, $0x1;
	s15 =	sshll.u32 s7, $0x5;
	_ =	swait.ge [sflag:s17], $0x3C00  }
.Ltmp0:
0x4d: {  	s0 =	sand.u32 $0x1FFFFFE0, s15;
	[sflag:s17] =	ssyncset.done $0x0;
	(pc) =	sbr.rel @!p0 .LBB2_3-.Ltmp0, $4  }
0x4e: {  	s0 =	sadd.s32 s5, s0;
	[sflag:s17] =	ssyncadd.s32 $0xFFFFC400  }
0x4f: {  	[tilespmem:s19], [sflag:$0x6] =	stream.linear.gather [hbm4b:s0+s3], $0x100, $0x38;
	[tilespmem:$0x1F700] =	vst v63  }
0x50: {  	_ =	swait.ge [sflag:s25], $0x100  }
0x51: {  	s15 =	smov.u32 s1;
	s0 =	sadd.s32 $0xFFFFFFFF, s6;
	[sflag:s25] =	ssyncset.done $0x0  }
.LBB2_2:
0x52: {  	[sflag:s25] =	ssyncadd.s32 $0xFFFFFF00;
	s15 =	sadd.s32 $0x3, s15  }
0x53: {  	[tilespmem:s26], [sflag:$0x3] =	stream.indirect.gather [hbm4b:s4+s21], $0x80, s19, s21, $0xb8;
	[tilespmem:$0x1F700] =	vst v63  }
0x54: {  	s11 =	sadd.s32 $0xFFFFFFFE, s15;
	_ =	swait.ge [sflag:s28], $0x3C00  }
0x55: {  	s10 =	smov.u32 s12;
	p1 =	slt.s32 s11, s12;
	[sflag:s28] =	ssyncset.done $0x0  }
0x56: {  	s7 =	rddreg [dreg:$0x3];
	s10 =	smov.u32 @p1 s11;
	[sflag:s28] =	ssyncadd.s32 $0xFFFFC400  }
0x57: {  	[spmem:s2] =	stream.indirect.scatter.add.f32 [tilespmem:s22], [sflag:$0x7], $0x80, s7, s21, $0xb8;
	[tilespmem:$0x1F700] =	vst v63  }
0x58: {  	s11 =	sshll.u32 s10, $0x5;
	_ =	swait.ge [sflag:s17], $0x3C00  }
0x59: {  	s7 =	sand.u32 $0x1FFFFFE0, s11;
	[sflag:s17] =	ssyncset.done $0x0  }
0x5a: {  	s7 =	sadd.s32 s5, s7;
	[sflag:s17] =	ssyncadd.s32 $0xFFFFC400  }
0x5b: {  	[tilespmem:s3], [sflag:$0x4] =	stream.linear.gather [hbm4b:s7+s3], $0x100, $0x38;
	[tilespmem:$0x1F700] =	vst v63  }
0x5c: {  	_ =	swait.ge [sflag:s20], $0x100  }
0x5d: {  	[sflag:s20] =	ssyncset.done $0x0  }
0x5e: {  	[sflag:s20] =	ssyncadd.s32 $0xFFFFFF00  }
0x5f: {  	[tilespmem:s22], [sflag:$0x1] =	stream.indirect.gather [hbm4b:s4+s21], $0x80, s3, s21, $0xb8;
	[tilespmem:$0x1F700] =	vst v63  }
0x60: {  	s10 =	sadd.s32 $0xFFFFFFFF, s15;
	_ =	swait.ge [sflag:s29], $0x3C00  }
0x61: {  	p1 =	slt.s32 s10, s12;
	s11 =	smov.u32 s12;
	[sflag:s29] =	ssyncset.done $0x0  }
0x62: {  	s11 =	smov.u32 @p1 s10;
	s7 =	rddreg [dreg:$0x4];
	[sflag:s29] =	ssyncadd.s32 $0xFFFFC400  }
0x63: {  	[spmem:s2] =	stream.indirect.scatter.add.f32 [tilespmem:s24], [sflag:$0x7], $0x80, s7, s21, $0xb8;
	[tilespmem:$0x1F700] =	vst v63  }
0x64: {  	s10 =	sshll.u32 s11, $0x5;
	_ =	swait.ge [sflag:s17], $0x3C00  }
0x65: {  	s7 =	sand.u32 $0x1FFFFFE0, s10;
	[sflag:s17] =	ssyncset.done $0x0  }
0x66: {  	s7 =	sadd.s32 s5, s7;
	[sflag:s17] =	ssyncadd.s32 $0xFFFFC400  }
0x67: {  	[tilespmem:s18], [sflag:$0x5] =	stream.linear.gather [hbm4b:s7+s3], $0x100, $0x38;
	[tilespmem:$0x1F700] =	vst v63  }
0x68: {  	_ =	swait.ge [sflag:s23], $0x100  }
0x69: {  	[sflag:s23] =	ssyncset.done $0x0  }
0x6a: {  	[sflag:s23] =	ssyncadd.s32 $0xFFFFFF00  }
0x6b: {  	[tilespmem:s24], [sflag:$0x2] =	stream.indirect.gather [hbm4b:s4+s21], $0x80, s18, s21, $0xb8;
	[tilespmem:$0x1F700] =	vst v63  }
0x6c: {  	_ =	swait.ge [sflag:s30], $0x3C00  }
0x6d: {  	p1 =	slt.s32 s15, s12;
	s10 =	smov.u32 s12;
	[sflag:s30] =	ssyncset.done $0x0  }
0x6e: {  	s10 =	smov.u32 @p1 s15;
	s11 =	rddreg [dreg:$0x5];
	[sflag:s30] =	ssyncadd.s32 $0xFFFFC400  }
0x6f: {  	[spmem:s2] =	stream.indirect.scatter.add.f32 [tilespmem:s26], [sflag:$0x7], $0x80, s11, s21, $0xb8;
	[tilespmem:$0x1F700] =	vst v63  }
0x70: {  	p0 =	sne.s32 s0, $0x1;
	s11 =	sshll.u32 s10, $0x5;
	_ =	swait.ge [sflag:s17], $0x3C00  }
.Ltmp1:
0x71: {  	s7 =	sand.u32 $0x1FFFFFE0, s11;
	[sflag:s17] =	ssyncset.done $0x0;
	(pc) =	sbr.rel @p0 .LBB2_2-.Ltmp1, $4  }
0x72: {  	s7 =	sadd.s32 s5, s7;
	[sflag:s17] =	ssyncadd.s32 $0xFFFFC400  }
0x73: {  	[tilespmem:s19], [sflag:$0x6] =	stream.linear.gather [hbm4b:s7+s3], $0x100, $0x38;
	[tilespmem:$0x1F700] =	vst v63  }
0x74: {  	_ =	swait.ge [sflag:s25], $0x100  }
0x75: {  	s0 =	sadd.s32 $0xFFFFFFFF, s0;
	[sflag:s25] =	ssyncset.done $0x0  }
.LBB2_3:
0x76: {  	[sflag:s25] =	ssyncadd.s32 $0xFFFFFF00  }
0x77: {  	[tilespmem:s26], [sflag:$0x3] =	stream.indirect.gather [hbm4b:s4+s21], $0x80, s19, s21, $0xb8;
	[tilespmem:$0x1F700] =	vst v63  }
0x78: {  	_ =	swait.ge [sflag:s28], $0x3C00  }
0x79: {  	[sflag:s28] =	ssyncset.done $0x0  }
0x7a: {  	[sflag:s28] =	ssyncadd.s32 $0xFFFFC400  }
0x7b: {  	_ =	swait.ge [sflag:s29], $0x3C00  }
0x7c: {  	[sflag:s29] =	ssyncset.done $0x0  }
0x7d: {  	[sflag:s29] =	ssyncadd.s32 $0xFFFFC400  }
0x7e: {  	_ =	swait.ge [sflag:s30], $0x3C00  }
0x7f: {  	s31 =	sadd.s32 $0x1, s31;
	[sflag:s30] =	ssyncset.done $0x0  }
0x80: {  	p0 =	sne.s32 s31, s14;
	[sflag:s30] =	ssyncadd.s32 $0xFFFFC400  }
.Ltmp2:
0x81: {  	[bflag:$0x0] =	sbarrier.arrive $0xFFFF;
	(pc) =	sbr.rel @p0 .LBB2_1-.Ltmp2, $4  }
0x82: {  	[hbm:s13], [sflag:s8] =	dma.local [spmem:s16], $0x2800  }
0x83: {  	_ =	swait.ge [sflag:s17], $0x2800  }
0x84: {  	[sflag:s17] =	ssyncset.done $0x0  }
0x85: {  	[sflag:s17] =	ssyncadd.s32 $0xFFFFD800  }
0x86: {  	_ =	sfence.sel $0x180000  }
0x87: {  	[bflag:$0x0] =	sbarrier.arrive $0xFFFF  }
0x88: {  	_ =	strace $0x9000004D  }
0x89: {  	s0 =	stileid.u32;
	[bflag:$0x2] =	sbarrier.arrive $0xFFFF  }
0x8a: {  	p0 =	sne.s32 s0, $0x0;
	s0 =	rddreg [dreg:$0x2]  }
0x8b: {  	s0 =	sadd.s32 @!p0 $0x100000, s0  }
0x8c: {  	[sflag:s0] =	ssyncadd.tile.s32 @!p0 $0x1;
	_ =	shalt  }
.Lfunc_end2:
_tile_overlayer_lowered:
.L_overlay_start_2:
0x8d: {  	(tag) =	ssettag $0x2  }
0x8e: {  	s0 =	rddreg [dreg:$0x0];
	s2 =	stileid.u32  }
0x8f: {  	s1 =	rddreg [dreg:$0x1];
	p0 =	sne.s32 s2, $0x0  }
0x90: {  	s3 =	rddreg [dreg:$0x2];
	[bflag:$0x3] =	sbarrier.arrive $0xFFFF;
	s2 =	simm.s32 @!p0 $0x1C07  }
0x91: {  	[timem:s3], [sflag:s2] =	dma.local @!p0 [hbm:s0], s1  }
0x92: {  	s0 =	simm.s32 @!p0 $0x7  }
0x93: {  	_ =	swait.ge @!p0 [sflag:s0], s1  }
0x94: {  	s1 =	ssub.s32 @!p0 $0x0, s1;
	[sflag:s0] =	ssyncset.done @!p0 $0x0  }
0x95: {  	[sflag:s0] =	ssyncadd.s32 @!p0 s1  }
0x96: {  	[bflag:$0x3] =	sbarrier.arrive $0xFFFF  }
0x97: {  	_ =	shalt  }

// kernel: kernel.19.cloned.1.call-start
scs
__scs_entry_jumppad:
0x0: {  	(pc) =	sbr.rel $0x88, $3  }
0x1: {  	(tag) =	ssettag $0x0;
	lr =	simm.s32 $0x1  }
0x2: {  	[smem:$0x3F9C] =	sst lr;
	_ =	strace $0xD0000000  }
0x3: {  	_ = 	snop  }
0x4: {  	_ = 	snop  }
0x5: {  	_ = 	snop  }
0x6: {  	_ = 	snop  }
0x7: {  	_ = 	snop  }
__scs_overlays_trampoline_lowered:
0x8: {  	[smem:$0x3FAB] =	sst s0  }
0x9: {  	[smem:$0x3FAC] =	sst s1  }
0xa: {  	[smem:$0x3FAD] =	sst s2  }
0xb: {  	[smem:$0x3FAE] =	sst s3  }
0xc: {  	[smem:$0x3FAF] =	sst s4  }
0xd: {  	[smem:$0x3FB0] =	sst s5  }
0xe: {  	[smem:$0x3FB1] =	sst s6  }
0xf: {  	[smem:$0x3FB2] =	sst s7  }
0x10: {  	[smem:$0x3FB3] =	sst s8  }
0x11: {  	[smem:$0x3FB4] =	sst s9;
	s0 =	simm.s32 @!p0 $0x0  }
0x12: {  	s1 =	sld [smem:$0x3F9A];
	s0 =	simm.s32 @p0 $0x1  }
0x13: {  	[smem:$0x3FB5] =	sst s0;
	s0 =	simm.s32 @!p1 $0x0  }
0x14: {  	s2 =	sld [smem:$0x3F99];
	s0 =	simm.s32 @p1 $0x1  }
0x15: {  	[smem:$0x3FB6] =	sst s0;
	s0 =	simm.s32 @!p2 $0x0  }
0x16: {  	s3 =	sld [smem:$0x3FDB];
	s0 =	simm.s32 @p2 $0x1  }
0x17: {  	s4 =	simm.s32 $0x1BF5;
	[smem:$0x3FB8] =	sst s0  }
0x18: {  	s0 =	sld [smem:$0x3F9B];
	_ =	swait.ge [sflag:s4], $0x0  }
0x19: {  	s7 =	sld [smem:$0x3F9C]  }
0x1a: {  	s8 =	sadd.s32 $0xFFFFE003, lr  }
0x1b: {  	s9 =	sadd.s32 $0xFFFFFEF7, lr;
	s5 =	simm.s32 $0xFFFFFFFF;
	p2 =	slt.u32 s8, $0xFFFFF086  }
0x1c: {  	p1 =	slt.u32 s9, $0xF7A;
	s5 =	simm.s32 @!p2 $0x0  }
0x1d: {  	s5 =	simm.s32 @p1 $0x1;
	p0 =	seq.s32 s7, s2  }
0x1e: {  	s7 =	smul.u32 @!p0 $0xF7A, s2;
	p2 =	seq.s32 @!p0 s5, $0x0  }
0x1f: {  	s9 =	smul.u32 $0xF7A, s1;
	s8 =	simm.s32 @!p0 $0x1BF5;
	p2 =	por !p2, p0  }
0x20: {  	[sflag:s8] =	ssyncset.s32 @!p0 $0xFFFFF086;
	s6 =	sadd.s32 @!p0 s3, s7;
	s7 =	simm.s32 @!p0 $0x108  }
0x21: {  	s3 =	sadd.s32 s3, s9;
	s6 =	sadd.s32 @!p0 $0x88, s6;
	s7 =	simm.s32 @p2 $0x1082  }
0x22: {  	[simem:s7], [sflag:s8] =	dma.local @!p0 [hbm:s6], $0xF7A  }
0x23: {  	s9 =	sor.u32 $0xD0000000, s2;
	s6 =	simm.s32 $0x108;
	_ =	swait.ge @!p0 [sflag:s8], $0x0  }
0x24: {  	s3 =	sadd.s32 $0x88, s3;
	s6 =	simm.s32 @!p1 $0x1082;
	[sflag:s4] =	ssyncset.s32 $0xFFFFF086  }
0x25: {  	[simem:s6], [sflag:s4] =	dma.local [hbm:s3], $0xF7A  }
0x26: {  	[smem:$0x3F9C] =	sst s1;
	(tag) =	ssettag s2;
	_ =	strace s9  }
0x27: {  	s1 =	sld [smem:$0x3FAC]  }
0x28: {  	s2 =	sld [smem:$0x3FAD]  }
0x29: {  	s4 =	sld [smem:$0x3FAF]  }
0x2a: {  	p0 =	seq.s32 s5, $0x0;
	s5 =	sld [smem:$0x3FB0]  }
0x2b: {  	s6 =	sld [smem:$0x3FB1]  }
0x2c: {  	s7 =	sld [smem:$0x3FB2]  }
0x2d: {  	s3 =	simm.s32 $0x108;
	s8 =	sld [smem:$0x3FB3]  }
0x2e: {  	s3 =	simm.s32 @!p0 $0x1082;
	s9 =	sld [smem:$0x3FB4]  }
0x2f: {  	lr =	sadd.s32 s0, s3;
	s0 =	sld [smem:$0x3FAB]  }
0x30: {  	s3 =	sld [smem:$0x3FAE]  }
0x31: {  	[smem:$0x3FB7] =	sst s10  }
0x32: {  	s10 =	sld [smem:$0x3FB5];
	_ =	sdelay $0x3  }
0x33: {  	p0 =	seq.s32 s10, $0x1;
	s10 =	sld [smem:$0x3FB7];
	_ =	sdelay $0x3  }
0x34: {  	[smem:$0x3FB7] =	sst s10  }
0x35: {  	s10 =	sld [smem:$0x3FB6];
	_ =	sdelay $0x3  }
0x36: {  	p1 =	seq.s32 s10, $0x1;
	s10 =	sld [smem:$0x3FB7];
	_ =	sdelay $0x3  }
0x37: {  	[smem:$0x3FB7] =	sst s10  }
0x38: {  	s10 =	sld [smem:$0x3FB8]  }
0x39: {  	_ = 	snop;
	(pc) =	sbr.ind lr, $3  }
0x3a: {  	_ = 	snop  }
0x3b: {  	_ = 	snop  }
0x3c: {  	p2 =	seq.s32 s10, $0x1;
	s10 =	sld [smem:$0x3FB7]  }
0x3d: {  	_ =	shalt  }
0x3e: {  	_ =	shalt  }
0x3f: {  	_ =	shalt  }
0x40: {  	_ =	shalt  }
0x41: {  	_ =	shalt  }
0x42: {  	_ =	shalt  }
0x43: {  	_ =	shalt  }
0x44: {  	_ =	shalt  }
0x45: {  	_ =	shalt  }
0x46: {  	_ =	shalt  }
0x47: {  	_ =	shalt  }
0x48: {  	_ =	shalt  }
0x49: {  	_ =	shalt  }
0x4a: {  	_ =	shalt  }
0x4b: {  	_ =	shalt  }
0x4c: {  	_ =	shalt  }
0x4d: {  	_ =	shalt  }
0x4e: {  	_ =	shalt  }
0x4f: {  	_ =	shalt  }
0x50: {  	_ =	shalt  }
0x51: {  	_ =	shalt  }
0x52: {  	_ =	shalt  }
0x53: {  	_ =	shalt  }
0x54: {  	_ =	shalt  }
0x55: {  	_ =	shalt  }
0x56: {  	_ =	shalt  }
0x57: {  	_ =	shalt  }
0x58: {  	_ =	shalt  }
0x59: {  	_ =	shalt  }
0x5a: {  	_ =	shalt  }
0x5b: {  	_ =	shalt  }
0x5c: {  	_ =	shalt  }
0x5d: {  	_ =	shalt  }
0x5e: {  	_ =	shalt  }
0x5f: {  	_ =	shalt  }
0x60: {  	_ =	shalt  }
0x61: {  	_ =	shalt  }
0x62: {  	_ =	shalt  }
0x63: {  	_ =	shalt  }
0x64: {  	_ =	shalt  }
0x65: {  	_ =	shalt  }
0x66: {  	_ =	shalt  }
0x67: {  	_ =	shalt  }
0x68: {  	_ =	shalt  }
0x69: {  	_ =	shalt  }
0x6a: {  	_ =	shalt  }
0x6b: {  	_ =	shalt  }
0x6c: {  	_ =	shalt  }
0x6d: {  	_ =	shalt  }
0x6e: {  	_ =	shalt  }
0x6f: {  	_ =	shalt  }
0x70: {  	_ =	shalt  }
0x71: {  	_ =	shalt  }
0x72: {  	_ =	shalt  }
0x73: {  	_ =	shalt  }
0x74: {  	_ =	shalt  }
0x75: {  	_ =	shalt  }
0x76: {  	_ =	shalt  }
0x77: {  	_ =	shalt  }
0x78: {  	_ =	shalt  }
0x79: {  	_ =	shalt  }
0x7a: {  	_ =	shalt  }
0x7b: {  	_ =	shalt  }
0x7c: {  	_ =	shalt  }
0x7d: {  	_ =	shalt  }
0x7e: {  	_ =	shalt  }
0x7f: {  	_ =	shalt  }
0x80: {  	_ =	shalt  }
0x81: {  	_ =	shalt  }
0x82: {  	_ =	shalt  }
0x83: {  	_ =	shalt  }
0x84: {  	_ =	shalt  }
0x85: {  	_ =	shalt  }
0x86: {  	_ =	shalt  }
0x87: {  	_ =	shalt  }
.Lfunc_end0:
.L_simem_size_0:
called_computation.3_lowered:
.L_overlay_start_0:
0x88: {  	s2 =	sld [smem:$0x3FD9]  }
0x89: {  	s3 =	sld [smem:$0x3FFE];
	_ =	sdelay $0x1  }
0x8a: {  	s1 =	srdreg.scid  }
0x8b: {  	s0 =	sand.u32 $0x1, s1  }
0x8c: {  	s16 =	sshll.u32 s0, $0xA;
	s2 =	sadd.s32 s3, s2  }
0x8d: {  	s2 =	sadd.s32 s2, s16  }
0x8e: {  	[smem:$0x3FC3] =	sst s2  }
0x8f: {  	_ = 	snop  }
0x90: {  	(tm) =	ssettm $0x1  }
0x91: {  	s17 =	sld [smem:$0x3FFB];
	_ =	sdelay $0x3  }
0x92: {  	_ =	strace s17  }
0x93: {  	s2 =	sld [smem:$0x3FFC];
	_ =	sdelay $0x3  }
0x94: {  	_ =	strace s2  }
0x95: {  	s2 =	sld [smem:$0x3FFD];
	_ =	sdelay $0x3  }
0x96: {  	_ =	strace s2  }
0x97: {  	_ =	strace $0x8FFFFFFF  }
0x98: {  	s18 =	sld [smem:$0x3FDB];
	_ =	sdelay $0x1  }
0x99: {  	s19 =	simm.s32 $_scs_section_size  }
0x9a: {  	s4 =	simm.s32 $_size__tile_overlayer_lowered;
	s5 =	simm.s32 $_tile_overlayer_lowered  }
0x9b: {  	s22 =	simm.s32 $0x1BFF;
	s21 =	sshll.u32 s5, $0x1;
	s2 =	sadd.s32 s19, s18  }
0x9c: {  	s6 =	simm.s32 $0x0;
	s20 =	sshll.u32 s4, $0x1;
	s4 =	sadd.s32 s21, s2  }
0x9d: {  	[timem:s6], [sflag:s22] =	dma.local [hbm:s4], s20  }
0x9e: {  	_ =	swait.ge [sflag:s22], s20  }
0x9f: {  	s3 =	ssub.s32 $0x0, s20;
	[sflag:s22] =	ssyncset.done $0x0  }
0xa0: {  	[sflag:s22] =	ssyncadd.s32 s3;
	_ =	sdelay $0x1  }
0xa1: {  	s23 =	simm.s32 $0x1B8B  }
0xa2: {  	_ =	swait.ge [sflag:s23], $0x1  }
0xa3: {  	[sflag:s23] =	ssyncset.done $0x0  }
0xa4: {  	s25 =	simm.s32 $0x1B8E;
	s24 =	sld [smem:$0x3FFE];
	[sflag:s23] =	ssyncadd.s32 $0xFFFFFFFF  }
0xa5: {  	s26 =	simm.s32 $execute0_lowered;
	[smem:$0x3FD2] =	sst s25  }
0xa6: {  	s4 =	sshll.u32 s26, $0x1;
	_ =	strace $0x8000004F;
	[dreg:$0x1] =	wrdreg $0xFFFFFFFF  }
0xa7: {  	s28 =	simm.s32 $_size_execute0_lowered;
	s2 =	sadd.s32 s2, s4;
	[dreg:$0x0] =	wrdreg $0x0  }
0xa8: {  	s4 =	sshll.u32 s28, $0x1;
	[dreg:$0x2] =	wrdreg s2  }
0xa9: {  	[dreg:$0x3] =	wrdreg s4  }
0xaa: {  	[dreg:$0x4] =	wrdreg $0xC0  }
0xab: {  	_ =	task [dreg:s6], $0x5FFFF  }
0xac: {  	[dreg:$0x1] =	wrdreg $0xFFFFFFFF  }
0xad: {  	[dreg:$0x0] =	wrdreg $0x60  }
0xae: {  	[dreg:$0x2] =	wrdreg s24  }
0xaf: {  	[dreg:$0x3] =	wrdreg $0xB7000  }
0xb0: {  	[dreg:$0x4] =	wrdreg $0x9  }
0xb1: {  	_ =	task.clear_ibuf [dreg:s6], $0x5FFFF;
	_ =	strace $0x9000004F  }
0xb2: {  	s29 =	simm.s32 $0x9;
	_ =	strace $0x80000051  }
0xb3: {  	_ =	swait.ge [sflag:s29], $0x1  }
0xb4: {  	[sflag:s29] =	ssyncadd.s32 $0xFFFFFFFF  }
0xb5: {  	_ =	strace $0x90000051  }
0xb6: {  	_ =	sfence  }
0xb7: {  	s30 =	sld [smem:$0x0];
	_ =	sdelay $0x2  }
0xb8: {  	s31 =	sshll.u32 s1, $0xD;
	s1 =	sshrl.u32 s1, $0x2  }
0xb9: {  	s3 =	sand.u32 $0x4000, s31;
	s1 =	sadd.s32 s1, s30  }
0xba: {  	s0 =	sor.u32 s3, s0;
	s1 =	sshll.u32 s1, $0x11  }
0xbb: {  	s0 =	sor.u32 s1, s0  }
0xbc: {  	s0 =	sadd.s32 $0x8F2B, s0  }
0xbd: {  	[sflag:s0] =	ssyncadd.remote.s32 $0x1  }
0xbe: {  	_ =	sfence.sel $0xFFFF  }
0xbf: {  	[dreg:$0x0] =	wrdreg $0xFFFFFFFF;
	(pc) =	sbr.abs _section_cstart, $3  }
0xc0: {  	[dreg:$0x1] =	wrdreg $0xFFFFFFFF  }
0xc1: {  	_ =	task.clear_ibuf [dreg:s6], $0x2FFFF;
	_ =	strace $0x9FFFFFFF  }
0xc2: {  	(tm) =	ssettm $0x7FFFFFFF  }
0xc3: {  	_ =	shalt  }
tec
execute0_lowered:
.L_overlay_start_1:
0x0: {  	(tag) =	ssettag $0x1  }
0x1: {  	s0 =	rddreg [dreg:$0x0]  }
0x2: {  	s2 =	rddreg [dreg:$0x1];
	s3 =	simm.s32 $0x0;
	s11 =	stileid.u32  }
0x3: {  	s1 =	srdreg.scid;
	s24 =	simm.s32 $0x80;
	s25 =	simm.s32 $0x180  }
0x4: {  	s26 =	simm.s32 $0x280;
	s28 =	simm.s32 $0x1;
	s29 =	simm.s32 $0x2  }
0x5: {  	s30 =	simm.s32 $0x3;
	s31 =	simm.s32 $0x0;
	s6 =	smul.u32 $0x14000, s11  }
0x6: {  	[smem:$0x7FF] =	sst s3;
	s1 =	sand.u32 $0x1, s1;
	s9 =	smul.u32 $0x50000, s11  }
0x7: {  	s4 =	sadd.s32 $0x2BA00, s0;
	s5 =	sadd.s32 $0x7C200, s0;
	s16 =	smul.u32 $0x24, s11  }
0x8: {  	s17 =	sshll.u32 s11, $0x6;
	_ =	strace $0x80000050;
	[dreg:$0x3] =	wrdreg s24  }
0x9: {  	s7 =	smul.u32 $0x140000, s1;
	s14 =	ssub.s32 $0x2, s1;
	[dreg:$0x4] =	wrdreg s25  }
0xa: {  	p0 =	seq.s32 s1, $0x0;
	s24 =	simm.s32 $0x3F00;
	[dreg:$0x5] =	wrdreg s26  }
0xb: {  	s25 =	simm.s32 $0x6;
	s26 =	simm.s32 $0x7B00;
	s8 =	sshrl.u32 s6, $0x3  }
0xc: {  	s10 =	sshrl.u32 s14, $0x1;
	s15 =	sshrl.u32 s9, $0x2;
	s9 =	smul.u32 $0x84, s11  }
0xd: {  	s1 =	sadd.s32 $0x840, s16;
	s6 =	sadd.s32 s6, s7;
	s8 =	sadd.s32 s8, s0  }
0xe: {  	s14 =	ssub.s32 s14, s10;
	s15 =	sadd.s32 s15, s2;
	s6 =	sshrl.u32 s6, $0x3  }
0xf: {  	s19 =	sadd.s32 $0x3A00, s8;
	s8 =	sor.u32 $0x1C07, s17;
	s1 =	smov.u32 @p0 s9  }
0x10: {  	s14 =	smax.u32 s14, $0x1;
	s16 =	sshrl.u32 s15, $0x3;
	s17 =	simm.s32 $0x7  }
0x11: {  	s0 =	sadd.s32 s6, s0;
	s6 =	simm.s32 $0x2C;
	s20 =	sor.u32 $0x2, s1  }
0x12: {  	[dreg:$0x6] =	wrdreg s19;
	s6 =	simm.s32 @!p0 $0xC;
	s13 =	sshll.u32 s20, $0x5  }
0x13: {  	s21 =	sshll.u32 s1, $0x5;
	s18 =	smul.u32 $0x3, s6;
	s23 =	sadd.s32 s5, s13  }
0x14: {  	s19 =	simm.s32 $0x200;
	s13 =	sadd.s32 $0x91200, s0;
	[dreg:$0x8] =	wrdreg s23  }
0x15: {  	s23 =	simm.s32 $0x5;
	s9 =	sadd.s32 s1, s18;
	s1 =	sadd.s32 $0x5, s1  }
0x16: {  	s18 =	simm.s32 $0x100;
	s12 =	sadd.s32 $0xFFFFFFFF, s9;
	s9 =	sadd.s32 s5, s21  }
0x17: {  	s21 =	simm.s32 $0x78;
	s12 =	smax.u32 s12, s20;
	s22 =	sadd.s32 $0x20, s9  }
0x18: {  	s20 =	simm.s32 $0x4;
	[dreg:$0x7] =	wrdreg s22;
	s22 =	simm.s32 $0x300  }
.LBB2_1:
0x19: {  	s0 =	rddreg [dreg:$0x6]  }
0x1a: {  	[spmem:s16], [sflag:s8] =	dma.local [hbm:s0], $0x2800  }
0x1b: {  	_ =	swait.ge [sflag:s17], $0x2800  }
0x1c: {  	[sflag:s17] =	ssyncset.done $0x0  }
0x1d: {  	[sflag:s17] =	ssyncadd.s32 $0xFFFFD800  }
0x1e: {  	[bflag:$0x0] =	sbarrier.arrive $0xFFFF  }
0x1f: {  	[tilespmem:s3], [sflag:$0x4] =	stream.linear.gather [hbm4b:s9+s3], $0x100, $0x38;
	[tilespmem:$0x1F700] =	vst v63  }
0x20: {  	s7 =	rddreg [dreg:$0x7]  }
0x21: {  	[tilespmem:s18], [sflag:$0x5] =	stream.linear.gather [hbm4b:s7+s3], $0x100, $0x38;
	[tilespmem:$0x1F700] =	vst v63  }
0x22: {  	s10 =	rddreg [dreg:$0x8]  }
0x23: {  	[tilespmem:s19], [sflag:$0x6] =	stream.linear.gather [hbm4b:s10+s3], $0x100, $0x38;
	[tilespmem:$0x1F700] =	vst v63  }
0x24: {  	_ =	swait.ge [sflag:s20], $0x100  }
0x25: {  	[sflag:s20] =	ssyncset.done $0x0  }
0x26: {  	[sflag:s20] =	ssyncadd.s32 $0xFFFFFF00  }
0x27: {  	[tilespmem:s22], [sflag:$0x1] =	stream.indirect.gather [hbm4b:s4+s21], $0x80, s3, s21, $0xb8;
	[tilespmem:$0x1F700] =	vst v63  }
0x28: {  	_ =	swait.ge [sflag:s23], $0x100  }
0x29: {  	[sflag:s23] =	ssyncset.done $0x0  }
0x2a: {  	[sflag:s23] =	ssyncadd.s32 $0xFFFFFF00  }
0x2b: {  	[tilespmem:s24], [sflag:$0x2] =	stream.indirect.gather [hbm4b:s4+s21], $0x80, s18, s21, $0xb8;
	[tilespmem:$0x1F700] =	vst v63  }
0x2c: {  	_ =	swait.ge [sflag:s25], $0x100  }
0x2d: {  	[sflag:s25] =	ssyncset.done $0x0  }
0x2e: {  	[sflag:s25] =	ssyncadd.s32 $0xFFFFFF00  }
0x2f: {  	[tilespmem:s26], [sflag:$0x3] =	stream.indirect.gather [hbm4b:s4+s21], $0x80, s19, s21, $0xb8;
	[tilespmem:$0x1F700] =	vst v63  }
0x30: {  	s15 =	sadd.s32 $0xFFFFFFFE, s1;
	_ =	swait.ge [sflag:s28], $0x3C00  }
0x31: {  	p0 =	slt.s32 s15, s12;
	s7 =	smov.u32 s12;
	[sflag:s28] =	ssyncset.done $0x0  }
0x32: {  	s7 =	smov.u32 @p0 s15;
	s11 =	rddreg [dreg:$0x3];
	[sflag:s28] =	ssyncadd.s32 $0xFFFFC400  }
0x33: {  	[spmem:s2] =	stream.indirect.scatter.add.f32 [tilespmem:s22], [sflag:$0x7], $0x80, s11, s21, $0xb8;
	[tilespmem:$0x1F700] =	vst v63  }
0x34: {  	s10 =	sshll.u32 s7, $0x5;
	_ =	swait.ge [sflag:s17], $0x3C00  }
0x35: {  	s0 =	sand.u32 $0x1FFFFFE0, s10;
	[sflag:s17] =	ssyncset.done $0x0  }
0x36: {  	s0 =	sadd.s32 s5, s0;
	[sflag:s17] =	ssyncadd.s32 $0xFFFFC400  }
0x37: {  	[tilespmem:s3], [sflag:$0x4] =	stream.linear.gather [hbm4b:s0+s3], $0x100, $0x38;
	[tilespmem:$0x1F700] =	vst v63  }
0x38: {  	_ =	swait.ge [sflag:s20], $0x100  }
0x39: {  	[sflag:s20] =	ssyncset.done $0x0  }
0x3a: {  	[sflag:s20] =	ssyncadd.s32 $0xFFFFFF00  }
0x3b: {  	[tilespmem:s22], [sflag:$0x1] =	stream.indirect.gather [hbm4b:s4+s21], $0x80, s3, s21, $0xb8;
	[tilespmem:$0x1F700] =	vst v63  }
0x3c: {  	s7 =	sadd.s32 $0xFFFFFFFF, s1;
	_ =	swait.ge [sflag:s29], $0x3C00  }
0x3d: {  	s15 =	smov.u32 s12;
	p0 =	slt.s32 s7, s12;
	[sflag:s29] =	ssyncset.done $0x0  }
0x3e: {  	s15 =	smov.u32 @p0 s7;
	s11 =	rddreg [dreg:$0x4];
	[sflag:s29] =	ssyncadd.s32 $0xFFFFC400  }
0x3f: {  	[spmem:s2] =	stream.indirect.scatter.add.f32 [tilespmem:s24], [sflag:$0x7], $0x80, s11, s21, $0xb8;
	[tilespmem:$0x1F700] =	vst v63  }
0x40: {  	s10 =	sshll.u32 s15, $0x5;
	_ =	swait.ge [sflag:s17], $0x3C00  }
0x41: {  	s0 =	sand.u32 $0x1FFFFFE0, s10;
	[sflag:s17] =	ssyncset.done $0x0  }
0x42: {  	s0 =	sadd.s32 s5, s0;
	[sflag:s17] =	ssyncadd.s32 $0xFFFFC400  }
0x43: {  	[tilespmem:s18], [sflag:$0x5] =	stream.linear.gather [hbm4b:s0+s3], $0x100, $0x38;
	[tilespmem:$0x1F700] =	vst v63  }
0x44: {  	_ =	swait.ge [sflag:s23], $0x100  }
0x45: {  	[sflag:s23] =	ssyncset.done $0x0  }
0x46: {  	[sflag:s23] =	ssyncadd.s32 $0xFFFFFF00  }
0x47: {  	[tilespmem:s24], [sflag:$0x2] =	stream.indirect.gather [hbm4b:s4+s21], $0x80, s18, s21, $0xb8;
	[tilespmem:$0x1F700] =	vst v63  }
0x48: {  	_ =	swait.ge [sflag:s30], $0x3C00  }
0x49: {  	p0 =	slt.s32 s1, s12;
	s7 =	smov.u32 s12;
	[sflag:s30] =	ssyncset.done $0x0  }
0x4a: {  	s7 =	smov.u32 @p0 s1;
	s11 =	rddreg [dreg:$0x5];
	[sflag:s30] =	ssyncadd.s32 $0xFFFFC400  }
0x4b: {  	[spmem:s2] =	stream.indirect.scatter.add.f32 [tilespmem:s26], [sflag:$0x7], $0x80, s11, s21, $0xb8;
	[tilespmem:$0x1F700] =	vst v63  }
0x4c: {  	p0 =	sne.s32 s6, $0x1;
	s15 =	sshll.u32 s7, $0x5;
	_ =	swait.ge [sflag:s17], $0x3C00  }
.Ltmp0:
0x4d: {  	s0 =	sand.u32 $0x1FFFFFE0, s15;
	[sflag:s17] =	ssyncset.done $0x0;
	(pc) =	sbr.rel @!p0 .LBB2_3-.Ltmp0, $4  }
0x4e: {  	s0 =	sadd.s32 s5, s0;
	[sflag:s17] =	ssyncadd.s32 $0xFFFFC400  }
0x4f: {  	[tilespmem:s19], [sflag:$0x6] =	stream.linear.gather [hbm4b:s0+s3], $0x100, $0x38;
	[tilespmem:$0x1F700] =	vst v63  }
0x50: {  	_ =	swait.ge [sflag:s25], $0x100  }
0x51: {  	s15 =	smov.u32 s1;
	s0 =	sadd.s32 $0xFFFFFFFF, s6;
	[sflag:s25] =	ssyncset.done $0x0  }
.LBB2_2:
0x52: {  	[sflag:s25] =	ssyncadd.s32 $0xFFFFFF00;
	s15 =	sadd.s32 $0x3, s15  }
0x53: {  	[tilespmem:s26], [sflag:$0x3] =	stream.indirect.gather [hbm4b:s4+s21], $0x80, s19, s21, $0xb8;
	[tilespmem:$0x1F700] =	vst v63  }
0x54: {  	s11 =	sadd.s32 $0xFFFFFFFE, s15;
	_ =	swait.ge [sflag:s28], $0x3C00  }
0x55: {  	s10 =	smov.u32 s12;
	p1 =	slt.s32 s11, s12;
	[sflag:s28] =	ssyncset.done $0x0  }
0x56: {  	s7 =	rddreg [dreg:$0x3];
	s10 =	smov.u32 @p1 s11;
	[sflag:s28] =	ssyncadd.s32 $0xFFFFC400  }
0x57: {  	[spmem:s2] =	stream.indirect.scatter.add.f32 [tilespmem:s22], [sflag:$0x7], $0x80, s7, s21, $0xb8;
	[tilespmem:$0x1F700] =	vst v63  }
0x58: {  	s11 =	sshll.u32 s10, $0x5;
	_ =	swait.ge [sflag:s17], $0x3C00  }
0x59: {  	s7 =	sand.u32 $0x1FFFFFE0, s11;
	[sflag:s17] =	ssyncset.done $0x0  }
0x5a: {  	s7 =	sadd.s32 s5, s7;
	[sflag:s17] =	ssyncadd.s32 $0xFFFFC400  }
0x5b: {  	[tilespmem:s3], [sflag:$0x4] =	stream.linear.gather [hbm4b:s7+s3], $0x100, $0x38;
	[tilespmem:$0x1F700] =	vst v63  }
0x5c: {  	_ =	swait.ge [sflag:s20], $0x100  }
0x5d: {  	[sflag:s20] =	ssyncset.done $0x0  }
0x5e: {  	[sflag:s20] =	ssyncadd.s32 $0xFFFFFF00  }
0x5f: {  	[tilespmem:s22], [sflag:$0x1] =	stream.indirect.gather [hbm4b:s4+s21], $0x80, s3, s21, $0xb8;
	[tilespmem:$0x1F700] =	vst v63  }
0x60: {  	s10 =	sadd.s32 $0xFFFFFFFF, s15;
	_ =	swait.ge [sflag:s29], $0x3C00  }
0x61: {  	p1 =	slt.s32 s10, s12;
	s11 =	smov.u32 s12;
	[sflag:s29] =	ssyncset.done $0x0  }
0x62: {  	s11 =	smov.u32 @p1 s10;
	s7 =	rddreg [dreg:$0x4];
	[sflag:s29] =	ssyncadd.s32 $0xFFFFC400  }
0x63: {  	[spmem:s2] =	stream.indirect.scatter.add.f32 [tilespmem:s24], [sflag:$0x7], $0x80, s7, s21, $0xb8;
	[tilespmem:$0x1F700] =	vst v63  }
0x64: {  	s10 =	sshll.u32 s11, $0x5;
	_ =	swait.ge [sflag:s17], $0x3C00  }
0x65: {  	s7 =	sand.u32 $0x1FFFFFE0, s10;
	[sflag:s17] =	ssyncset.done $0x0  }
0x66: {  	s7 =	sadd.s32 s5, s7;
	[sflag:s17] =	ssyncadd.s32 $0xFFFFC400  }
0x67: {  	[tilespmem:s18], [sflag:$0x5] =	stream.linear.gather [hbm4b:s7+s3], $0x100, $0x38;
	[tilespmem:$0x1F700] =	vst v63  }
0x68: {  	_ =	swait.ge [sflag:s23], $0x100  }
0x69: {  	[sflag:s23] =	ssyncset.done $0x0  }
0x6a: {  	[sflag:s23] =	ssyncadd.s32 $0xFFFFFF00  }
0x6b: {  	[tilespmem:s24], [sflag:$0x2] =	stream.indirect.gather [hbm4b:s4+s21], $0x80, s18, s21, $0xb8;
	[tilespmem:$0x1F700] =	vst v63  }
0x6c: {  	_ =	swait.ge [sflag:s30], $0x3C00  }
0x6d: {  	p1 =	slt.s32 s15, s12;
	s10 =	smov.u32 s12;
	[sflag:s30] =	ssyncset.done $0x0  }
0x6e: {  	s10 =	smov.u32 @p1 s15;
	s11 =	rddreg [dreg:$0x5];
	[sflag:s30] =	ssyncadd.s32 $0xFFFFC400  }
0x6f: {  	[spmem:s2] =	stream.indirect.scatter.add.f32 [tilespmem:s26], [sflag:$0x7], $0x80, s11, s21, $0xb8;
	[tilespmem:$0x1F700] =	vst v63  }
0x70: {  	p0 =	sne.s32 s0, $0x1;
	s11 =	sshll.u32 s10, $0x5;
	_ =	swait.ge [sflag:s17], $0x3C00  }
.Ltmp1:
0x71: {  	s7 =	sand.u32 $0x1FFFFFE0, s11;
	[sflag:s17] =	ssyncset.done $0x0;
	(pc) =	sbr.rel @p0 .LBB2_2-.Ltmp1, $4  }
0x72: {  	s7 =	sadd.s32 s5, s7;
	[sflag:s17] =	ssyncadd.s32 $0xFFFFC400  }
0x73: {  	[tilespmem:s19], [sflag:$0x6] =	stream.linear.gather [hbm4b:s7+s3], $0x100, $0x38;
	[tilespmem:$0x1F700] =	vst v63  }
0x74: {  	_ =	swait.ge [sflag:s25], $0x100  }
0x75: {  	s0 =	sadd.s32 $0xFFFFFFFF, s0;
	[sflag:s25] =	ssyncset.done $0x0  }
.LBB2_3:
0x76: {  	[sflag:s25] =	ssyncadd.s32 $0xFFFFFF00  }
0x77: {  	[tilespmem:s26], [sflag:$0x3] =	stream.indirect.gather [hbm4b:s4+s21], $0x80, s19, s21, $0xb8;
	[tilespmem:$0x1F700] =	vst v63  }
0x78: {  	_ =	swait.ge [sflag:s28], $0x3C00  }
0x79: {  	[sflag:s28] =	ssyncset.done $0x0  }
0x7a: {  	[sflag:s28] =	ssyncadd.s32 $0xFFFFC400  }
0x7b: {  	_ =	swait.ge [sflag:s29], $0x3C00  }
0x7c: {  	[sflag:s29] =	ssyncset.done $0x0  }
0x7d: {  	[sflag:s29] =	ssyncadd.s32 $0xFFFFC400  }
0x7e: {  	_ =	swait.ge [sflag:s30], $0x3C00  }
0x7f: {  	s31 =	sadd.s32 $0x1, s31;
	[sflag:s30] =	ssyncset.done $0x0  }
0x80: {  	p0 =	sne.s32 s31, s14;
	[sflag:s30] =	ssyncadd.s32 $0xFFFFC400  }
.Ltmp2:
0x81: {  	[bflag:$0x0] =	sbarrier.arrive $0xFFFF;
	(pc) =	sbr.rel @p0 .LBB2_1-.Ltmp2, $4  }
0x82: {  	[hbm:s13], [sflag:s8] =	dma.local [spmem:s16], $0x2800  }
0x83: {  	_ =	swait.ge [sflag:s17], $0x2800  }
0x84: {  	[sflag:s17] =	ssyncset.done $0x0  }
0x85: {  	[sflag:s17] =	ssyncadd.s32 $0xFFFFD800  }
0x86: {  	_ =	sfence.sel $0x180000  }
0x87: {  	[bflag:$0x0] =	sbarrier.arrive $0xFFFF  }
0x88: {  	_ =	strace $0x90000050  }
0x89: {  	s0 =	stileid.u32;
	[bflag:$0x2] =	sbarrier.arrive $0xFFFF  }
0x8a: {  	p0 =	sne.s32 s0, $0x0;
	s0 =	rddreg [dreg:$0x2]  }
0x8b: {  	s0 =	sadd.s32 @!p0 $0x100000, s0  }
0x8c: {  	[sflag:s0] =	ssyncadd.tile.s32 @!p0 $0x1;
	_ =	shalt  }
.Lfunc_end2:
_tile_overlayer_lowered:
.L_overlay_start_2:
0x8d: {  	(tag) =	ssettag $0x2  }
0x8e: {  	s0 =	rddreg [dreg:$0x0];
	s2 =	stileid.u32  }
0x8f: {  	s1 =	rddreg [dreg:$0x1];
	p0 =	sne.s32 s2, $0x0  }
0x90: {  	s3 =	rddreg [dreg:$0x2];
	[bflag:$0x3] =	sbarrier.arrive $0xFFFF;
	s2 =	simm.s32 @!p0 $0x1C07  }
0x91: {  	[timem:s3], [sflag:s2] =	dma.local @!p0 [hbm:s0], s1  }
0x92: {  	s0 =	simm.s32 @!p0 $0x7  }
0x93: {  	_ =	swait.ge @!p0 [sflag:s0], s1  }
0x94: {  	s1 =	ssub.s32 @!p0 $0x0, s1;
	[sflag:s0] =	ssyncset.done @!p0 $0x0  }
0x95: {  	[sflag:s0] =	ssyncadd.s32 @!p0 s1  }
0x96: {  	[bflag:$0x3] =	sbarrier.arrive $0xFFFF  }
0x97: {  	_ =	shalt  }

</sc_bundles>
